<compile_context>
chip_gen: v7x
topology: tpu7x:2x2x1
jax: 0.10.2.dev20260603
libtpu: 0.0.44.dev20260713+nightly
codegen_flags: <defaults>
</compile_context>

<pallas_src>
import functools

import jax
import jax.numpy as jnp
from jax import lax
from jax.experimental import pallas as pl
from jax.experimental.pallas import tpu as pltpu
from jax.experimental.pallas import tpu_sc as plsc

VOCAB = 1000000
EMB = 32
DENSE = 32
BATCH = 16384

NC = 2
NS = 16
NW = NC * NS
B_PER_W = BATCH // NW

PACK = 128 // DENSE
V_SUB = 1024
N_SUB = 16
V_BLK = V_SUB * N_SUB
Q = V_SUB // PACK
SH_P = V_SUB.bit_length() - 1
SH_O = Q.bit_length() - 1


def _proj_body(tablet_ref, w_ref, b_ref, out_ref):
    wb = w_ref[...].astype(jnp.bfloat16)
    for u in range(N_SUB):
        res = lax.dot_general(
            tablet_ref[:, u * V_SUB:(u + 1) * V_SUB].astype(jnp.bfloat16),
            wb,
            dimension_numbers=(((0,), (0,)), ((), ())),
            preferred_element_type=jnp.float32,
        ) + b_ref[...]
        out_ref[u * Q:(u + 1) * Q, :] = jnp.concatenate(
            [res[j * Q:(j + 1) * Q, :] for j in range(PACK)], axis=1)


HALF = B_PER_W // 2


def _gather_body(idx_hbm, tw_hbm, out_hbm, idx_s, rows4_v, out_v, sem):
    wid = lax.axis_index("s") * NC + lax.axis_index("c")
    base = wid * B_PER_W
    pltpu.sync_copy(idx_hbm.at[wid], idx_s)

    for h in range(2):
        def issue(g, _, h=h):
            v = idx_s[pl.ds(h * HALF + g * 16, 16)]
            for k in range(16):
                r = v[k]
                p = lax.shift_right_logical(r, SH_P) * Q + (r & (Q - 1))
                pltpu.async_copy(tw_hbm.at[pl.ds(p, 1), :],
                                 rows4_v.at[pl.ds(g * 16 + k, 1), :], sem)
            return ()

        lax.fori_loop(0, HALF // 16, issue, ())
        pltpu.make_async_copy(tw_hbm.at[pl.ds(0, HALF), :], rows4_v, sem).wait()

        def extract(g, _, h=h):
            v = idx_s[pl.ds(h * HALF + g * 16, 16)]
            for k in range(16):
                o = (lax.shift_right_logical(v[k], SH_O) & (PACK - 1)) * DENSE
                i = g * 16 + k
                j = h * HALF + i
                out_v[j, pl.ds(0, 16)] = rows4_v[i, pl.ds(o, 16)]
                out_v[j, pl.ds(16, 16)] = rows4_v[i, pl.ds(o + 16, 16)]
            return ()

        lax.fori_loop(0, HALF // 16, extract, ())

    pltpu.sync_copy(out_v, out_hbm.at[pl.ds(base, B_PER_W)])


_gather = functools.partial(
    pl.kernel,
    mesh=plsc.VectorSubcoreMesh(core_axis_name="c", subcore_axis_name="s"),
    out_type=jax.ShapeDtypeStruct((BATCH, DENSE), jnp.float32),
    scratch_types=[
        pltpu.VMEM((B_PER_W,), jnp.int32),
        pltpu.VMEM((HALF, DENSE * PACK), jnp.float32),
        pltpu.VMEM((B_PER_W, DENSE), jnp.float32),
        pltpu.SemaphoreType.DMA,
    ],
)(_gather_body)


def kernel(indices, table, W, b):
    idx2 = indices.astype(jnp.int32).reshape(NW, B_PER_W)
    tw4 = pl.pallas_call(
        _proj_body,
        grid=(pl.cdiv(VOCAB, V_BLK),),
        in_specs=[
            pl.BlockSpec((EMB, V_BLK), lambda i: (0, i)),
            pl.BlockSpec((EMB, DENSE), lambda i: (0, 0)),
            pl.BlockSpec((1, DENSE), lambda i: (0, 0)),
        ],
        out_specs=pl.BlockSpec((V_BLK // PACK, DENSE * PACK), lambda i: (i, 0)),
        out_shape=jax.ShapeDtypeStruct(
            (pl.cdiv(VOCAB, V_BLK) * (V_BLK // PACK), DENSE * PACK),
            jnp.float32),
    )(table.T, W, b.reshape(1, DENSE))
    return _gather(idx2, tw4)

# --- scband reference (transcript-rebuilt; emitter-appended) ---
"""Pipeline reference for scband-query-model-86388972192332 (READ-ONLY COPY).

The authoritative reference and input builder live on the scoring server;
editing this copy changes nothing except your own understanding.
"""

import jax, jax.numpy as jnp
import numpy as np

VOCAB = 1000000
EMB = 32
DENSE = 32
BATCH = 16384

def setup_inputs(seed: int = 0) -> dict:
    key = jax.random.key(seed)
    k1, k2, k3 = jax.random.split(key, 3)
    indices = jax.random.randint(k1, (BATCH,), 0, VOCAB, dtype=jnp.int64 if jax.config.jax_enable_x64 else jnp.int32)
    table = jax.random.normal(k2, (VOCAB, EMB), dtype=jnp.float32) * 0.05
    W = jax.random.normal(k3, (EMB, DENSE), dtype=jnp.float32) * 0.05
    b = jnp.zeros((DENSE,), dtype=jnp.float32)
    return {"indices": indices, "table": table, "W": W, "b": b}

def reference(indices, table, W, b):
    # UserModel: StringLookup (indices precomputed) -> Embedding lookup -> concat (single tensor, identity)
    emb = jnp.take(table, indices, axis=0)
    feature_embedding = jnp.concatenate([emb], axis=1)
    # QueryModel dense layers: Dense(32), linear activation
    out = feature_embedding @ W + b
    return out

if __name__ == "__main__":
    import jax
    _d = setup_inputs()
    print(jax.jit(kernel)(*tuple(_d.values())))

</pallas_src>

<mosaic_0001>
#map = affine_map<(d0, d1) -> (0, 0)>
module attributes {stable_mosaic.version = 14 : i64} {
  func.func @_gather_body(%arg0: i32, %arg1: i32, %arg2: memref<32x512xi32, #tpu.memory_space<hbm>>, %arg3: memref<253952x128xf32, #tpu.memory_space<hbm>>, %arg4: memref<16384x32xf32, #tpu.memory_space<hbm>>, %arg5: memref<512xi32, #tpu.memory_space<vmem>>, %arg6: memref<256x128xf32, #tpu.memory_space<vmem>>, %arg7: memref<512x32xf32, #tpu.memory_space<vmem>>, %arg8: memref<!tpu.dma_semaphore, #tpu.memory_space<semaphore_mem>>) attributes {dimension_semantics = [#tpu.dimension_semantics<core_parallel>, #tpu.dimension_semantics<subcore_parallel>], iteration_bounds = array<i64: 2, 16>, scalar_prefetch = 0 : i64, scratch_operands = 4 : i64, tpu.core_type = #tpu.core_type<sc_vector_subcore>, window_params = [{transform_indices = #map}, {transform_indices = #map}, {transform_indices = #map}]} {
    %mul3A = arith.constant 2 : i32
    %mul3A_0 = arith.muli %arg1, %mul3A : i32
    %add3A = arith.addi %mul3A_0, %arg0 : i32
    %mul3A_1 = arith.constant 512 : i32
    %mul3A_2 = arith.muli %add3A, %mul3A_1 : i32
    "tpu.region"() ({
      %run_scoped3A = tpu.sem_alloc : memref<!tpu.dma_semaphore, #tpu.memory_space<semaphore_mem>>
      %dma_start3A = arith.constant 0 : i32
      %dma_start3A_33 = tpu.memref_slice %arg2[%add3A, %dma_start3A] : memref<32x512xi32, #tpu.memory_space<hbm>> -> memref<1x512xi32, #tpu.memory_space<hbm>>
      %dma_start3A_34 = tpu.memref_squeeze %dma_start3A_33 : memref<1x512xi32, #tpu.memory_space<hbm>> -> memref<512xi32, #tpu.memory_space<hbm>>
      %dma_start3A_35 = arith.constant 0 : i32
      %dma_start3A_36 = tpu.memref_slice %arg2[%add3A, %dma_start3A_35] : memref<32x512xi32, #tpu.memory_space<hbm>> -> memref<1x512xi32, #tpu.memory_space<hbm>>
      %dma_start3A_37 = tpu.memref_squeeze %dma_start3A_36 : memref<1x512xi32, #tpu.memory_space<hbm>> -> memref<512xi32, #tpu.memory_space<hbm>>
      tpu.enqueue_dma source(%dma_start3A_37 : memref<512xi32, #tpu.memory_space<hbm>>) target(%arg5 : memref<512xi32, #tpu.memory_space<vmem>>) target_semaphore(%run_scoped3A : memref<!tpu.dma_semaphore, #tpu.memory_space<semaphore_mem>>)
      %dma_wait3A_38 = arith.constant 0 : i32
      %dma_wait3A_39 = tpu.memref_slice %arg2[%add3A, %dma_wait3A_38] : memref<32x512xi32, #tpu.memory_space<hbm>> -> memref<1x512xi32, #tpu.memory_space<hbm>>
      %dma_wait3A_40 = tpu.memref_squeeze %dma_wait3A_39 : memref<1x512xi32, #tpu.memory_space<hbm>> -> memref<512xi32, #tpu.memory_space<hbm>>
      %dma_wait3A_41 = arith.constant 0 : i32
      %dma_wait3A_42 = tpu.memref_slice %arg2[%add3A, %dma_wait3A_41] : memref<32x512xi32, #tpu.memory_space<hbm>> -> memref<1x512xi32, #tpu.memory_space<hbm>>
      %dma_wait3A_43 = tpu.memref_squeeze %dma_wait3A_42 : memref<1x512xi32, #tpu.memory_space<hbm>> -> memref<512xi32, #tpu.memory_space<hbm>>
      tpu.wait_dma2 semaphore(%run_scoped3A : memref<!tpu.dma_semaphore, #tpu.memory_space<semaphore_mem>>) src(%dma_wait3A_43 : memref<512xi32, #tpu.memory_space<hbm>>) dst(%arg5 : memref<512xi32, #tpu.memory_space<vmem>>)
      tpu.yield
    }) : () -> ()
    %scan3A = arith.constant 0 : i32
    %scan3A_3 = arith.constant 16 : i32
    %scan3A_4 = arith.addi %scan3A, %scan3A_3 : i32
    %scan3A_5 = arith.constant 1 : i32
    scf.for %scan3A_33 = %scan3A to %scan3A_4 step %scan3A_5  : i32 {
      %mul3A_34 = arith.constant 16 : i32
      %mul3A_35 = arith.muli %scan3A_33, %mul3A_34 : i32
      %add3A_36 = arith.constant 0 : i32
      %add3A_37 = arith.addi %add3A_36, %mul3A_35 : i32
      %get3A = arith.index_cast %add3A_37 : i32 to index
      %get3A_38 = tpu.vector_load %arg5[%get3A] {strides = array<i32>} : memref<512xi32, #tpu.memory_space<vmem>>, vector<16xi32>,
      %get3A_39 = vector.shape_cast %get3A_38 : vector<16xi32> to vector<16xi32>
      %slice3A = vector.extract_strided_slice %get3A_39 {offsets = [0], sizes = [1], strides = [1]} : vector<16xi32> to vector<1xi32>
      %squeeze3A = vector.extract %slice3A[0] : i32 from vector<1xi32>
      %shift_right_logical3A = arith.constant 10 : i32
      %shift_right_logical3A_40 = arith.shrui %squeeze3A, %shift_right_logical3A : i32
      %mul3A_41 = arith.constant 256 : i32
      %mul3A_42 = arith.muli %shift_right_logical3A_40, %mul3A_41 : i32
      %and3A = arith.constant 255 : i32
      %and3A_43 = arith.andi %squeeze3A, %and3A : i32
      %add3A_44 = arith.addi %mul3A_42, %and3A_43 : i32
      %mul3A_45 = arith.constant 16 : i32
      %mul3A_46 = arith.muli %scan3A_33, %mul3A_45 : i32
      %add3A_47 = arith.constant 0 : i32
      %add3A_48 = arith.addi %mul3A_46, %add3A_47 : i32
      %dma_start3A = arith.constant 0 : i32
      %dma_start3A_49 = tpu.memref_slice %arg6[%add3A_48, %dma_start3A] : memref<256x128xf32, #tpu.memory_space<vmem>> -> memref<1x128xf32, #tpu.memory_space<vmem>>
      %dma_start3A_50 = arith.constant 0 : i32
      %dma_start3A_51 = tpu.memref_slice %arg3[%add3A_44, %dma_start3A_50] : memref<253952x128xf32, #tpu.memory_space<hbm>> -> memref<1x128xf32, #tpu.memory_space<hbm>>
      %dma_start3A_52 = arith.constant 0 : i32
      %dma_start3A_53 = tpu.memref_slice %arg6[%add3A_48, %dma_start3A_52] : memref<256x128xf32, #tpu.memory_space<vmem>> -> memref<1x128xf32, #tpu.memory_space<vmem>>
      %dma_start3A_54 = arith.constant 0 : i32
      %dma_start3A_55 = tpu.memref_slice %arg3[%add3A_44, %dma_start3A_54] : memref<253952x128xf32, #tpu.memory_space<hbm>> -> memref<1x128xf32, #tpu.memory_space<hbm>>
      tpu.enqueue_dma source(%dma_start3A_55 : memref<1x128xf32, #tpu.memory_space<hbm>>) target(%dma_start3A_53 : memref<1x128xf32, #tpu.memory_space<vmem>>) target_semaphore(%arg8 : memref<!tpu.dma_semaphore, #tpu.memory_space<semaphore_mem>>)
      %slice3A_56 = vector.extract_strided_slice %get3A_39 {offsets = [1], sizes = [1], strides = [1]} : vector<16xi32> to vector<1xi32>
      %squeeze3A_57 = vector.extract %slice3A_56[0] : i32 from vector<1xi32>
      %shift_right_logical3A_58 = arith.constant 10 : i32
      %shift_right_logical3A_59 = arith.shrui %squeeze3A_57, %shift_right_logical3A_58 : i32
      %mul3A_60 = arith.constant 256 : i32
      %mul3A_61 = arith.muli %shift_right_logical3A_59, %mul3A_60 : i32
      %and3A_62 = arith.constant 255 : i32
      %and3A_63 = arith.andi %squeeze3A_57, %and3A_62 : i32
      %add3A_64 = arith.addi %mul3A_61, %and3A_63 : i32
      %mul3A_65 = arith.constant 16 : i32
      %mul3A_66 = arith.muli %scan3A_33, %mul3A_65 : i32
      %add3A_67 = arith.constant 1 : i32
      %add3A_68 = arith.addi %mul3A_66, %add3A_67 : i32
      %dma_start3A_69 = arith.constant 0 : i32
      %dma_start3A_70 = tpu.memref_slice %arg6[%add3A_68, %dma_start3A_69] : memref<256x128xf32, #tpu.memory_space<vmem>> -> memref<1x128xf32, #tpu.memory_space<vmem>>
      %dma_start3A_71 = arith.constant 0 : i32
      %dma_start3A_72 = tpu.memref_slice %arg3[%add3A_64, %dma_start3A_71] : memref<253952x128xf32, #tpu.memory_space<hbm>> -> memref<1x128xf32, #tpu.memory_space<hbm>>
      %dma_start3A_73 = arith.constant 0 : i32
      %dma_start3A_74 = tpu.memref_slice %arg6[%add3A_68, %dma_start3A_73] : memref<256x128xf32, #tpu.memory_space<vmem>> -> memref<1x128xf32, #tpu.memory_space<vmem>>
      %dma_start3A_75 = arith.constant 0 : i32
      %dma_start3A_76 = tpu.memref_slice %arg3[%add3A_64, %dma_start3A_75] : memref<253952x128xf32, #tpu.memory_space<hbm>> -> memref<1x128xf32, #tpu.memory_space<hbm>>
      tpu.enqueue_dma source(%dma_start3A_76 : memref<1x128xf32, #tpu.memory_space<hbm>>) target(%dma_start3A_74 : memref<1x128xf32, #tpu.memory_space<vmem>>) target_semaphore(%arg8 : memref<!tpu.dma_semaphore, #tpu.memory_space<semaphore_mem>>)
      %slice3A_77 = vector.extract_strided_slice %get3A_39 {offsets = [2], sizes = [1], strides = [1]} : vector<16xi32> to vector<1xi32>
      %squeeze3A_78 = vector.extract %slice3A_77[0] : i32 from vector<1xi32>
      %shift_right_logical3A_79 = arith.constant 10 : i32
      %shift_right_logical3A_80 = arith.shrui %squeeze3A_78, %shift_right_logical3A_79 : i32
      %mul3A_81 = arith.constant 256 : i32
      %mul3A_82 = arith.muli %shift_right_logical3A_80, %mul3A_81 : i32
      %and3A_83 = arith.constant 255 : i32
      %and3A_84 = arith.andi %squeeze3A_78, %and3A_83 : i32
      %add3A_85 = arith.addi %mul3A_82, %and3A_84 : i32
      %mul3A_86 = arith.constant 16 : i32
      %mul3A_87 = arith.muli %scan3A_33, %mul3A_86 : i32
      %add3A_88 = arith.constant 2 : i32
      %add3A_89 = arith.addi %mul3A_87, %add3A_88 : i32
      %dma_start3A_90 = arith.constant 0 : i32
      %dma_start3A_91 = tpu.memref_slice %arg6[%add3A_89, %dma_start3A_90] : memref<256x128xf32, #tpu.memory_space<vmem>> -> memref<1x128xf32, #tpu.memory_space<vmem>>
      %dma_start3A_92 = arith.constant 0 : i32
      %dma_start3A_93 = tpu.memref_slice %arg3[%add3A_85, %dma_start3A_92] : memref<253952x128xf32, #tpu.memory_space<hbm>> -> memref<1x128xf32, #tpu.memory_space<hbm>>
      %dma_start3A_94 = arith.constant 0 : i32
      %dma_start3A_95 = tpu.memref_slice %arg6[%add3A_89, %dma_start3A_94] : memref<256x128xf32, #tpu.memory_space<vmem>> -> memref<1x128xf32, #tpu.memory_space<vmem>>
      %dma_start3A_96 = arith.constant 0 : i32
      %dma_start3A_97 = tpu.memref_slice %arg3[%add3A_85, %dma_start3A_96] : memref<253952x128xf32, #tpu.memory_space<hbm>> -> memref<1x128xf32, #tpu.memory_space<hbm>>
      tpu.enqueue_dma source(%dma_start3A_97 : memref<1x128xf32, #tpu.memory_space<hbm>>) target(%dma_start3A_95 : memref<1x128xf32, #tpu.memory_space<vmem>>) target_semaphore(%arg8 : memref<!tpu.dma_semaphore, #tpu.memory_space<semaphore_mem>>)
      %slice3A_98 = vector.extract_strided_slice %get3A_39 {offsets = [3], sizes = [1], strides = [1]} : vector<16xi32> to vector<1xi32>
      %squeeze3A_99 = vector.extract %slice3A_98[0] : i32 from vector<1xi32>
      %shift_right_logical3A_100 = arith.constant 10 : i32
      %shift_right_logical3A_101 = arith.shrui %squeeze3A_99, %shift_right_logical3A_100 : i32
      %mul3A_102 = arith.constant 256 : i32
      %mul3A_103 = arith.muli %shift_right_logical3A_101, %mul3A_102 : i32
      %and3A_104 = arith.constant 255 : i32
      %and3A_105 = arith.andi %squeeze3A_99, %and3A_104 : i32
      %add3A_106 = arith.addi %mul3A_103, %and3A_105 : i32
      %mul3A_107 = arith.constant 16 : i32
      %mul3A_108 = arith.muli %scan3A_33, %mul3A_107 : i32
      %add3A_109 = arith.constant 3 : i32
      %add3A_110 = arith.addi %mul3A_108, %add3A_109 : i32
      %dma_start3A_111 = arith.constant 0 : i32
      %dma_start3A_112 = tpu.memref_slice %arg6[%add3A_110, %dma_start3A_111] : memref<256x128xf32, #tpu.memory_space<vmem>> -> memref<1x128xf32, #tpu.memory_space<vmem>>
      %dma_start3A_113 = arith.constant 0 : i32
      %dma_start3A_114 = tpu.memref_slice %arg3[%add3A_106, %dma_start3A_113] : memref<253952x128xf32, #tpu.memory_space<hbm>> -> memref<1x128xf32, #tpu.memory_space<hbm>>
      %dma_start3A_115 = arith.constant 0 : i32
      %dma_start3A_116 = tpu.memref_slice %arg6[%add3A_110, %dma_start3A_115] : memref<256x128xf32, #tpu.memory_space<vmem>> -> memref<1x128xf32, #tpu.memory_space<vmem>>
      %dma_start3A_117 = arith.constant 0 : i32
      %dma_start3A_118 = tpu.memref_slice %arg3[%add3A_106, %dma_start3A_117] : memref<253952x128xf32, #tpu.memory_space<hbm>> -> memref<1x128xf32, #tpu.memory_space<hbm>>
      tpu.enqueue_dma source(%dma_start3A_118 : memref<1x128xf32, #tpu.memory_space<hbm>>) target(%dma_start3A_116 : memref<1x128xf32, #tpu.memory_space<vmem>>) target_semaphore(%arg8 : memref<!tpu.dma_semaphore, #tpu.memory_space<semaphore_mem>>)
      %slice3A_119 = vector.extract_strided_slice %get3A_39 {offsets = [4], sizes = [1], strides = [1]} : vector<16xi32> to vector<1xi32>
      %squeeze3A_120 = vector.extract %slice3A_119[0] : i32 from vector<1xi32>
      %shift_right_logical3A_121 = arith.constant 10 : i32
      %shift_right_logical3A_122 = arith.shrui %squeeze3A_120, %shift_right_logical3A_121 : i32
      %mul3A_123 = arith.constant 256 : i32
      %mul3A_124 = arith.muli %shift_right_logical3A_122, %mul3A_123 : i32
      %and3A_125 = arith.constant 255 : i32
      %and3A_126 = arith.andi %squeeze3A_120, %and3A_125 : i32
      %add3A_127 = arith.addi %mul3A_124, %and3A_126 : i32
      %mul3A_128 = arith.constant 16 : i32
      %mul3A_129 = arith.muli %scan3A_33, %mul3A_128 : i32
      %add3A_130 = arith.constant 4 : i32
      %add3A_131 = arith.addi %mul3A_129, %add3A_130 : i32
      %dma_start3A_132 = arith.constant 0 : i32
      %dma_start3A_133 = tpu.memref_slice %arg6[%add3A_131, %dma_start3A_132] : memref<256x128xf32, #tpu.memory_space<vmem>> -> memref<1x128xf32, #tpu.memory_space<vmem>>
      %dma_start3A_134 = arith.constant 0 : i32
      %dma_start3A_135 = tpu.memref_slice %arg3[%add3A_127, %dma_start3A_134] : memref<253952x128xf32, #tpu.memory_space<hbm>> -> memref<1x128xf32, #tpu.memory_space<hbm>>
      %dma_start3A_136 = arith.constant 0 : i32
      %dma_start3A_137 = tpu.memref_slice %arg6[%add3A_131, %dma_start3A_136] : memref<256x128xf32, #tpu.memory_space<vmem>> -> memref<1x128xf32, #tpu.memory_space<vmem>>
      %dma_start3A_138 = arith.constant 0 : i32
      %dma_start3A_139 = tpu.memref_slice %arg3[%add3A_127, %dma_start3A_138] : memref<253952x128xf32, #tpu.memory_space<hbm>> -> memref<1x128xf32, #tpu.memory_space<hbm>>
      tpu.enqueue_dma source(%dma_start3A_139 : memref<1x128xf32, #tpu.memory_space<hbm>>) target(%dma_start3A_137 : memref<1x128xf32, #tpu.memory_space<vmem>>) target_semaphore(%arg8 : memref<!tpu.dma_semaphore, #tpu.memory_space<semaphore_mem>>)
      %slice3A_140 = vector.extract_strided_slice %get3A_39 {offsets = [5], sizes = [1], strides = [1]} : vector<16xi32> to vector<1xi32>
      %squeeze3A_141 = vector.extract %slice3A_140[0] : i32 from vector<1xi32>
      %shift_right_logical3A_142 = arith.constant 10 : i32
      %shift_right_logical3A_143 = arith.shrui %squeeze3A_141, %shift_right_logical3A_142 : i32
      %mul3A_144 = arith.constant 256 : i32
      %mul3A_145 = arith.muli %shift_right_logical3A_143, %mul3A_144 : i32
      %and3A_146 = arith.constant 255 : i32
      %and3A_147 = arith.andi %squeeze3A_141, %and3A_146 : i32
      %add3A_148 = arith.addi %mul3A_145, %and3A_147 : i32
      %mul3A_149 = arith.constant 16 : i32
      %mul3A_150 = arith.muli %scan3A_33, %mul3A_149 : i32
      %add3A_151 = arith.constant 5 : i32
      %add3A_152 = arith.addi %mul3A_150, %add3A_151 : i32
      %dma_start3A_153 = arith.constant 0 : i32
      %dma_start3A_154 = tpu.memref_slice %arg6[%add3A_152, %dma_start3A_153] : memref<256x128xf32, #tpu.memory_space<vmem>> -> memref<1x128xf32, #tpu.memory_space<vmem>>
      %dma_start3A_155 = arith.constant 0 : i32
      %dma_start3A_156 = tpu.memref_slice %arg3[%add3A_148, %dma_start3A_155] : memref<253952x128xf32, #tpu.memory_space<hbm>> -> memref<1x128xf32, #tpu.memory_space<hbm>>
      %dma_start3A_157 = arith.constant 0 : i32
      %dma_start3A_158 = tpu.memref_slice %arg6[%add3A_152, %dma_start3A_157] : memref<256x128xf32, #tpu.memory_space<vmem>> -> memref<1x128xf32, #tpu.memory_space<vmem>>
      %dma_start3A_159 = arith.constant 0 : i32
      %dma_start3A_160 = tpu.memref_slice %arg3[%add3A_148, %dma_start3A_159] : memref<253952x128xf32, #tpu.memory_space<hbm>> -> memref<1x128xf32, #tpu.memory_space<hbm>>
      tpu.enqueue_dma source(%dma_start3A_160 : memref<1x128xf32, #tpu.memory_space<hbm>>) target(%dma_start3A_158 : memref<1x128xf32, #tpu.memory_space<vmem>>) target_semaphore(%arg8 : memref<!tpu.dma_semaphore, #tpu.memory_space<semaphore_mem>>)
      %slice3A_161 = vector.extract_strided_slice %get3A_39 {offsets = [6], sizes = [1], strides = [1]} : vector<16xi32> to vector<1xi32>
      %squeeze3A_162 = vector.extract %slice3A_161[0] : i32 from vector<1xi32>
      %shift_right_logical3A_163 = arith.constant 10 : i32
      %shift_right_logical3A_164 = arith.shrui %squeeze3A_162, %shift_right_logical3A_163 : i32
      %mul3A_165 = arith.constant 256 : i32
      %mul3A_166 = arith.muli %shift_right_logical3A_164, %mul3A_165 : i32
      %and3A_167 = arith.constant 255 : i32
      %and3A_168 = arith.andi %squeeze3A_162, %and3A_167 : i32
      %add3A_169 = arith.addi %mul3A_166, %and3A_168 : i32
      %mul3A_170 = arith.constant 16 : i32
      %mul3A_171 = arith.muli %scan3A_33, %mul3A_170 : i32
      %add3A_172 = arith.constant 6 : i32
      %add3A_173 = arith.addi %mul3A_171, %add3A_172 : i32
      %dma_start3A_174 = arith.constant 0 : i32
      %dma_start3A_175 = tpu.memref_slice %arg6[%add3A_173, %dma_start3A_174] : memref<256x128xf32, #tpu.memory_space<vmem>> -> memref<1x128xf32, #tpu.memory_space<vmem>>
      %dma_start3A_176 = arith.constant 0 : i32
      %dma_start3A_177 = tpu.memref_slice %arg3[%add3A_169, %dma_start3A_176] : memref<253952x128xf32, #tpu.memory_space<hbm>> -> memref<1x128xf32, #tpu.memory_space<hbm>>
      %dma_start3A_178 = arith.constant 0 : i32
      %dma_start3A_179 = tpu.memref_slice %arg6[%add3A_173, %dma_start3A_178] : memref<256x128xf32, #tpu.memory_space<vmem>> -> memref<1x128xf32, #tpu.memory_space<vmem>>
      %dma_start3A_180 = arith.constant 0 : i32
      %dma_start3A_181 = tpu.memref_slice %arg3[%add3A_169, %dma_start3A_180] : memref<253952x128xf32, #tpu.memory_space<hbm>> -> memref<1x128xf32, #tpu.memory_space<hbm>>
      tpu.enqueue_dma source(%dma_start3A_181 : memref<1x128xf32, #tpu.memory_space<hbm>>) target(%dma_start3A_179 : memref<1x128xf32, #tpu.memory_space<vmem>>) target_semaphore(%arg8 : memref<!tpu.dma_semaphore, #tpu.memory_space<semaphore_mem>>)
      %slice3A_182 = vector.extract_strided_slice %get3A_39 {offsets = [7], sizes = [1], strides = [1]} : vector<16xi32> to vector<1xi32>
      %squeeze3A_183 = vector.extract %slice3A_182[0] : i32 from vector<1xi32>
      %shift_right_logical3A_184 = arith.constant 10 : i32
      %shift_right_logical3A_185 = arith.shrui %squeeze3A_183, %shift_right_logical3A_184 : i32
      %mul3A_186 = arith.constant 256 : i32
      %mul3A_187 = arith.muli %shift_right_logical3A_185, %mul3A_186 : i32
      %and3A_188 = arith.constant 255 : i32
      %and3A_189 = arith.andi %squeeze3A_183, %and3A_188 : i32
      %add3A_190 = arith.addi %mul3A_187, %and3A_189 : i32
      %mul3A_191 = arith.constant 16 : i32
      %mul3A_192 = arith.muli %scan3A_33, %mul3A_191 : i32
      %add3A_193 = arith.constant 7 : i32
      %add3A_194 = arith.addi %mul3A_192, %add3A_193 : i32
      %dma_start3A_195 = arith.constant 0 : i32
      %dma_start3A_196 = tpu.memref_slice %arg6[%add3A_194, %dma_start3A_195] : memref<256x128xf32, #tpu.memory_space<vmem>> -> memref<1x128xf32, #tpu.memory_space<vmem>>
      %dma_start3A_197 = arith.constant 0 : i32
      %dma_start3A_198 = tpu.memref_slice %arg3[%add3A_190, %dma_start3A_197] : memref<253952x128xf32, #tpu.memory_space<hbm>> -> memref<1x128xf32, #tpu.memory_space<hbm>>
      %dma_start3A_199 = arith.constant 0 : i32
      %dma_start3A_200 = tpu.memref_slice %arg6[%add3A_194, %dma_start3A_199] : memref<256x128xf32, #tpu.memory_space<vmem>> -> memref<1x128xf32, #tpu.memory_space<vmem>>
      %dma_start3A_201 = arith.constant 0 : i32
      %dma_start3A_202 = tpu.memref_slice %arg3[%add3A_190, %dma_start3A_201] : memref<253952x128xf32, #tpu.memory_space<hbm>> -> memref<1x128xf32, #tpu.memory_space<hbm>>
      tpu.enqueue_dma source(%dma_start3A_202 : memref<1x128xf32, #tpu.memory_space<hbm>>) target(%dma_start3A_200 : memref<1x128xf32, #tpu.memory_space<vmem>>) target_semaphore(%arg8 : memref<!tpu.dma_semaphore, #tpu.memory_space<semaphore_mem>>)
      %slice3A_203 = vector.extract_strided_slice %get3A_39 {offsets = [8], sizes = [1], strides = [1]} : vector<16xi32> to vector<1xi32>
      %squeeze3A_204 = vector.extract %slice3A_203[0] : i32 from vector<1xi32>
      %shift_right_logical3A_205 = arith.constant 10 : i32
      %shift_right_logical3A_206 = arith.shrui %squeeze3A_204, %shift_right_logical3A_205 : i32
      %mul3A_207 = arith.constant 256 : i32
      %mul3A_208 = arith.muli %shift_right_logical3A_206, %mul3A_207 : i32
      %and3A_209 = arith.constant 255 : i32
      %and3A_210 = arith.andi %squeeze3A_204, %and3A_209 : i32
      %add3A_211 = arith.addi %mul3A_208, %and3A_210 : i32
      %mul3A_212 = arith.constant 16 : i32
      %mul3A_213 = arith.muli %scan3A_33, %mul3A_212 : i32
      %add3A_214 = arith.constant 8 : i32
      %add3A_215 = arith.addi %mul3A_213, %add3A_214 : i32
      %dma_start3A_216 = arith.constant 0 : i32
      %dma_start3A_217 = tpu.memref_slice %arg6[%add3A_215, %dma_start3A_216] : memref<256x128xf32, #tpu.memory_space<vmem>> -> memref<1x128xf32, #tpu.memory_space<vmem>>
      %dma_start3A_218 = arith.constant 0 : i32
      %dma_start3A_219 = tpu.memref_slice %arg3[%add3A_211, %dma_start3A_218] : memref<253952x128xf32, #tpu.memory_space<hbm>> -> memref<1x128xf32, #tpu.memory_space<hbm>>
      %dma_start3A_220 = arith.constant 0 : i32
      %dma_start3A_221 = tpu.memref_slice %arg6[%add3A_215, %dma_start3A_220] : memref<256x128xf32, #tpu.memory_space<vmem>> -> memref<1x128xf32, #tpu.memory_space<vmem>>
      %dma_start3A_222 = arith.constant 0 : i32
      %dma_start3A_223 = tpu.memref_slice %arg3[%add3A_211, %dma_start3A_222] : memref<253952x128xf32, #tpu.memory_space<hbm>> -> memref<1x128xf32, #tpu.memory_space<hbm>>
      tpu.enqueue_dma source(%dma_start3A_223 : memref<1x128xf32, #tpu.memory_space<hbm>>) target(%dma_start3A_221 : memref<1x128xf32, #tpu.memory_space<vmem>>) target_semaphore(%arg8 : memref<!tpu.dma_semaphore, #tpu.memory_space<semaphore_mem>>)
      %slice3A_224 = vector.extract_strided_slice %get3A_39 {offsets = [9], sizes = [1], strides = [1]} : vector<16xi32> to vector<1xi32>
      %squeeze3A_225 = vector.extract %slice3A_224[0] : i32 from vector<1xi32>
      %shift_right_logical3A_226 = arith.constant 10 : i32
      %shift_right_logical3A_227 = arith.shrui %squeeze3A_225, %shift_right_logical3A_226 : i32
      %mul3A_228 = arith.constant 256 : i32
      %mul3A_229 = arith.muli %shift_right_logical3A_227, %mul3A_228 : i32
      %and3A_230 = arith.constant 255 : i32
      %and3A_231 = arith.andi %squeeze3A_225, %and3A_230 : i32
      %add3A_232 = arith.addi %mul3A_229, %and3A_231 : i32
      %mul3A_233 = arith.constant 16 : i32
      %mul3A_234 = arith.muli %scan3A_33, %mul3A_233 : i32
      %add3A_235 = arith.constant 9 : i32
      %add3A_236 = arith.addi %mul3A_234, %add3A_235 : i32
      %dma_start3A_237 = arith.constant 0 : i32
      %dma_start3A_238 = tpu.memref_slice %arg6[%add3A_236, %dma_start3A_237] : memref<256x128xf32, #tpu.memory_space<vmem>> -> memref<1x128xf32, #tpu.memory_space<vmem>>
      %dma_start3A_239 = arith.constant 0 : i32
      %dma_start3A_240 = tpu.memref_slice %arg3[%add3A_232, %dma_start3A_239] : memref<253952x128xf32, #tpu.memory_space<hbm>> -> memref<1x128xf32, #tpu.memory_space<hbm>>
      %dma_start3A_241 = arith.constant 0 : i32
      %dma_start3A_242 = tpu.memref_slice %arg6[%add3A_236, %dma_start3A_241] : memref<256x128xf32, #tpu.memory_space<vmem>> -> memref<1x128xf32, #tpu.memory_space<vmem>>
      %dma_start3A_243 = arith.constant 0 : i32
      %dma_start3A_244 = tpu.memref_slice %arg3[%add3A_232, %dma_start3A_243] : memref<253952x128xf32, #tpu.memory_space<hbm>> -> memref<1x128xf32, #tpu.memory_space<hbm>>
      tpu.enqueue_dma source(%dma_start3A_244 : memref<1x128xf32, #tpu.memory_space<hbm>>) target(%dma_start3A_242 : memref<1x128xf32, #tpu.memory_space<vmem>>) target_semaphore(%arg8 : memref<!tpu.dma_semaphore, #tpu.memory_space<semaphore_mem>>)
      %slice3A_245 = vector.extract_strided_slice %get3A_39 {offsets = [10], sizes = [1], strides = [1]} : vector<16xi32> to vector<1xi32>
      %squeeze3A_246 = vector.extract %slice3A_245[0] : i32 from vector<1xi32>
      %shift_right_logical3A_247 = arith.constant 10 : i32
      %shift_right_logical3A_248 = arith.shrui %squeeze3A_246, %shift_right_logical3A_247 : i32
      %mul3A_249 = arith.constant 256 : i32
      %mul3A_250 = arith.muli %shift_right_logical3A_248, %mul3A_249 : i32
      %and3A_251 = arith.constant 255 : i32
      %and3A_252 = arith.andi %squeeze3A_246, %and3A_251 : i32
      %add3A_253 = arith.addi %mul3A_250, %and3A_252 : i32
      %mul3A_254 = arith.constant 16 : i32
      %mul3A_255 = arith.muli %scan3A_33, %mul3A_254 : i32
      %add3A_256 = arith.constant 10 : i32
      %add3A_257 = arith.addi %mul3A_255, %add3A_256 : i32
      %dma_start3A_258 = arith.constant 0 : i32
      %dma_start3A_259 = tpu.memref_slice %arg6[%add3A_257, %dma_start3A_258] : memref<256x128xf32, #tpu.memory_space<vmem>> -> memref<1x128xf32, #tpu.memory_space<vmem>>
      %dma_start3A_260 = arith.constant 0 : i32
      %dma_start3A_261 = tpu.memref_slice %arg3[%add3A_253, %dma_start3A_260] : memref<253952x128xf32, #tpu.memory_space<hbm>> -> memref<1x128xf32, #tpu.memory_space<hbm>>
      %dma_start3A_262 = arith.constant 0 : i32
      %dma_start3A_263 = tpu.memref_slice %arg6[%add3A_257, %dma_start3A_262] : memref<256x128xf32, #tpu.memory_space<vmem>> -> memref<1x128xf32, #tpu.memory_space<vmem>>
      %dma_start3A_264 = arith.constant 0 : i32
      %dma_start3A_265 = tpu.memref_slice %arg3[%add3A_253, %dma_start3A_264] : memref<253952x128xf32, #tpu.memory_space<hbm>> -> memref<1x128xf32, #tpu.memory_space<hbm>>
      tpu.enqueue_dma source(%dma_start3A_265 : memref<1x128xf32, #tpu.memory_space<hbm>>) target(%dma_start3A_263 : memref<1x128xf32, #tpu.memory_space<vmem>>) target_semaphore(%arg8 : memref<!tpu.dma_semaphore, #tpu.memory_space<semaphore_mem>>)
      %slice3A_266 = vector.extract_strided_slice %get3A_39 {offsets = [11], sizes = [1], strides = [1]} : vector<16xi32> to vector<1xi32>
      %squeeze3A_267 = vector.extract %slice3A_266[0] : i32 from vector<1xi32>
      %shift_right_logical3A_268 = arith.constant 10 : i32
      %shift_right_logical3A_269 = arith.shrui %squeeze3A_267, %shift_right_logical3A_268 : i32
      %mul3A_270 = arith.constant 256 : i32
      %mul3A_271 = arith.muli %shift_right_logical3A_269, %mul3A_270 : i32
      %and3A_272 = arith.constant 255 : i32
      %and3A_273 = arith.andi %squeeze3A_267, %and3A_272 : i32
      %add3A_274 = arith.addi %mul3A_271, %and3A_273 : i32
      %mul3A_275 = arith.constant 16 : i32
      %mul3A_276 = arith.muli %scan3A_33, %mul3A_275 : i32
      %add3A_277 = arith.constant 11 : i32
      %add3A_278 = arith.addi %mul3A_276, %add3A_277 : i32
      %dma_start3A_279 = arith.constant 0 : i32
      %dma_start3A_280 = tpu.memref_slice %arg6[%add3A_278, %dma_start3A_279] : memref<256x128xf32, #tpu.memory_space<vmem>> -> memref<1x128xf32, #tpu.memory_space<vmem>>
      %dma_start3A_281 = arith.constant 0 : i32
      %dma_start3A_282 = tpu.memref_slice %arg3[%add3A_274, %dma_start3A_281] : memref<253952x128xf32, #tpu.memory_space<hbm>> -> memref<1x128xf32, #tpu.memory_space<hbm>>
      %dma_start3A_283 = arith.constant 0 : i32
      %dma_start3A_284 = tpu.memref_slice %arg6[%add3A_278, %dma_start3A_283] : memref<256x128xf32, #tpu.memory_space<vmem>> -> memref<1x128xf32, #tpu.memory_space<vmem>>
      %dma_start3A_285 = arith.constant 0 : i32
      %dma_start3A_286 = tpu.memref_slice %arg3[%add3A_274, %dma_start3A_285] : memref<253952x128xf32, #tpu.memory_space<hbm>> -> memref<1x128xf32, #tpu.memory_space<hbm>>
      tpu.enqueue_dma source(%dma_start3A_286 : memref<1x128xf32, #tpu.memory_space<hbm>>) target(%dma_start3A_284 : memref<1x128xf32, #tpu.memory_space<vmem>>) target_semaphore(%arg8 : memref<!tpu.dma_semaphore, #tpu.memory_space<semaphore_mem>>)
      %slice3A_287 = vector.extract_strided_slice %get3A_39 {offsets = [12], sizes = [1], strides = [1]} : vector<16xi32> to vector<1xi32>
      %squeeze3A_288 = vector.extract %slice3A_287[0] : i32 from vector<1xi32>
      %shift_right_logical3A_289 = arith.constant 10 : i32
      %shift_right_logical3A_290 = arith.shrui %squeeze3A_288, %shift_right_logical3A_289 : i32
      %mul3A_291 = arith.constant 256 : i32
      %mul3A_292 = arith.muli %shift_right_logical3A_290, %mul3A_291 : i32
      %and3A_293 = arith.constant 255 : i32
      %and3A_294 = arith.andi %squeeze3A_288, %and3A_293 : i32
      %add3A_295 = arith.addi %mul3A_292, %and3A_294 : i32
      %mul3A_296 = arith.constant 16 : i32
      %mul3A_297 = arith.muli %scan3A_33, %mul3A_296 : i32
      %add3A_298 = arith.constant 12 : i32
      %add3A_299 = arith.addi %mul3A_297, %add3A_298 : i32
      %dma_start3A_300 = arith.constant 0 : i32
      %dma_start3A_301 = tpu.memref_slice %arg6[%add3A_299, %dma_start3A_300] : memref<256x128xf32, #tpu.memory_space<vmem>> -> memref<1x128xf32, #tpu.memory_space<vmem>>
      %dma_start3A_302 = arith.constant 0 : i32
      %dma_start3A_303 = tpu.memref_slice %arg3[%add3A_295, %dma_start3A_302] : memref<253952x128xf32, #tpu.memory_space<hbm>> -> memref<1x128xf32, #tpu.memory_space<hbm>>
      %dma_start3A_304 = arith.constant 0 : i32
      %dma_start3A_305 = tpu.memref_slice %arg6[%add3A_299, %dma_start3A_304] : memref<256x128xf32, #tpu.memory_space<vmem>> -> memref<1x128xf32, #tpu.memory_space<vmem>>
      %dma_start3A_306 = arith.constant 0 : i32
      %dma_start3A_307 = tpu.memref_slice %arg3[%add3A_295, %dma_start3A_306] : memref<253952x128xf32, #tpu.memory_space<hbm>> -> memref<1x128xf32, #tpu.memory_space<hbm>>
      tpu.enqueue_dma source(%dma_start3A_307 : memref<1x128xf32, #tpu.memory_space<hbm>>) target(%dma_start3A_305 : memref<1x128xf32, #tpu.memory_space<vmem>>) target_semaphore(%arg8 : memref<!tpu.dma_semaphore, #tpu.memory_space<semaphore_mem>>)
      %slice3A_308 = vector.extract_strided_slice %get3A_39 {offsets = [13], sizes = [1], strides = [1]} : vector<16xi32> to vector<1xi32>
      %squeeze3A_309 = vector.extract %slice3A_308[0] : i32 from vector<1xi32>
      %shift_right_logical3A_310 = arith.constant 10 : i32
      %shift_right_logical3A_311 = arith.shrui %squeeze3A_309, %shift_right_logical3A_310 : i32
      %mul3A_312 = arith.constant 256 : i32
      %mul3A_313 = arith.muli %shift_right_logical3A_311, %mul3A_312 : i32
      %and3A_314 = arith.constant 255 : i32
      %and3A_315 = arith.andi %squeeze3A_309, %and3A_314 : i32
      %add3A_316 = arith.addi %mul3A_313, %and3A_315 : i32
      %mul3A_317 = arith.constant 16 : i32
      %mul3A_318 = arith.muli %scan3A_33, %mul3A_317 : i32
      %add3A_319 = arith.constant 13 : i32
      %add3A_320 = arith.addi %mul3A_318, %add3A_319 : i32
      %dma_start3A_321 = arith.constant 0 : i32
      %dma_start3A_322 = tpu.memref_slice %arg6[%add3A_320, %dma_start3A_321] : memref<256x128xf32, #tpu.memory_space<vmem>> -> memref<1x128xf32, #tpu.memory_space<vmem>>
      %dma_start3A_323 = arith.constant 0 : i32
      %dma_start3A_324 = tpu.memref_slice %arg3[%add3A_316, %dma_start3A_323] : memref<253952x128xf32, #tpu.memory_space<hbm>> -> memref<1x128xf32, #tpu.memory_space<hbm>>
      %dma_start3A_325 = arith.constant 0 : i32
      %dma_start3A_326 = tpu.memref_slice %arg6[%add3A_320, %dma_start3A_325] : memref<256x128xf32, #tpu.memory_space<vmem>> -> memref<1x128xf32, #tpu.memory_space<vmem>>
      %dma_start3A_327 = arith.constant 0 : i32
      %dma_start3A_328 = tpu.memref_slice %arg3[%add3A_316, %dma_start3A_327] : memref<253952x128xf32, #tpu.memory_space<hbm>> -> memref<1x128xf32, #tpu.memory_space<hbm>>
      tpu.enqueue_dma source(%dma_start3A_328 : memref<1x128xf32, #tpu.memory_space<hbm>>) target(%dma_start3A_326 : memref<1x128xf32, #tpu.memory_space<vmem>>) target_semaphore(%arg8 : memref<!tpu.dma_semaphore, #tpu.memory_space<semaphore_mem>>)
      %slice3A_329 = vector.extract_strided_slice %get3A_39 {offsets = [14], sizes = [1], strides = [1]} : vector<16xi32> to vector<1xi32>
      %squeeze3A_330 = vector.extract %slice3A_329[0] : i32 from vector<1xi32>
      %shift_right_logical3A_331 = arith.constant 10 : i32
      %shift_right_logical3A_332 = arith.shrui %squeeze3A_330, %shift_right_logical3A_331 : i32
      %mul3A_333 = arith.constant 256 : i32
      %mul3A_334 = arith.muli %shift_right_logical3A_332, %mul3A_333 : i32
      %and3A_335 = arith.constant 255 : i32
      %and3A_336 = arith.andi %squeeze3A_330, %and3A_335 : i32
      %add3A_337 = arith.addi %mul3A_334, %and3A_336 : i32
      %mul3A_338 = arith.constant 16 : i32
      %mul3A_339 = arith.muli %scan3A_33, %mul3A_338 : i32
      %add3A_340 = arith.constant 14 : i32
      %add3A_341 = arith.addi %mul3A_339, %add3A_340 : i32
      %dma_start3A_342 = arith.constant 0 : i32
      %dma_start3A_343 = tpu.memref_slice %arg6[%add3A_341, %dma_start3A_342] : memref<256x128xf32, #tpu.memory_space<vmem>> -> memref<1x128xf32, #tpu.memory_space<vmem>>
      %dma_start3A_344 = arith.constant 0 : i32
      %dma_start3A_345 = tpu.memref_slice %arg3[%add3A_337, %dma_start3A_344] : memref<253952x128xf32, #tpu.memory_space<hbm>> -> memref<1x128xf32, #tpu.memory_space<hbm>>
      %dma_start3A_346 = arith.constant 0 : i32
      %dma_start3A_347 = tpu.memref_slice %arg6[%add3A_341, %dma_start3A_346] : memref<256x128xf32, #tpu.memory_space<vmem>> -> memref<1x128xf32, #tpu.memory_space<vmem>>
      %dma_start3A_348 = arith.constant 0 : i32
      %dma_start3A_349 = tpu.memref_slice %arg3[%add3A_337, %dma_start3A_348] : memref<253952x128xf32, #tpu.memory_space<hbm>> -> memref<1x128xf32, #tpu.memory_space<hbm>>
      tpu.enqueue_dma source(%dma_start3A_349 : memref<1x128xf32, #tpu.memory_space<hbm>>) target(%dma_start3A_347 : memref<1x128xf32, #tpu.memory_space<vmem>>) target_semaphore(%arg8 : memref<!tpu.dma_semaphore, #tpu.memory_space<semaphore_mem>>)
      %slice3A_350 = vector.extract_strided_slice %get3A_39 {offsets = [15], sizes = [1], strides = [1]} : vector<16xi32> to vector<1xi32>
      %squeeze3A_351 = vector.extract %slice3A_350[0] : i32 from vector<1xi32>
      %shift_right_logical3A_352 = arith.constant 10 : i32
      %shift_right_logical3A_353 = arith.shrui %squeeze3A_351, %shift_right_logical3A_352 : i32
      %mul3A_354 = arith.constant 256 : i32
      %mul3A_355 = arith.muli %shift_right_logical3A_353, %mul3A_354 : i32
      %and3A_356 = arith.constant 255 : i32
      %and3A_357 = arith.andi %squeeze3A_351, %and3A_356 : i32
      %add3A_358 = arith.addi %mul3A_355, %and3A_357 : i32
      %mul3A_359 = arith.constant 16 : i32
      %mul3A_360 = arith.muli %scan3A_33, %mul3A_359 : i32
      %add3A_361 = arith.constant 15 : i32
      %add3A_362 = arith.addi %mul3A_360, %add3A_361 : i32
      %dma_start3A_363 = arith.constant 0 : i32
      %dma_start3A_364 = tpu.memref_slice %arg6[%add3A_362, %dma_start3A_363] : memref<256x128xf32, #tpu.memory_space<vmem>> -> memref<1x128xf32, #tpu.memory_space<vmem>>
      %dma_start3A_365 = arith.constant 0 : i32
      %dma_start3A_366 = tpu.memref_slice %arg3[%add3A_358, %dma_start3A_365] : memref<253952x128xf32, #tpu.memory_space<hbm>> -> memref<1x128xf32, #tpu.memory_space<hbm>>
      %dma_start3A_367 = arith.constant 0 : i32
      %dma_start3A_368 = tpu.memref_slice %arg6[%add3A_362, %dma_start3A_367] : memref<256x128xf32, #tpu.memory_space<vmem>> -> memref<1x128xf32, #tpu.memory_space<vmem>>
      %dma_start3A_369 = arith.constant 0 : i32
      %dma_start3A_370 = tpu.memref_slice %arg3[%add3A_358, %dma_start3A_369] : memref<253952x128xf32, #tpu.memory_space<hbm>> -> memref<1x128xf32, #tpu.memory_space<hbm>>
      tpu.enqueue_dma source(%dma_start3A_370 : memref<1x128xf32, #tpu.memory_space<hbm>>) target(%dma_start3A_368 : memref<1x128xf32, #tpu.memory_space<vmem>>) target_semaphore(%arg8 : memref<!tpu.dma_semaphore, #tpu.memory_space<semaphore_mem>>)
    }
    %scan3A_6 = arith.constant 16 : i32
    %dma_wait3A = arith.constant 0 : i32
    %dma_wait3A_7 = arith.constant 0 : i32
    %dma_wait3A_8 = tpu.memref_slice %arg3[%dma_wait3A, %dma_wait3A_7] : memref<253952x128xf32, #tpu.memory_space<hbm>> -> memref<256x128xf32, #tpu.memory_space<hbm>>
    %dma_wait3A_9 = arith.constant 0 : i32
    %dma_wait3A_10 = arith.constant 0 : i32
    %dma_wait3A_11 = tpu.memref_slice %arg3[%dma_wait3A_9, %dma_wait3A_10] : memref<253952x128xf32, #tpu.memory_space<hbm>> -> memref<256x128xf32, #tpu.memory_space<hbm>>
    tpu.wait_dma2 semaphore(%arg8 : memref<!tpu.dma_semaphore, #tpu.memory_space<semaphore_mem>>) src(%dma_wait3A_11 : memref<256x128xf32, #tpu.memory_space<hbm>>) dst(%arg6 : memref<256x128xf32, #tpu.memory_space<vmem>>)
    %scan3A_12 = arith.constant 0 : i32
    %scan3A_13 = arith.constant 16 : i32
    %scan3A_14 = arith.addi %scan3A_12, %scan3A_13 : i32
    %scan3A_15 = arith.constant 1 : i32
    scf.for %scan3A_33 = %scan3A_12 to %scan3A_14 step %scan3A_15  : i32 {
      %mul3A_34 = arith.constant 16 : i32
      %mul3A_35 = arith.muli %scan3A_33, %mul3A_34 : i32
      %add3A_36 = arith.constant 0 : i32
      %add3A_37 = arith.addi %add3A_36, %mul3A_35 : i32
      %get3A = arith.index_cast %add3A_37 : i32 to index
      %get3A_38 = tpu.vector_load %arg5[%get3A] {strides = array<i32>} : memref<512xi32, #tpu.memory_space<vmem>>, vector<16xi32>,
      %get3A_39 = vector.shape_cast %get3A_38 : vector<16xi32> to vector<16xi32>
      %slice3A = vector.extract_strided_slice %get3A_39 {offsets = [0], sizes = [1], strides = [1]} : vector<16xi32> to vector<1xi32>
      %squeeze3A = vector.extract %slice3A[0] : i32 from vector<1xi32>
      %shift_right_logical3A = arith.constant 8 : i32
      %shift_right_logical3A_40 = arith.shrui %squeeze3A, %shift_right_logical3A : i32
      %and3A = arith.constant 3 : i32
      %and3A_41 = arith.andi %shift_right_logical3A_40, %and3A : i32
      %mul3A_42 = arith.constant 32 : i32
      %mul3A_43 = arith.muli %and3A_41, %mul3A_42 : i32
      %mul3A_44 = arith.constant 16 : i32
      %mul3A_45 = arith.muli %scan3A_33, %mul3A_44 : i32
      %add3A_46 = arith.constant 0 : i32
      %add3A_47 = arith.addi %mul3A_45, %add3A_46 : i32
      %add3A_48 = arith.constant 0 : i32
      %add3A_49 = arith.addi %add3A_48, %add3A_47 : i32
      %get3A_50 = arith.index_cast %add3A_47 : i32 to index
      %get3A_51 = arith.index_cast %mul3A_43 : i32 to index
      %get3A_52 = tpu.vector_load %arg6[%get3A_50, %get3A_51] {strides = array<i32>} : memref<256x128xf32, #tpu.memory_space<vmem>>, vector<1x16xf32>,
      %get3A_53 = vector.shape_cast %get3A_52 : vector<1x16xf32> to vector<16xf32>
      %swap3A = arith.index_cast %add3A_49 : i32 to index
      %swap3A_54 = arith.constant 0 : index
      %swap3A_55 = tpu.vector_load %arg7[%swap3A, %swap3A_54] {strides = array<i32>} : memref<512x32xf32, #tpu.memory_space<vmem>>, vector<1x16xf32>,
      %swap3A_56 = vector.shape_cast %swap3A_55 : vector<1x16xf32> to vector<16xf32>
      %swap3A_57 = vector.shape_cast %get3A_53 : vector<16xf32> to vector<1x16xf32>
      tpu.vector_store %arg7[%swap3A, %swap3A_54], %swap3A_57 {strides = array<i32>} : memref<512x32xf32, #tpu.memory_space<vmem>>, vector<1x16xf32>,
      %add3A_58 = arith.constant 16 : i32
      %add3A_59 = arith.addi %mul3A_43, %add3A_58 : i32
      %get3A_60 = arith.index_cast %add3A_47 : i32 to index
      %get3A_61 = arith.index_cast %add3A_59 : i32 to index
      %get3A_62 = tpu.vector_load %arg6[%get3A_60, %get3A_61] {strides = array<i32>} : memref<256x128xf32, #tpu.memory_space<vmem>>, vector<1x16xf32>,
      %get3A_63 = vector.shape_cast %get3A_62 : vector<1x16xf32> to vector<16xf32>
      %swap3A_64 = arith.index_cast %add3A_49 : i32 to index
      %swap3A_65 = arith.constant 16 : index
      %swap3A_66 = tpu.vector_load %arg7[%swap3A_64, %swap3A_65] {strides = array<i32>} : memref<512x32xf32, #tpu.memory_space<vmem>>, vector<1x16xf32>,
      %swap3A_67 = vector.shape_cast %swap3A_66 : vector<1x16xf32> to vector<16xf32>
      %swap3A_68 = vector.shape_cast %get3A_63 : vector<16xf32> to vector<1x16xf32>
      tpu.vector_store %arg7[%swap3A_64, %swap3A_65], %swap3A_68 {strides = array<i32>} : memref<512x32xf32, #tpu.memory_space<vmem>>, vector<1x16xf32>,
      %slice3A_69 = vector.extract_strided_slice %get3A_39 {offsets = [1], sizes = [1], strides = [1]} : vector<16xi32> to vector<1xi32>
      %squeeze3A_70 = vector.extract %slice3A_69[0] : i32 from vector<1xi32>
      %shift_right_logical3A_71 = arith.constant 8 : i32
      %shift_right_logical3A_72 = arith.shrui %squeeze3A_70, %shift_right_logical3A_71 : i32
      %and3A_73 = arith.constant 3 : i32
      %and3A_74 = arith.andi %shift_right_logical3A_72, %and3A_73 : i32
      %mul3A_75 = arith.constant 32 : i32
      %mul3A_76 = arith.muli %and3A_74, %mul3A_75 : i32
      %mul3A_77 = arith.constant 16 : i32
      %mul3A_78 = arith.muli %scan3A_33, %mul3A_77 : i32
      %add3A_79 = arith.constant 1 : i32
      %add3A_80 = arith.addi %mul3A_78, %add3A_79 : i32
      %add3A_81 = arith.constant 0 : i32
      %add3A_82 = arith.addi %add3A_81, %add3A_80 : i32
      %get3A_83 = arith.index_cast %add3A_80 : i32 to index
      %get3A_84 = arith.index_cast %mul3A_76 : i32 to index
      %get3A_85 = tpu.vector_load %arg6[%get3A_83, %get3A_84] {strides = array<i32>} : memref<256x128xf32, #tpu.memory_space<vmem>>, vector<1x16xf32>,
      %get3A_86 = vector.shape_cast %get3A_85 : vector<1x16xf32> to vector<16xf32>
      %swap3A_87 = arith.index_cast %add3A_82 : i32 to index
      %swap3A_88 = arith.constant 0 : index
      %swap3A_89 = tpu.vector_load %arg7[%swap3A_87, %swap3A_88] {strides = array<i32>} : memref<512x32xf32, #tpu.memory_space<vmem>>, vector<1x16xf32>,
      %swap3A_90 = vector.shape_cast %swap3A_89 : vector<1x16xf32> to vector<16xf32>
      %swap3A_91 = vector.shape_cast %get3A_86 : vector<16xf32> to vector<1x16xf32>
      tpu.vector_store %arg7[%swap3A_87, %swap3A_88], %swap3A_91 {strides = array<i32>} : memref<512x32xf32, #tpu.memory_space<vmem>>, vector<1x16xf32>,
      %add3A_92 = arith.constant 16 : i32
      %add3A_93 = arith.addi %mul3A_76, %add3A_92 : i32
      %get3A_94 = arith.index_cast %add3A_80 : i32 to index
      %get3A_95 = arith.index_cast %add3A_93 : i32 to index
      %get3A_96 = tpu.vector_load %arg6[%get3A_94, %get3A_95] {strides = array<i32>} : memref<256x128xf32, #tpu.memory_space<vmem>>, vector<1x16xf32>,
      %get3A_97 = vector.shape_cast %get3A_96 : vector<1x16xf32> to vector<16xf32>
      %swap3A_98 = arith.index_cast %add3A_82 : i32 to index
      %swap3A_99 = arith.constant 16 : index
      %swap3A_100 = tpu.vector_load %arg7[%swap3A_98, %swap3A_99] {strides = array<i32>} : memref<512x32xf32, #tpu.memory_space<vmem>>, vector<1x16xf32>,
      %swap3A_101 = vector.shape_cast %swap3A_100 : vector<1x16xf32> to vector<16xf32>
      %swap3A_102 = vector.shape_cast %get3A_97 : vector<16xf32> to vector<1x16xf32>
      tpu.vector_store %arg7[%swap3A_98, %swap3A_99], %swap3A_102 {strides = array<i32>} : memref<512x32xf32, #tpu.memory_space<vmem>>, vector<1x16xf32>,
      %slice3A_103 = vector.extract_strided_slice %get3A_39 {offsets = [2], sizes = [1], strides = [1]} : vector<16xi32> to vector<1xi32>
      %squeeze3A_104 = vector.extract %slice3A_103[0] : i32 from vector<1xi32>
      %shift_right_logical3A_105 = arith.constant 8 : i32
      %shift_right_logical3A_106 = arith.shrui %squeeze3A_104, %shift_right_logical3A_105 : i32
      %and3A_107 = arith.constant 3 : i32
      %and3A_108 = arith.andi %shift_right_logical3A_106, %and3A_107 : i32
      %mul3A_109 = arith.constant 32 : i32
      %mul3A_110 = arith.muli %and3A_108, %mul3A_109 : i32
      %mul3A_111 = arith.constant 16 : i32
      %mul3A_112 = arith.muli %scan3A_33, %mul3A_111 : i32
      %add3A_113 = arith.constant 2 : i32
      %add3A_114 = arith.addi %mul3A_112, %add3A_113 : i32
      %add3A_115 = arith.constant 0 : i32
      %add3A_116 = arith.addi %add3A_115, %add3A_114 : i32
      %get3A_117 = arith.index_cast %add3A_114 : i32 to index
      %get3A_118 = arith.index_cast %mul3A_110 : i32 to index
      %get3A_119 = tpu.vector_load %arg6[%get3A_117, %get3A_118] {strides = array<i32>} : memref<256x128xf32, #tpu.memory_space<vmem>>, vector<1x16xf32>,
      %get3A_120 = vector.shape_cast %get3A_119 : vector<1x16xf32> to vector<16xf32>
      %swap3A_121 = arith.index_cast %add3A_116 : i32 to index
      %swap3A_122 = arith.constant 0 : index
      %swap3A_123 = tpu.vector_load %arg7[%swap3A_121, %swap3A_122] {strides = array<i32>} : memref<512x32xf32, #tpu.memory_space<vmem>>, vector<1x16xf32>,
      %swap3A_124 = vector.shape_cast %swap3A_123 : vector<1x16xf32> to vector<16xf32>
      %swap3A_125 = vector.shape_cast %get3A_120 : vector<16xf32> to vector<1x16xf32>
      tpu.vector_store %arg7[%swap3A_121, %swap3A_122], %swap3A_125 {strides = array<i32>} : memref<512x32xf32, #tpu.memory_space<vmem>>, vector<1x16xf32>,
      %add3A_126 = arith.constant 16 : i32
      %add3A_127 = arith.addi %mul3A_110, %add3A_126 : i32
      %get3A_128 = arith.index_cast %add3A_114 : i32 to index
      %get3A_129 = arith.index_cast %add3A_127 : i32 to index
      %get3A_130 = tpu.vector_load %arg6[%get3A_128, %get3A_129] {strides = array<i32>} : memref<256x128xf32, #tpu.memory_space<vmem>>, vector<1x16xf32>,
      %get3A_131 = vector.shape_cast %get3A_130 : vector<1x16xf32> to vector<16xf32>
      %swap3A_132 = arith.index_cast %add3A_116 : i32 to index
      %swap3A_133 = arith.constant 16 : index
      %swap3A_134 = tpu.vector_load %arg7[%swap3A_132, %swap3A_133] {strides = array<i32>} : memref<512x32xf32, #tpu.memory_space<vmem>>, vector<1x16xf32>,
      %swap3A_135 = vector.shape_cast %swap3A_134 : vector<1x16xf32> to vector<16xf32>
      %swap3A_136 = vector.shape_cast %get3A_131 : vector<16xf32> to vector<1x16xf32>
      tpu.vector_store %arg7[%swap3A_132, %swap3A_133], %swap3A_136 {strides = array<i32>} : memref<512x32xf32, #tpu.memory_space<vmem>>, vector<1x16xf32>,
      %slice3A_137 = vector.extract_strided_slice %get3A_39 {offsets = [3], sizes = [1], strides = [1]} : vector<16xi32> to vector<1xi32>
      %squeeze3A_138 = vector.extract %slice3A_137[0] : i32 from vector<1xi32>
      %shift_right_logical3A_139 = arith.constant 8 : i32
      %shift_right_logical3A_140 = arith.shrui %squeeze3A_138, %shift_right_logical3A_139 : i32
      %and3A_141 = arith.constant 3 : i32
      %and3A_142 = arith.andi %shift_right_logical3A_140, %and3A_141 : i32
      %mul3A_143 = arith.constant 32 : i32
      %mul3A_144 = arith.muli %and3A_142, %mul3A_143 : i32
      %mul3A_145 = arith.constant 16 : i32
      %mul3A_146 = arith.muli %scan3A_33, %mul3A_145 : i32
      %add3A_147 = arith.constant 3 : i32
      %add3A_148 = arith.addi %mul3A_146, %add3A_147 : i32
      %add3A_149 = arith.constant 0 : i32
      %add3A_150 = arith.addi %add3A_149, %add3A_148 : i32
      %get3A_151 = arith.index_cast %add3A_148 : i32 to index
      %get3A_152 = arith.index_cast %mul3A_144 : i32 to index
      %get3A_153 = tpu.vector_load %arg6[%get3A_151, %get3A_152] {strides = array<i32>} : memref<256x128xf32, #tpu.memory_space<vmem>>, vector<1x16xf32>,
      %get3A_154 = vector.shape_cast %get3A_153 : vector<1x16xf32> to vector<16xf32>
      %swap3A_155 = arith.index_cast %add3A_150 : i32 to index
      %swap3A_156 = arith.constant 0 : index
      %swap3A_157 = tpu.vector_load %arg7[%swap3A_155, %swap3A_156] {strides = array<i32>} : memref<512x32xf32, #tpu.memory_space<vmem>>, vector<1x16xf32>,
      %swap3A_158 = vector.shape_cast %swap3A_157 : vector<1x16xf32> to vector<16xf32>
      %swap3A_159 = vector.shape_cast %get3A_154 : vector<16xf32> to vector<1x16xf32>
      tpu.vector_store %arg7[%swap3A_155, %swap3A_156], %swap3A_159 {strides = array<i32>} : memref<512x32xf32, #tpu.memory_space<vmem>>, vector<1x16xf32>,
      %add3A_160 = arith.constant 16 : i32
      %add3A_161 = arith.addi %mul3A_144, %add3A_160 : i32
      %get3A_162 = arith.index_cast %add3A_148 : i32 to index
      %get3A_163 = arith.index_cast %add3A_161 : i32 to index
      %get3A_164 = tpu.vector_load %arg6[%get3A_162, %get3A_163] {strides = array<i32>} : memref<256x128xf32, #tpu.memory_space<vmem>>, vector<1x16xf32>,
      %get3A_165 = vector.shape_cast %get3A_164 : vector<1x16xf32> to vector<16xf32>
      %swap3A_166 = arith.index_cast %add3A_150 : i32 to index
      %swap3A_167 = arith.constant 16 : index
      %swap3A_168 = tpu.vector_load %arg7[%swap3A_166, %swap3A_167] {strides = array<i32>} : memref<512x32xf32, #tpu.memory_space<vmem>>, vector<1x16xf32>,
      %swap3A_169 = vector.shape_cast %swap3A_168 : vector<1x16xf32> to vector<16xf32>
      %swap3A_170 = vector.shape_cast %get3A_165 : vector<16xf32> to vector<1x16xf32>
      tpu.vector_store %arg7[%swap3A_166, %swap3A_167], %swap3A_170 {strides = array<i32>} : memref<512x32xf32, #tpu.memory_space<vmem>>, vector<1x16xf32>,
      %slice3A_171 = vector.extract_strided_slice %get3A_39 {offsets = [4], sizes = [1], strides = [1]} : vector<16xi32> to vector<1xi32>
      %squeeze3A_172 = vector.extract %slice3A_171[0] : i32 from vector<1xi32>
      %shift_right_logical3A_173 = arith.constant 8 : i32
      %shift_right_logical3A_174 = arith.shrui %squeeze3A_172, %shift_right_logical3A_173 : i32
      %and3A_175 = arith.constant 3 : i32
      %and3A_176 = arith.andi %shift_right_logical3A_174, %and3A_175 : i32
      %mul3A_177 = arith.constant 32 : i32
      %mul3A_178 = arith.muli %and3A_176, %mul3A_177 : i32
      %mul3A_179 = arith.constant 16 : i32
      %mul3A_180 = arith.muli %scan3A_33, %mul3A_179 : i32
      %add3A_181 = arith.constant 4 : i32
      %add3A_182 = arith.addi %mul3A_180, %add3A_181 : i32
      %add3A_183 = arith.constant 0 : i32
      %add3A_184 = arith.addi %add3A_183, %add3A_182 : i32
      %get3A_185 = arith.index_cast %add3A_182 : i32 to index
      %get3A_186 = arith.index_cast %mul3A_178 : i32 to index
      %get3A_187 = tpu.vector_load %arg6[%get3A_185, %get3A_186] {strides = array<i32>} : memref<256x128xf32, #tpu.memory_space<vmem>>, vector<1x16xf32>,
      %get3A_188 = vector.shape_cast %get3A_187 : vector<1x16xf32> to vector<16xf32>
      %swap3A_189 = arith.index_cast %add3A_184 : i32 to index
      %swap3A_190 = arith.constant 0 : index
      %swap3A_191 = tpu.vector_load %arg7[%swap3A_189, %swap3A_190] {strides = array<i32>} : memref<512x32xf32, #tpu.memory_space<vmem>>, vector<1x16xf32>,
      %swap3A_192 = vector.shape_cast %swap3A_191 : vector<1x16xf32> to vector<16xf32>
      %swap3A_193 = vector.shape_cast %get3A_188 : vector<16xf32> to vector<1x16xf32>
      tpu.vector_store %arg7[%swap3A_189, %swap3A_190], %swap3A_193 {strides = array<i32>} : memref<512x32xf32, #tpu.memory_space<vmem>>, vector<1x16xf32>,
      %add3A_194 = arith.constant 16 : i32
      %add3A_195 = arith.addi %mul3A_178, %add3A_194 : i32
      %get3A_196 = arith.index_cast %add3A_182 : i32 to index
      %get3A_197 = arith.index_cast %add3A_195 : i32 to index
      %get3A_198 = tpu.vector_load %arg6[%get3A_196, %get3A_197] {strides = array<i32>} : memref<256x128xf32, #tpu.memory_space<vmem>>, vector<1x16xf32>,
      %get3A_199 = vector.shape_cast %get3A_198 : vector<1x16xf32> to vector<16xf32>
      %swap3A_200 = arith.index_cast %add3A_184 : i32 to index
      %swap3A_201 = arith.constant 16 : index
      %swap3A_202 = tpu.vector_load %arg7[%swap3A_200, %swap3A_201] {strides = array<i32>} : memref<512x32xf32, #tpu.memory_space<vmem>>, vector<1x16xf32>,
      %swap3A_203 = vector.shape_cast %swap3A_202 : vector<1x16xf32> to vector<16xf32>
      %swap3A_204 = vector.shape_cast %get3A_199 : vector<16xf32> to vector<1x16xf32>
      tpu.vector_store %arg7[%swap3A_200, %swap3A_201], %swap3A_204 {strides = array<i32>} : memref<512x32xf32, #tpu.memory_space<vmem>>, vector<1x16xf32>,
      %slice3A_205 = vector.extract_strided_slice %get3A_39 {offsets = [5], sizes = [1], strides = [1]} : vector<16xi32> to vector<1xi32>
      %squeeze3A_206 = vector.extract %slice3A_205[0] : i32 from vector<1xi32>
      %shift_right_logical3A_207 = arith.constant 8 : i32
      %shift_right_logical3A_208 = arith.shrui %squeeze3A_206, %shift_right_logical3A_207 : i32
      %and3A_209 = arith.constant 3 : i32
      %and3A_210 = arith.andi %shift_right_logical3A_208, %and3A_209 : i32
      %mul3A_211 = arith.constant 32 : i32
      %mul3A_212 = arith.muli %and3A_210, %mul3A_211 : i32
      %mul3A_213 = arith.constant 16 : i32
      %mul3A_214 = arith.muli %scan3A_33, %mul3A_213 : i32
      %add3A_215 = arith.constant 5 : i32
      %add3A_216 = arith.addi %mul3A_214, %add3A_215 : i32
      %add3A_217 = arith.constant 0 : i32
      %add3A_218 = arith.addi %add3A_217, %add3A_216 : i32
      %get3A_219 = arith.index_cast %add3A_216 : i32 to index
      %get3A_220 = arith.index_cast %mul3A_212 : i32 to index
      %get3A_221 = tpu.vector_load %arg6[%get3A_219, %get3A_220] {strides = array<i32>} : memref<256x128xf32, #tpu.memory_space<vmem>>, vector<1x16xf32>,
      %get3A_222 = vector.shape_cast %get3A_221 : vector<1x16xf32> to vector<16xf32>
      %swap3A_223 = arith.index_cast %add3A_218 : i32 to index
      %swap3A_224 = arith.constant 0 : index
      %swap3A_225 = tpu.vector_load %arg7[%swap3A_223, %swap3A_224] {strides = array<i32>} : memref<512x32xf32, #tpu.memory_space<vmem>>, vector<1x16xf32>,
      %swap3A_226 = vector.shape_cast %swap3A_225 : vector<1x16xf32> to vector<16xf32>
      %swap3A_227 = vector.shape_cast %get3A_222 : vector<16xf32> to vector<1x16xf32>
      tpu.vector_store %arg7[%swap3A_223, %swap3A_224], %swap3A_227 {strides = array<i32>} : memref<512x32xf32, #tpu.memory_space<vmem>>, vector<1x16xf32>,
      %add3A_228 = arith.constant 16 : i32
      %add3A_229 = arith.addi %mul3A_212, %add3A_228 : i32
      %get3A_230 = arith.index_cast %add3A_216 : i32 to index
      %get3A_231 = arith.index_cast %add3A_229 : i32 to index
      %get3A_232 = tpu.vector_load %arg6[%get3A_230, %get3A_231] {strides = array<i32>} : memref<256x128xf32, #tpu.memory_space<vmem>>, vector<1x16xf32>,
      %get3A_233 = vector.shape_cast %get3A_232 : vector<1x16xf32> to vector<16xf32>
      %swap3A_234 = arith.index_cast %add3A_218 : i32 to index
      %swap3A_235 = arith.constant 16 : index
      %swap3A_236 = tpu.vector_load %arg7[%swap3A_234, %swap3A_235] {strides = array<i32>} : memref<512x32xf32, #tpu.memory_space<vmem>>, vector<1x16xf32>,
      %swap3A_237 = vector.shape_cast %swap3A_236 : vector<1x16xf32> to vector<16xf32>
      %swap3A_238 = vector.shape_cast %get3A_233 : vector<16xf32> to vector<1x16xf32>
      tpu.vector_store %arg7[%swap3A_234, %swap3A_235], %swap3A_238 {strides = array<i32>} : memref<512x32xf32, #tpu.memory_space<vmem>>, vector<1x16xf32>,
      %slice3A_239 = vector.extract_strided_slice %get3A_39 {offsets = [6], sizes = [1], strides = [1]} : vector<16xi32> to vector<1xi32>
      %squeeze3A_240 = vector.extract %slice3A_239[0] : i32 from vector<1xi32>
      %shift_right_logical3A_241 = arith.constant 8 : i32
      %shift_right_logical3A_242 = arith.shrui %squeeze3A_240, %shift_right_logical3A_241 : i32
      %and3A_243 = arith.constant 3 : i32
      %and3A_244 = arith.andi %shift_right_logical3A_242, %and3A_243 : i32
      %mul3A_245 = arith.constant 32 : i32
      %mul3A_246 = arith.muli %and3A_244, %mul3A_245 : i32
      %mul3A_247 = arith.constant 16 : i32
      %mul3A_248 = arith.muli %scan3A_33, %mul3A_247 : i32
      %add3A_249 = arith.constant 6 : i32
      %add3A_250 = arith.addi %mul3A_248, %add3A_249 : i32
      %add3A_251 = arith.constant 0 : i32
      %add3A_252 = arith.addi %add3A_251, %add3A_250 : i32
      %get3A_253 = arith.index_cast %add3A_250 : i32 to index
      %get3A_254 = arith.index_cast %mul3A_246 : i32 to index
      %get3A_255 = tpu.vector_load %arg6[%get3A_253, %get3A_254] {strides = array<i32>} : memref<256x128xf32, #tpu.memory_space<vmem>>, vector<1x16xf32>,
      %get3A_256 = vector.shape_cast %get3A_255 : vector<1x16xf32> to vector<16xf32>
      %swap3A_257 = arith.index_cast %add3A_252 : i32 to index
      %swap3A_258 = arith.constant 0 : index
      %swap3A_259 = tpu.vector_load %arg7[%swap3A_257, %swap3A_258] {strides = array<i32>} : memref<512x32xf32, #tpu.memory_space<vmem>>, vector<1x16xf32>,
      %swap3A_260 = vector.shape_cast %swap3A_259 : vector<1x16xf32> to vector<16xf32>
      %swap3A_261 = vector.shape_cast %get3A_256 : vector<16xf32> to vector<1x16xf32>
      tpu.vector_store %arg7[%swap3A_257, %swap3A_258], %swap3A_261 {strides = array<i32>} : memref<512x32xf32, #tpu.memory_space<vmem>>, vector<1x16xf32>,
      %add3A_262 = arith.constant 16 : i32
      %add3A_263 = arith.addi %mul3A_246, %add3A_262 : i32
      %get3A_264 = arith.index_cast %add3A_250 : i32 to index
      %get3A_265 = arith.index_cast %add3A_263 : i32 to index
      %get3A_266 = tpu.vector_load %arg6[%get3A_264, %get3A_265] {strides = array<i32>} : memref<256x128xf32, #tpu.memory_space<vmem>>, vector<1x16xf32>,
      %get3A_267 = vector.shape_cast %get3A_266 : vector<1x16xf32> to vector<16xf32>
      %swap3A_268 = arith.index_cast %add3A_252 : i32 to index
      %swap3A_269 = arith.constant 16 : index
      %swap3A_270 = tpu.vector_load %arg7[%swap3A_268, %swap3A_269] {strides = array<i32>} : memref<512x32xf32, #tpu.memory_space<vmem>>, vector<1x16xf32>,
      %swap3A_271 = vector.shape_cast %swap3A_270 : vector<1x16xf32> to vector<16xf32>
      %swap3A_272 = vector.shape_cast %get3A_267 : vector<16xf32> to vector<1x16xf32>
      tpu.vector_store %arg7[%swap3A_268, %swap3A_269], %swap3A_272 {strides = array<i32>} : memref<512x32xf32, #tpu.memory_space<vmem>>, vector<1x16xf32>,
      %slice3A_273 = vector.extract_strided_slice %get3A_39 {offsets = [7], sizes = [1], strides = [1]} : vector<16xi32> to vector<1xi32>
      %squeeze3A_274 = vector.extract %slice3A_273[0] : i32 from vector<1xi32>
      %shift_right_logical3A_275 = arith.constant 8 : i32
      %shift_right_logical3A_276 = arith.shrui %squeeze3A_274, %shift_right_logical3A_275 : i32
      %and3A_277 = arith.constant 3 : i32
      %and3A_278 = arith.andi %shift_right_logical3A_276, %and3A_277 : i32
      %mul3A_279 = arith.constant 32 : i32
      %mul3A_280 = arith.muli %and3A_278, %mul3A_279 : i32
      %mul3A_281 = arith.constant 16 : i32
      %mul3A_282 = arith.muli %scan3A_33, %mul3A_281 : i32
      %add3A_283 = arith.constant 7 : i32
      %add3A_284 = arith.addi %mul3A_282, %add3A_283 : i32
      %add3A_285 = arith.constant 0 : i32
      %add3A_286 = arith.addi %add3A_285, %add3A_284 : i32
      %get3A_287 = arith.index_cast %add3A_284 : i32 to index
      %get3A_288 = arith.index_cast %mul3A_280 : i32 to index
      %get3A_289 = tpu.vector_load %arg6[%get3A_287, %get3A_288] {strides = array<i32>} : memref<256x128xf32, #tpu.memory_space<vmem>>, vector<1x16xf32>,
      %get3A_290 = vector.shape_cast %get3A_289 : vector<1x16xf32> to vector<16xf32>
      %swap3A_291 = arith.index_cast %add3A_286 : i32 to index
      %swap3A_292 = arith.constant 0 : index
      %swap3A_293 = tpu.vector_load %arg7[%swap3A_291, %swap3A_292] {strides = array<i32>} : memref<512x32xf32, #tpu.memory_space<vmem>>, vector<1x16xf32>,
      %swap3A_294 = vector.shape_cast %swap3A_293 : vector<1x16xf32> to vector<16xf32>
      %swap3A_295 = vector.shape_cast %get3A_290 : vector<16xf32> to vector<1x16xf32>
      tpu.vector_store %arg7[%swap3A_291, %swap3A_292], %swap3A_295 {strides = array<i32>} : memref<512x32xf32, #tpu.memory_space<vmem>>, vector<1x16xf32>,
      %add3A_296 = arith.constant 16 : i32
      %add3A_297 = arith.addi %mul3A_280, %add3A_296 : i32
      %get3A_298 = arith.index_cast %add3A_284 : i32 to index
      %get3A_299 = arith.index_cast %add3A_297 : i32 to index
      %get3A_300 = tpu.vector_load %arg6[%get3A_298, %get3A_299] {strides = array<i32>} : memref<256x128xf32, #tpu.memory_space<vmem>>, vector<1x16xf32>,
      %get3A_301 = vector.shape_cast %get3A_300 : vector<1x16xf32> to vector<16xf32>
      %swap3A_302 = arith.index_cast %add3A_286 : i32 to index
      %swap3A_303 = arith.constant 16 : index
      %swap3A_304 = tpu.vector_load %arg7[%swap3A_302, %swap3A_303] {strides = array<i32>} : memref<512x32xf32, #tpu.memory_space<vmem>>, vector<1x16xf32>,
      %swap3A_305 = vector.shape_cast %swap3A_304 : vector<1x16xf32> to vector<16xf32>
      %swap3A_306 = vector.shape_cast %get3A_301 : vector<16xf32> to vector<1x16xf32>
      tpu.vector_store %arg7[%swap3A_302, %swap3A_303], %swap3A_306 {strides = array<i32>} : memref<512x32xf32, #tpu.memory_space<vmem>>, vector<1x16xf32>,
      %slice3A_307 = vector.extract_strided_slice %get3A_39 {offsets = [8], sizes = [1], strides = [1]} : vector<16xi32> to vector<1xi32>
      %squeeze3A_308 = vector.extract %slice3A_307[0] : i32 from vector<1xi32>
      %shift_right_logical3A_309 = arith.constant 8 : i32
      %shift_right_logical3A_310 = arith.shrui %squeeze3A_308, %shift_right_logical3A_309 : i32
      %and3A_311 = arith.constant 3 : i32
      %and3A_312 = arith.andi %shift_right_logical3A_310, %and3A_311 : i32
      %mul3A_313 = arith.constant 32 : i32
      %mul3A_314 = arith.muli %and3A_312, %mul3A_313 : i32
      %mul3A_315 = arith.constant 16 : i32
      %mul3A_316 = arith.muli %scan3A_33, %mul3A_315 : i32
      %add3A_317 = arith.constant 8 : i32
      %add3A_318 = arith.addi %mul3A_316, %add3A_317 : i32
      %add3A_319 = arith.constant 0 : i32
      %add3A_320 = arith.addi %add3A_319, %add3A_318 : i32
      %get3A_321 = arith.index_cast %add3A_318 : i32 to index
      %get3A_322 = arith.index_cast %mul3A_314 : i32 to index
      %get3A_323 = tpu.vector_load %arg6[%get3A_321, %get3A_322] {strides = array<i32>} : memref<256x128xf32, #tpu.memory_space<vmem>>, vector<1x16xf32>,
      %get3A_324 = vector.shape_cast %get3A_323 : vector<1x16xf32> to vector<16xf32>
      %swap3A_325 = arith.index_cast %add3A_320 : i32 to index
      %swap3A_326 = arith.constant 0 : index
      %swap3A_327 = tpu.vector_load %arg7[%swap3A_325, %swap3A_326] {strides = array<i32>} : memref<512x32xf32, #tpu.memory_space<vmem>>, vector<1x16xf32>,
      %swap3A_328 = vector.shape_cast %swap3A_327 : vector<1x16xf32> to vector<16xf32>
      %swap3A_329 = vector.shape_cast %get3A_324 : vector<16xf32> to vector<1x16xf32>
      tpu.vector_store %arg7[%swap3A_325, %swap3A_326], %swap3A_329 {strides = array<i32>} : memref<512x32xf32, #tpu.memory_space<vmem>>, vector<1x16xf32>,
      %add3A_330 = arith.constant 16 : i32
      %add3A_331 = arith.addi %mul3A_314, %add3A_330 : i32
      %get3A_332 = arith.index_cast %add3A_318 : i32 to index
      %get3A_333 = arith.index_cast %add3A_331 : i32 to index
      %get3A_334 = tpu.vector_load %arg6[%get3A_332, %get3A_333] {strides = array<i32>} : memref<256x128xf32, #tpu.memory_space<vmem>>, vector<1x16xf32>,
      %get3A_335 = vector.shape_cast %get3A_334 : vector<1x16xf32> to vector<16xf32>
      %swap3A_336 = arith.index_cast %add3A_320 : i32 to index
      %swap3A_337 = arith.constant 16 : index
      %swap3A_338 = tpu.vector_load %arg7[%swap3A_336, %swap3A_337] {strides = array<i32>} : memref<512x32xf32, #tpu.memory_space<vmem>>, vector<1x16xf32>,
      %swap3A_339 = vector.shape_cast %swap3A_338 : vector<1x16xf32> to vector<16xf32>
      %swap3A_340 = vector.shape_cast %get3A_335 : vector<16xf32> to vector<1x16xf32>
      tpu.vector_store %arg7[%swap3A_336, %swap3A_337], %swap3A_340 {strides = array<i32>} : memref<512x32xf32, #tpu.memory_space<vmem>>, vector<1x16xf32>,
      %slice3A_341 = vector.extract_strided_slice %get3A_39 {offsets = [9], sizes = [1], strides = [1]} : vector<16xi32> to vector<1xi32>
      %squeeze3A_342 = vector.extract %slice3A_341[0] : i32 from vector<1xi32>
      %shift_right_logical3A_343 = arith.constant 8 : i32
      %shift_right_logical3A_344 = arith.shrui %squeeze3A_342, %shift_right_logical3A_343 : i32
      %and3A_345 = arith.constant 3 : i32
      %and3A_346 = arith.andi %shift_right_logical3A_344, %and3A_345 : i32
      %mul3A_347 = arith.constant 32 : i32
      %mul3A_348 = arith.muli %and3A_346, %mul3A_347 : i32
      %mul3A_349 = arith.constant 16 : i32
      %mul3A_350 = arith.muli %scan3A_33, %mul3A_349 : i32
      %add3A_351 = arith.constant 9 : i32
      %add3A_352 = arith.addi %mul3A_350, %add3A_351 : i32
      %add3A_353 = arith.constant 0 : i32
      %add3A_354 = arith.addi %add3A_353, %add3A_352 : i32
      %get3A_355 = arith.index_cast %add3A_352 : i32 to index
      %get3A_356 = arith.index_cast %mul3A_348 : i32 to index
      %get3A_357 = tpu.vector_load %arg6[%get3A_355, %get3A_356] {strides = array<i32>} : memref<256x128xf32, #tpu.memory_space<vmem>>, vector<1x16xf32>,
      %get3A_358 = vector.shape_cast %get3A_357 : vector<1x16xf32> to vector<16xf32>
      %swap3A_359 = arith.index_cast %add3A_354 : i32 to index
      %swap3A_360 = arith.constant 0 : index
      %swap3A_361 = tpu.vector_load %arg7[%swap3A_359, %swap3A_360] {strides = array<i32>} : memref<512x32xf32, #tpu.memory_space<vmem>>, vector<1x16xf32>,
      %swap3A_362 = vector.shape_cast %swap3A_361 : vector<1x16xf32> to vector<16xf32>
      %swap3A_363 = vector.shape_cast %get3A_358 : vector<16xf32> to vector<1x16xf32>
      tpu.vector_store %arg7[%swap3A_359, %swap3A_360], %swap3A_363 {strides = array<i32>} : memref<512x32xf32, #tpu.memory_space<vmem>>, vector<1x16xf32>,
      %add3A_364 = arith.constant 16 : i32
      %add3A_365 = arith.addi %mul3A_348, %add3A_364 : i32
      %get3A_366 = arith.index_cast %add3A_352 : i32 to index
      %get3A_367 = arith.index_cast %add3A_365 : i32 to index
      %get3A_368 = tpu.vector_load %arg6[%get3A_366, %get3A_367] {strides = array<i32>} : memref<256x128xf32, #tpu.memory_space<vmem>>, vector<1x16xf32>,
      %get3A_369 = vector.shape_cast %get3A_368 : vector<1x16xf32> to vector<16xf32>
      %swap3A_370 = arith.index_cast %add3A_354 : i32 to index
      %swap3A_371 = arith.constant 16 : index
      %swap3A_372 = tpu.vector_load %arg7[%swap3A_370, %swap3A_371] {strides = array<i32>} : memref<512x32xf32, #tpu.memory_space<vmem>>, vector<1x16xf32>,
      %swap3A_373 = vector.shape_cast %swap3A_372 : vector<1x16xf32> to vector<16xf32>
      %swap3A_374 = vector.shape_cast %get3A_369 : vector<16xf32> to vector<1x16xf32>
      tpu.vector_store %arg7[%swap3A_370, %swap3A_371], %swap3A_374 {strides = array<i32>} : memref<512x32xf32, #tpu.memory_space<vmem>>, vector<1x16xf32>,
      %slice3A_375 = vector.extract_strided_slice %get3A_39 {offsets = [10], sizes = [1], strides = [1]} : vector<16xi32> to vector<1xi32>
      %squeeze3A_376 = vector.extract %slice3A_375[0] : i32 from vector<1xi32>
      %shift_right_logical3A_377 = arith.constant 8 : i32
      %shift_right_logical3A_378 = arith.shrui %squeeze3A_376, %shift_right_logical3A_377 : i32
      %and3A_379 = arith.constant 3 : i32
      %and3A_380 = arith.andi %shift_right_logical3A_378, %and3A_379 : i32
      %mul3A_381 = arith.constant 32 : i32
      %mul3A_382 = arith.muli %and3A_380, %mul3A_381 : i32
      %mul3A_383 = arith.constant 16 : i32
      %mul3A_384 = arith.muli %scan3A_33, %mul3A_383 : i32
      %add3A_385 = arith.constant 10 : i32
      %add3A_386 = arith.addi %mul3A_384, %add3A_385 : i32
      %add3A_387 = arith.constant 0 : i32
      %add3A_388 = arith.addi %add3A_387, %add3A_386 : i32
      %get3A_389 = arith.index_cast %add3A_386 : i32 to index
      %get3A_390 = arith.index_cast %mul3A_382 : i32 to index
      %get3A_391 = tpu.vector_load %arg6[%get3A_389, %get3A_390] {strides = array<i32>} : memref<256x128xf32, #tpu.memory_space<vmem>>, vector<1x16xf32>,
      %get3A_392 = vector.shape_cast %get3A_391 : vector<1x16xf32> to vector<16xf32>
      %swap3A_393 = arith.index_cast %add3A_388 : i32 to index
      %swap3A_394 = arith.constant 0 : index
      %swap3A_395 = tpu.vector_load %arg7[%swap3A_393, %swap3A_394] {strides = array<i32>} : memref<512x32xf32, #tpu.memory_space<vmem>>, vector<1x16xf32>,
      %swap3A_396 = vector.shape_cast %swap3A_395 : vector<1x16xf32> to vector<16xf32>
      %swap3A_397 = vector.shape_cast %get3A_392 : vector<16xf32> to vector<1x16xf32>
      tpu.vector_store %arg7[%swap3A_393, %swap3A_394], %swap3A_397 {strides = array<i32>} : memref<512x32xf32, #tpu.memory_space<vmem>>, vector<1x16xf32>,
      %add3A_398 = arith.constant 16 : i32
      %add3A_399 = arith.addi %mul3A_382, %add3A_398 : i32
      %get3A_400 = arith.index_cast %add3A_386 : i32 to index
      %get3A_401 = arith.index_cast %add3A_399 : i32 to index
      %get3A_402 = tpu.vector_load %arg6[%get3A_400, %get3A_401] {strides = array<i32>} : memref<256x128xf32, #tpu.memory_space<vmem>>, vector<1x16xf32>,
      %get3A_403 = vector.shape_cast %get3A_402 : vector<1x16xf32> to vector<16xf32>
      %swap3A_404 = arith.index_cast %add3A_388 : i32 to index
      %swap3A_405 = arith.constant 16 : index
      %swap3A_406 = tpu.vector_load %arg7[%swap3A_404, %swap3A_405] {strides = array<i32>} : memref<512x32xf32, #tpu.memory_space<vmem>>, vector<1x16xf32>,
      %swap3A_407 = vector.shape_cast %swap3A_406 : vector<1x16xf32> to vector<16xf32>
      %swap3A_408 = vector.shape_cast %get3A_403 : vector<16xf32> to vector<1x16xf32>
      tpu.vector_store %arg7[%swap3A_404, %swap3A_405], %swap3A_408 {strides = array<i32>} : memref<512x32xf32, #tpu.memory_space<vmem>>, vector<1x16xf32>,
      %slice3A_409 = vector.extract_strided_slice %get3A_39 {offsets = [11], sizes = [1], strides = [1]} : vector<16xi32> to vector<1xi32>
      %squeeze3A_410 = vector.extract %slice3A_409[0] : i32 from vector<1xi32>
      %shift_right_logical3A_411 = arith.constant 8 : i32
      %shift_right_logical3A_412 = arith.shrui %squeeze3A_410, %shift_right_logical3A_411 : i32
      %and3A_413 = arith.constant 3 : i32
      %and3A_414 = arith.andi %shift_right_logical3A_412, %and3A_413 : i32
      %mul3A_415 = arith.constant 32 : i32
      %mul3A_416 = arith.muli %and3A_414, %mul3A_415 : i32
      %mul3A_417 = arith.constant 16 : i32
      %mul3A_418 = arith.muli %scan3A_33, %mul3A_417 : i32
      %add3A_419 = arith.constant 11 : i32
      %add3A_420 = arith.addi %mul3A_418, %add3A_419 : i32
      %add3A_421 = arith.constant 0 : i32
      %add3A_422 = arith.addi %add3A_421, %add3A_420 : i32
      %get3A_423 = arith.index_cast %add3A_420 : i32 to index
      %get3A_424 = arith.index_cast %mul3A_416 : i32 to index
      %get3A_425 = tpu.vector_load %arg6[%get3A_423, %get3A_424] {strides = array<i32>} : memref<256x128xf32, #tpu.memory_space<vmem>>, vector<1x16xf32>,
      %get3A_426 = vector.shape_cast %get3A_425 : vector<1x16xf32> to vector<16xf32>
      %swap3A_427 = arith.index_cast %add3A_422 : i32 to index
      %swap3A_428 = arith.constant 0 : index
      %swap3A_429 = tpu.vector_load %arg7[%swap3A_427, %swap3A_428] {strides = array<i32>} : memref<512x32xf32, #tpu.memory_space<vmem>>, vector<1x16xf32>,
      %swap3A_430 = vector.shape_cast %swap3A_429 : vector<1x16xf32> to vector<16xf32>
      %swap3A_431 = vector.shape_cast %get3A_426 : vector<16xf32> to vector<1x16xf32>
      tpu.vector_store %arg7[%swap3A_427, %swap3A_428], %swap3A_431 {strides = array<i32>} : memref<512x32xf32, #tpu.memory_space<vmem>>, vector<1x16xf32>,
      %add3A_432 = arith.constant 16 : i32
      %add3A_433 = arith.addi %mul3A_416, %add3A_432 : i32
      %get3A_434 = arith.index_cast %add3A_420 : i32 to index
      %get3A_435 = arith.index_cast %add3A_433 : i32 to index
      %get3A_436 = tpu.vector_load %arg6[%get3A_434, %get3A_435] {strides = array<i32>} : memref<256x128xf32, #tpu.memory_space<vmem>>, vector<1x16xf32>,
      %get3A_437 = vector.shape_cast %get3A_436 : vector<1x16xf32> to vector<16xf32>
      %swap3A_438 = arith.index_cast %add3A_422 : i32 to index
      %swap3A_439 = arith.constant 16 : index
      %swap3A_440 = tpu.vector_load %arg7[%swap3A_438, %swap3A_439] {strides = array<i32>} : memref<512x32xf32, #tpu.memory_space<vmem>>, vector<1x16xf32>,
      %swap3A_441 = vector.shape_cast %swap3A_440 : vector<1x16xf32> to vector<16xf32>
      %swap3A_442 = vector.shape_cast %get3A_437 : vector<16xf32> to vector<1x16xf32>
      tpu.vector_store %arg7[%swap3A_438, %swap3A_439], %swap3A_442 {strides = array<i32>} : memref<512x32xf32, #tpu.memory_space<vmem>>, vector<1x16xf32>,
      %slice3A_443 = vector.extract_strided_slice %get3A_39 {offsets = [12], sizes = [1], strides = [1]} : vector<16xi32> to vector<1xi32>
      %squeeze3A_444 = vector.extract %slice3A_443[0] : i32 from vector<1xi32>
      %shift_right_logical3A_445 = arith.constant 8 : i32
      %shift_right_logical3A_446 = arith.shrui %squeeze3A_444, %shift_right_logical3A_445 : i32
      %and3A_447 = arith.constant 3 : i32
      %and3A_448 = arith.andi %shift_right_logical3A_446, %and3A_447 : i32
      %mul3A_449 = arith.constant 32 : i32
      %mul3A_450 = arith.muli %and3A_448, %mul3A_449 : i32
      %mul3A_451 = arith.constant 16 : i32
      %mul3A_452 = arith.muli %scan3A_33, %mul3A_451 : i32
      %add3A_453 = arith.constant 12 : i32
      %add3A_454 = arith.addi %mul3A_452, %add3A_453 : i32
      %add3A_455 = arith.constant 0 : i32
      %add3A_456 = arith.addi %add3A_455, %add3A_454 : i32
      %get3A_457 = arith.index_cast %add3A_454 : i32 to index
      %get3A_458 = arith.index_cast %mul3A_450 : i32 to index
      %get3A_459 = tpu.vector_load %arg6[%get3A_457, %get3A_458] {strides = array<i32>} : memref<256x128xf32, #tpu.memory_space<vmem>>, vector<1x16xf32>,
      %get3A_460 = vector.shape_cast %get3A_459 : vector<1x16xf32> to vector<16xf32>
      %swap3A_461 = arith.index_cast %add3A_456 : i32 to index
      %swap3A_462 = arith.constant 0 : index
      %swap3A_463 = tpu.vector_load %arg7[%swap3A_461, %swap3A_462] {strides = array<i32>} : memref<512x32xf32, #tpu.memory_space<vmem>>, vector<1x16xf32>,
      %swap3A_464 = vector.shape_cast %swap3A_463 : vector<1x16xf32> to vector<16xf32>
      %swap3A_465 = vector.shape_cast %get3A_460 : vector<16xf32> to vector<1x16xf32>
      tpu.vector_store %arg7[%swap3A_461, %swap3A_462], %swap3A_465 {strides = array<i32>} : memref<512x32xf32, #tpu.memory_space<vmem>>, vector<1x16xf32>,
      %add3A_466 = arith.constant 16 : i32
      %add3A_467 = arith.addi %mul3A_450, %add3A_466 : i32
      %get3A_468 = arith.index_cast %add3A_454 : i32 to index
      %get3A_469 = arith.index_cast %add3A_467 : i32 to index
      %get3A_470 = tpu.vector_load %arg6[%get3A_468, %get3A_469] {strides = array<i32>} : memref<256x128xf32, #tpu.memory_space<vmem>>, vector<1x16xf32>,
      %get3A_471 = vector.shape_cast %get3A_470 : vector<1x16xf32> to vector<16xf32>
      %swap3A_472 = arith.index_cast %add3A_456 : i32 to index
      %swap3A_473 = arith.constant 16 : index
      %swap3A_474 = tpu.vector_load %arg7[%swap3A_472, %swap3A_473] {strides = array<i32>} : memref<512x32xf32, #tpu.memory_space<vmem>>, vector<1x16xf32>,
      %swap3A_475 = vector.shape_cast %swap3A_474 : vector<1x16xf32> to vector<16xf32>
      %swap3A_476 = vector.shape_cast %get3A_471 : vector<16xf32> to vector<1x16xf32>
      tpu.vector_store %arg7[%swap3A_472, %swap3A_473], %swap3A_476 {strides = array<i32>} : memref<512x32xf32, #tpu.memory_space<vmem>>, vector<1x16xf32>,
      %slice3A_477 = vector.extract_strided_slice %get3A_39 {offsets = [13], sizes = [1], strides = [1]} : vector<16xi32> to vector<1xi32>
      %squeeze3A_478 = vector.extract %slice3A_477[0] : i32 from vector<1xi32>
      %shift_right_logical3A_479 = arith.constant 8 : i32
      %shift_right_logical3A_480 = arith.shrui %squeeze3A_478, %shift_right_logical3A_479 : i32
      %and3A_481 = arith.constant 3 : i32
      %and3A_482 = arith.andi %shift_right_logical3A_480, %and3A_481 : i32
      %mul3A_483 = arith.constant 32 : i32
      %mul3A_484 = arith.muli %and3A_482, %mul3A_483 : i32
      %mul3A_485 = arith.constant 16 : i32
      %mul3A_486 = arith.muli %scan3A_33, %mul3A_485 : i32
      %add3A_487 = arith.constant 13 : i32
      %add3A_488 = arith.addi %mul3A_486, %add3A_487 : i32
      %add3A_489 = arith.constant 0 : i32
      %add3A_490 = arith.addi %add3A_489, %add3A_488 : i32
      %get3A_491 = arith.index_cast %add3A_488 : i32 to index
      %get3A_492 = arith.index_cast %mul3A_484 : i32 to index
      %get3A_493 = tpu.vector_load %arg6[%get3A_491, %get3A_492] {strides = array<i32>} : memref<256x128xf32, #tpu.memory_space<vmem>>, vector<1x16xf32>,
      %get3A_494 = vector.shape_cast %get3A_493 : vector<1x16xf32> to vector<16xf32>
      %swap3A_495 = arith.index_cast %add3A_490 : i32 to index
      %swap3A_496 = arith.constant 0 : index
      %swap3A_497 = tpu.vector_load %arg7[%swap3A_495, %swap3A_496] {strides = array<i32>} : memref<512x32xf32, #tpu.memory_space<vmem>>, vector<1x16xf32>,
      %swap3A_498 = vector.shape_cast %swap3A_497 : vector<1x16xf32> to vector<16xf32>
      %swap3A_499 = vector.shape_cast %get3A_494 : vector<16xf32> to vector<1x16xf32>
      tpu.vector_store %arg7[%swap3A_495, %swap3A_496], %swap3A_499 {strides = array<i32>} : memref<512x32xf32, #tpu.memory_space<vmem>>, vector<1x16xf32>,
      %add3A_500 = arith.constant 16 : i32
      %add3A_501 = arith.addi %mul3A_484, %add3A_500 : i32
      %get3A_502 = arith.index_cast %add3A_488 : i32 to index
      %get3A_503 = arith.index_cast %add3A_501 : i32 to index
      %get3A_504 = tpu.vector_load %arg6[%get3A_502, %get3A_503] {strides = array<i32>} : memref<256x128xf32, #tpu.memory_space<vmem>>, vector<1x16xf32>,
      %get3A_505 = vector.shape_cast %get3A_504 : vector<1x16xf32> to vector<16xf32>
      %swap3A_506 = arith.index_cast %add3A_490 : i32 to index
      %swap3A_507 = arith.constant 16 : index
      %swap3A_508 = tpu.vector_load %arg7[%swap3A_506, %swap3A_507] {strides = array<i32>} : memref<512x32xf32, #tpu.memory_space<vmem>>, vector<1x16xf32>,
      %swap3A_509 = vector.shape_cast %swap3A_508 : vector<1x16xf32> to vector<16xf32>
      %swap3A_510 = vector.shape_cast %get3A_505 : vector<16xf32> to vector<1x16xf32>
      tpu.vector_store %arg7[%swap3A_506, %swap3A_507], %swap3A_510 {strides = array<i32>} : memref<512x32xf32, #tpu.memory_space<vmem>>, vector<1x16xf32>,
      %slice3A_511 = vector.extract_strided_slice %get3A_39 {offsets = [14], sizes = [1], strides = [1]} : vector<16xi32> to vector<1xi32>
      %squeeze3A_512 = vector.extract %slice3A_511[0] : i32 from vector<1xi32>
      %shift_right_logical3A_513 = arith.constant 8 : i32
      %shift_right_logical3A_514 = arith.shrui %squeeze3A_512, %shift_right_logical3A_513 : i32
      %and3A_515 = arith.constant 3 : i32
      %and3A_516 = arith.andi %shift_right_logical3A_514, %and3A_515 : i32
      %mul3A_517 = arith.constant 32 : i32
      %mul3A_518 = arith.muli %and3A_516, %mul3A_517 : i32
      %mul3A_519 = arith.constant 16 : i32
      %mul3A_520 = arith.muli %scan3A_33, %mul3A_519 : i32
      %add3A_521 = arith.constant 14 : i32
      %add3A_522 = arith.addi %mul3A_520, %add3A_521 : i32
      %add3A_523 = arith.constant 0 : i32
      %add3A_524 = arith.addi %add3A_523, %add3A_522 : i32
      %get3A_525 = arith.index_cast %add3A_522 : i32 to index
      %get3A_526 = arith.index_cast %mul3A_518 : i32 to index
      %get3A_527 = tpu.vector_load %arg6[%get3A_525, %get3A_526] {strides = array<i32>} : memref<256x128xf32, #tpu.memory_space<vmem>>, vector<1x16xf32>,
      %get3A_528 = vector.shape_cast %get3A_527 : vector<1x16xf32> to vector<16xf32>
      %swap3A_529 = arith.index_cast %add3A_524 : i32 to index
      %swap3A_530 = arith.constant 0 : index
      %swap3A_531 = tpu.vector_load %arg7[%swap3A_529, %swap3A_530] {strides = array<i32>} : memref<512x32xf32, #tpu.memory_space<vmem>>, vector<1x16xf32>,
      %swap3A_532 = vector.shape_cast %swap3A_531 : vector<1x16xf32> to vector<16xf32>
      %swap3A_533 = vector.shape_cast %get3A_528 : vector<16xf32> to vector<1x16xf32>
      tpu.vector_store %arg7[%swap3A_529, %swap3A_530], %swap3A_533 {strides = array<i32>} : memref<512x32xf32, #tpu.memory_space<vmem>>, vector<1x16xf32>,
      %add3A_534 = arith.constant 16 : i32
      %add3A_535 = arith.addi %mul3A_518, %add3A_534 : i32
      %get3A_536 = arith.index_cast %add3A_522 : i32 to index
      %get3A_537 = arith.index_cast %add3A_535 : i32 to index
      %get3A_538 = tpu.vector_load %arg6[%get3A_536, %get3A_537] {strides = array<i32>} : memref<256x128xf32, #tpu.memory_space<vmem>>, vector<1x16xf32>,
      %get3A_539 = vector.shape_cast %get3A_538 : vector<1x16xf32> to vector<16xf32>
      %swap3A_540 = arith.index_cast %add3A_524 : i32 to index
      %swap3A_541 = arith.constant 16 : index
      %swap3A_542 = tpu.vector_load %arg7[%swap3A_540, %swap3A_541] {strides = array<i32>} : memref<512x32xf32, #tpu.memory_space<vmem>>, vector<1x16xf32>,
      %swap3A_543 = vector.shape_cast %swap3A_542 : vector<1x16xf32> to vector<16xf32>
      %swap3A_544 = vector.shape_cast %get3A_539 : vector<16xf32> to vector<1x16xf32>
      tpu.vector_store %arg7[%swap3A_540, %swap3A_541], %swap3A_544 {strides = array<i32>} : memref<512x32xf32, #tpu.memory_space<vmem>>, vector<1x16xf32>,
      %slice3A_545 = vector.extract_strided_slice %get3A_39 {offsets = [15], sizes = [1], strides = [1]} : vector<16xi32> to vector<1xi32>
      %squeeze3A_546 = vector.extract %slice3A_545[0] : i32 from vector<1xi32>
      %shift_right_logical3A_547 = arith.constant 8 : i32
      %shift_right_logical3A_548 = arith.shrui %squeeze3A_546, %shift_right_logical3A_547 : i32
      %and3A_549 = arith.constant 3 : i32
      %and3A_550 = arith.andi %shift_right_logical3A_548, %and3A_549 : i32
      %mul3A_551 = arith.constant 32 : i32
      %mul3A_552 = arith.muli %and3A_550, %mul3A_551 : i32
      %mul3A_553 = arith.constant 16 : i32
      %mul3A_554 = arith.muli %scan3A_33, %mul3A_553 : i32
      %add3A_555 = arith.constant 15 : i32
      %add3A_556 = arith.addi %mul3A_554, %add3A_555 : i32
      %add3A_557 = arith.constant 0 : i32
      %add3A_558 = arith.addi %add3A_557, %add3A_556 : i32
      %get3A_559 = arith.index_cast %add3A_556 : i32 to index
      %get3A_560 = arith.index_cast %mul3A_552 : i32 to index
      %get3A_561 = tpu.vector_load %arg6[%get3A_559, %get3A_560] {strides = array<i32>} : memref<256x128xf32, #tpu.memory_space<vmem>>, vector<1x16xf32>,
      %get3A_562 = vector.shape_cast %get3A_561 : vector<1x16xf32> to vector<16xf32>
      %swap3A_563 = arith.index_cast %add3A_558 : i32 to index
      %swap3A_564 = arith.constant 0 : index
      %swap3A_565 = tpu.vector_load %arg7[%swap3A_563, %swap3A_564] {strides = array<i32>} : memref<512x32xf32, #tpu.memory_space<vmem>>, vector<1x16xf32>,
      %swap3A_566 = vector.shape_cast %swap3A_565 : vector<1x16xf32> to vector<16xf32>
      %swap3A_567 = vector.shape_cast %get3A_562 : vector<16xf32> to vector<1x16xf32>
      tpu.vector_store %arg7[%swap3A_563, %swap3A_564], %swap3A_567 {strides = array<i32>} : memref<512x32xf32, #tpu.memory_space<vmem>>, vector<1x16xf32>,
      %add3A_568 = arith.constant 16 : i32
      %add3A_569 = arith.addi %mul3A_552, %add3A_568 : i32
      %get3A_570 = arith.index_cast %add3A_556 : i32 to index
      %get3A_571 = arith.index_cast %add3A_569 : i32 to index
      %get3A_572 = tpu.vector_load %arg6[%get3A_570, %get3A_571] {strides = array<i32>} : memref<256x128xf32, #tpu.memory_space<vmem>>, vector<1x16xf32>,
      %get3A_573 = vector.shape_cast %get3A_572 : vector<1x16xf32> to vector<16xf32>
      %swap3A_574 = arith.index_cast %add3A_558 : i32 to index
      %swap3A_575 = arith.constant 16 : index
      %swap3A_576 = tpu.vector_load %arg7[%swap3A_574, %swap3A_575] {strides = array<i32>} : memref<512x32xf32, #tpu.memory_space<vmem>>, vector<1x16xf32>,
      %swap3A_577 = vector.shape_cast %swap3A_576 : vector<1x16xf32> to vector<16xf32>
      %swap3A_578 = vector.shape_cast %get3A_573 : vector<16xf32> to vector<1x16xf32>
      tpu.vector_store %arg7[%swap3A_574, %swap3A_575], %swap3A_578 {strides = array<i32>} : memref<512x32xf32, #tpu.memory_space<vmem>>, vector<1x16xf32>,
    }
    %scan3A_16 = arith.constant 16 : i32
    %scan3A_17 = arith.constant 0 : i32
    %scan3A_18 = arith.constant 16 : i32
    %scan3A_19 = arith.addi %scan3A_17, %scan3A_18 : i32
    %scan3A_20 = arith.constant 1 : i32
    scf.for %scan3A_33 = %scan3A_17 to %scan3A_19 step %scan3A_20  : i32 {
      %mul3A_34 = arith.constant 16 : i32
      %mul3A_35 = arith.muli %scan3A_33, %mul3A_34 : i32
      %add3A_36 = arith.constant 256 : i32
      %add3A_37 = arith.addi %add3A_36, %mul3A_35 : i32
      %get3A = arith.index_cast %add3A_37 : i32 to index
      %get3A_38 = tpu.vector_load %arg5[%get3A] {strides = array<i32>} : memref<512xi32, #tpu.memory_space<vmem>>, vector<16xi32>,
      %get3A_39 = vector.shape_cast %get3A_38 : vector<16xi32> to vector<16xi32>
      %slice3A = vector.extract_strided_slice %get3A_39 {offsets = [0], sizes = [1], strides = [1]} : vector<16xi32> to vector<1xi32>
      %squeeze3A = vector.extract %slice3A[0] : i32 from vector<1xi32>
      %shift_right_logical3A = arith.constant 10 : i32
      %shift_right_logical3A_40 = arith.shrui %squeeze3A, %shift_right_logical3A : i32
      %mul3A_41 = arith.constant 256 : i32
      %mul3A_42 = arith.muli %shift_right_logical3A_40, %mul3A_41 : i32
      %and3A = arith.constant 255 : i32
      %and3A_43 = arith.andi %squeeze3A, %and3A : i32
      %add3A_44 = arith.addi %mul3A_42, %and3A_43 : i32
      %mul3A_45 = arith.constant 16 : i32
      %mul3A_46 = arith.muli %scan3A_33, %mul3A_45 : i32
      %add3A_47 = arith.constant 0 : i32
      %add3A_48 = arith.addi %mul3A_46, %add3A_47 : i32
      %dma_start3A = arith.constant 0 : i32
      %dma_start3A_49 = tpu.memref_slice %arg6[%add3A_48, %dma_start3A] : memref<256x128xf32, #tpu.memory_space<vmem>> -> memref<1x128xf32, #tpu.memory_space<vmem>>
      %dma_start3A_50 = arith.constant 0 : i32
      %dma_start3A_51 = tpu.memref_slice %arg3[%add3A_44, %dma_start3A_50] : memref<253952x128xf32, #tpu.memory_space<hbm>> -> memref<1x128xf32, #tpu.memory_space<hbm>>
      %dma_start3A_52 = arith.constant 0 : i32
      %dma_start3A_53 = tpu.memref_slice %arg6[%add3A_48, %dma_start3A_52] : memref<256x128xf32, #tpu.memory_space<vmem>> -> memref<1x128xf32, #tpu.memory_space<vmem>>
      %dma_start3A_54 = arith.constant 0 : i32
      %dma_start3A_55 = tpu.memref_slice %arg3[%add3A_44, %dma_start3A_54] : memref<253952x128xf32, #tpu.memory_space<hbm>> -> memref<1x128xf32, #tpu.memory_space<hbm>>
      tpu.enqueue_dma source(%dma_start3A_55 : memref<1x128xf32, #tpu.memory_space<hbm>>) target(%dma_start3A_53 : memref<1x128xf32, #tpu.memory_space<vmem>>) target_semaphore(%arg8 : memref<!tpu.dma_semaphore, #tpu.memory_space<semaphore_mem>>)
      %slice3A_56 = vector.extract_strided_slice %get3A_39 {offsets = [1], sizes = [1], strides = [1]} : vector<16xi32> to vector<1xi32>
      %squeeze3A_57 = vector.extract %slice3A_56[0] : i32 from vector<1xi32>
      %shift_right_logical3A_58 = arith.constant 10 : i32
      %shift_right_logical3A_59 = arith.shrui %squeeze3A_57, %shift_right_logical3A_58 : i32
      %mul3A_60 = arith.constant 256 : i32
      %mul3A_61 = arith.muli %shift_right_logical3A_59, %mul3A_60 : i32
      %and3A_62 = arith.constant 255 : i32
      %and3A_63 = arith.andi %squeeze3A_57, %and3A_62 : i32
      %add3A_64 = arith.addi %mul3A_61, %and3A_63 : i32
      %mul3A_65 = arith.constant 16 : i32
      %mul3A_66 = arith.muli %scan3A_33, %mul3A_65 : i32
      %add3A_67 = arith.constant 1 : i32
      %add3A_68 = arith.addi %mul3A_66, %add3A_67 : i32
      %dma_start3A_69 = arith.constant 0 : i32
      %dma_start3A_70 = tpu.memref_slice %arg6[%add3A_68, %dma_start3A_69] : memref<256x128xf32, #tpu.memory_space<vmem>> -> memref<1x128xf32, #tpu.memory_space<vmem>>
      %dma_start3A_71 = arith.constant 0 : i32
      %dma_start3A_72 = tpu.memref_slice %arg3[%add3A_64, %dma_start3A_71] : memref<253952x128xf32, #tpu.memory_space<hbm>> -> memref<1x128xf32, #tpu.memory_space<hbm>>
      %dma_start3A_73 = arith.constant 0 : i32
      %dma_start3A_74 = tpu.memref_slice %arg6[%add3A_68, %dma_start3A_73] : memref<256x128xf32, #tpu.memory_space<vmem>> -> memref<1x128xf32, #tpu.memory_space<vmem>>
      %dma_start3A_75 = arith.constant 0 : i32
      %dma_start3A_76 = tpu.memref_slice %arg3[%add3A_64, %dma_start3A_75] : memref<253952x128xf32, #tpu.memory_space<hbm>> -> memref<1x128xf32, #tpu.memory_space<hbm>>
      tpu.enqueue_dma source(%dma_start3A_76 : memref<1x128xf32, #tpu.memory_space<hbm>>) target(%dma_start3A_74 : memref<1x128xf32, #tpu.memory_space<vmem>>) target_semaphore(%arg8 : memref<!tpu.dma_semaphore, #tpu.memory_space<semaphore_mem>>)
      %slice3A_77 = vector.extract_strided_slice %get3A_39 {offsets = [2], sizes = [1], strides = [1]} : vector<16xi32> to vector<1xi32>
      %squeeze3A_78 = vector.extract %slice3A_77[0] : i32 from vector<1xi32>
      %shift_right_logical3A_79 = arith.constant 10 : i32
      %shift_right_logical3A_80 = arith.shrui %squeeze3A_78, %shift_right_logical3A_79 : i32
      %mul3A_81 = arith.constant 256 : i32
      %mul3A_82 = arith.muli %shift_right_logical3A_80, %mul3A_81 : i32
      %and3A_83 = arith.constant 255 : i32
      %and3A_84 = arith.andi %squeeze3A_78, %and3A_83 : i32
      %add3A_85 = arith.addi %mul3A_82, %and3A_84 : i32
      %mul3A_86 = arith.constant 16 : i32
      %mul3A_87 = arith.muli %scan3A_33, %mul3A_86 : i32
      %add3A_88 = arith.constant 2 : i32
      %add3A_89 = arith.addi %mul3A_87, %add3A_88 : i32
      %dma_start3A_90 = arith.constant 0 : i32
      %dma_start3A_91 = tpu.memref_slice %arg6[%add3A_89, %dma_start3A_90] : memref<256x128xf32, #tpu.memory_space<vmem>> -> memref<1x128xf32, #tpu.memory_space<vmem>>
      %dma_start3A_92 = arith.constant 0 : i32
      %dma_start3A_93 = tpu.memref_slice %arg3[%add3A_85, %dma_start3A_92] : memref<253952x128xf32, #tpu.memory_space<hbm>> -> memref<1x128xf32, #tpu.memory_space<hbm>>
      %dma_start3A_94 = arith.constant 0 : i32
      %dma_start3A_95 = tpu.memref_slice %arg6[%add3A_89, %dma_start3A_94] : memref<256x128xf32, #tpu.memory_space<vmem>> -> memref<1x128xf32, #tpu.memory_space<vmem>>
      %dma_start3A_96 = arith.constant 0 : i32
      %dma_start3A_97 = tpu.memref_slice %arg3[%add3A_85, %dma_start3A_96] : memref<253952x128xf32, #tpu.memory_space<hbm>> -> memref<1x128xf32, #tpu.memory_space<hbm>>
      tpu.enqueue_dma source(%dma_start3A_97 : memref<1x128xf32, #tpu.memory_space<hbm>>) target(%dma_start3A_95 : memref<1x128xf32, #tpu.memory_space<vmem>>) target_semaphore(%arg8 : memref<!tpu.dma_semaphore, #tpu.memory_space<semaphore_mem>>)
      %slice3A_98 = vector.extract_strided_slice %get3A_39 {offsets = [3], sizes = [1], strides = [1]} : vector<16xi32> to vector<1xi32>
      %squeeze3A_99 = vector.extract %slice3A_98[0] : i32 from vector<1xi32>
      %shift_right_logical3A_100 = arith.constant 10 : i32
      %shift_right_logical3A_101 = arith.shrui %squeeze3A_99, %shift_right_logical3A_100 : i32
      %mul3A_102 = arith.constant 256 : i32
      %mul3A_103 = arith.muli %shift_right_logical3A_101, %mul3A_102 : i32
      %and3A_104 = arith.constant 255 : i32
      %and3A_105 = arith.andi %squeeze3A_99, %and3A_104 : i32
      %add3A_106 = arith.addi %mul3A_103, %and3A_105 : i32
      %mul3A_107 = arith.constant 16 : i32
      %mul3A_108 = arith.muli %scan3A_33, %mul3A_107 : i32
      %add3A_109 = arith.constant 3 : i32
      %add3A_110 = arith.addi %mul3A_108, %add3A_109 : i32
      %dma_start3A_111 = arith.constant 0 : i32
      %dma_start3A_112 = tpu.memref_slice %arg6[%add3A_110, %dma_start3A_111] : memref<256x128xf32, #tpu.memory_space<vmem>> -> memref<1x128xf32, #tpu.memory_space<vmem>>
      %dma_start3A_113 = arith.constant 0 : i32
      %dma_start3A_114 = tpu.memref_slice %arg3[%add3A_106, %dma_start3A_113] : memref<253952x128xf32, #tpu.memory_space<hbm>> -> memref<1x128xf32, #tpu.memory_space<hbm>>
      %dma_start3A_115 = arith.constant 0 : i32
      %dma_start3A_116 = tpu.memref_slice %arg6[%add3A_110, %dma_start3A_115] : memref<256x128xf32, #tpu.memory_space<vmem>> -> memref<1x128xf32, #tpu.memory_space<vmem>>
      %dma_start3A_117 = arith.constant 0 : i32
      %dma_start3A_118 = tpu.memref_slice %arg3[%add3A_106, %dma_start3A_117] : memref<253952x128xf32, #tpu.memory_space<hbm>> -> memref<1x128xf32, #tpu.memory_space<hbm>>
      tpu.enqueue_dma source(%dma_start3A_118 : memref<1x128xf32, #tpu.memory_space<hbm>>) target(%dma_start3A_116 : memref<1x128xf32, #tpu.memory_space<vmem>>) target_semaphore(%arg8 : memref<!tpu.dma_semaphore, #tpu.memory_space<semaphore_mem>>)
      %slice3A_119 = vector.extract_strided_slice %get3A_39 {offsets = [4], sizes = [1], strides = [1]} : vector<16xi32> to vector<1xi32>
      %squeeze3A_120 = vector.extract %slice3A_119[0] : i32 from vector<1xi32>
      %shift_right_logical3A_121 = arith.constant 10 : i32
      %shift_right_logical3A_122 = arith.shrui %squeeze3A_120, %shift_right_logical3A_121 : i32
      %mul3A_123 = arith.constant 256 : i32
      %mul3A_124 = arith.muli %shift_right_logical3A_122, %mul3A_123 : i32
      %and3A_125 = arith.constant 255 : i32
      %and3A_126 = arith.andi %squeeze3A_120, %and3A_125 : i32
      %add3A_127 = arith.addi %mul3A_124, %and3A_126 : i32
      %mul3A_128 = arith.constant 16 : i32
      %mul3A_129 = arith.muli %scan3A_33, %mul3A_128 : i32
      %add3A_130 = arith.constant 4 : i32
      %add3A_131 = arith.addi %mul3A_129, %add3A_130 : i32
      %dma_start3A_132 = arith.constant 0 : i32
      %dma_start3A_133 = tpu.memref_slice %arg6[%add3A_131, %dma_start3A_132] : memref<256x128xf32, #tpu.memory_space<vmem>> -> memref<1x128xf32, #tpu.memory_space<vmem>>
      %dma_start3A_134 = arith.constant 0 : i32
      %dma_start3A_135 = tpu.memref_slice %arg3[%add3A_127, %dma_start3A_134] : memref<253952x128xf32, #tpu.memory_space<hbm>> -> memref<1x128xf32, #tpu.memory_space<hbm>>
      %dma_start3A_136 = arith.constant 0 : i32
      %dma_start3A_137 = tpu.memref_slice %arg6[%add3A_131, %dma_start3A_136] : memref<256x128xf32, #tpu.memory_space<vmem>> -> memref<1x128xf32, #tpu.memory_space<vmem>>
      %dma_start3A_138 = arith.constant 0 : i32
      %dma_start3A_139 = tpu.memref_slice %arg3[%add3A_127, %dma_start3A_138] : memref<253952x128xf32, #tpu.memory_space<hbm>> -> memref<1x128xf32, #tpu.memory_space<hbm>>
      tpu.enqueue_dma source(%dma_start3A_139 : memref<1x128xf32, #tpu.memory_space<hbm>>) target(%dma_start3A_137 : memref<1x128xf32, #tpu.memory_space<vmem>>) target_semaphore(%arg8 : memref<!tpu.dma_semaphore, #tpu.memory_space<semaphore_mem>>)
      %slice3A_140 = vector.extract_strided_slice %get3A_39 {offsets = [5], sizes = [1], strides = [1]} : vector<16xi32> to vector<1xi32>
      %squeeze3A_141 = vector.extract %slice3A_140[0] : i32 from vector<1xi32>
      %shift_right_logical3A_142 = arith.constant 10 : i32
      %shift_right_logical3A_143 = arith.shrui %squeeze3A_141, %shift_right_logical3A_142 : i32
      %mul3A_144 = arith.constant 256 : i32
      %mul3A_145 = arith.muli %shift_right_logical3A_143, %mul3A_144 : i32
      %and3A_146 = arith.constant 255 : i32
      %and3A_147 = arith.andi %squeeze3A_141, %and3A_146 : i32
      %add3A_148 = arith.addi %mul3A_145, %and3A_147 : i32
      %mul3A_149 = arith.constant 16 : i32
      %mul3A_150 = arith.muli %scan3A_33, %mul3A_149 : i32
      %add3A_151 = arith.constant 5 : i32
      %add3A_152 = arith.addi %mul3A_150, %add3A_151 : i32
      %dma_start3A_153 = arith.constant 0 : i32
      %dma_start3A_154 = tpu.memref_slice %arg6[%add3A_152, %dma_start3A_153] : memref<256x128xf32, #tpu.memory_space<vmem>> -> memref<1x128xf32, #tpu.memory_space<vmem>>
      %dma_start3A_155 = arith.constant 0 : i32
      %dma_start3A_156 = tpu.memref_slice %arg3[%add3A_148, %dma_start3A_155] : memref<253952x128xf32, #tpu.memory_space<hbm>> -> memref<1x128xf32, #tpu.memory_space<hbm>>
      %dma_start3A_157 = arith.constant 0 : i32
      %dma_start3A_158 = tpu.memref_slice %arg6[%add3A_152, %dma_start3A_157] : memref<256x128xf32, #tpu.memory_space<vmem>> -> memref<1x128xf32, #tpu.memory_space<vmem>>
      %dma_start3A_159 = arith.constant 0 : i32
      %dma_start3A_160 = tpu.memref_slice %arg3[%add3A_148, %dma_start3A_159] : memref<253952x128xf32, #tpu.memory_space<hbm>> -> memref<1x128xf32, #tpu.memory_space<hbm>>
      tpu.enqueue_dma source(%dma_start3A_160 : memref<1x128xf32, #tpu.memory_space<hbm>>) target(%dma_start3A_158 : memref<1x128xf32, #tpu.memory_space<vmem>>) target_semaphore(%arg8 : memref<!tpu.dma_semaphore, #tpu.memory_space<semaphore_mem>>)
      %slice3A_161 = vector.extract_strided_slice %get3A_39 {offsets = [6], sizes = [1], strides = [1]} : vector<16xi32> to vector<1xi32>
      %squeeze3A_162 = vector.extract %slice3A_161[0] : i32 from vector<1xi32>
      %shift_right_logical3A_163 = arith.constant 10 : i32
      %shift_right_logical3A_164 = arith.shrui %squeeze3A_162, %shift_right_logical3A_163 : i32
      %mul3A_165 = arith.constant 256 : i32
      %mul3A_166 = arith.muli %shift_right_logical3A_164, %mul3A_165 : i32
      %and3A_167 = arith.constant 255 : i32
      %and3A_168 = arith.andi %squeeze3A_162, %and3A_167 : i32
      %add3A_169 = arith.addi %mul3A_166, %and3A_168 : i32
      %mul3A_170 = arith.constant 16 : i32
      %mul3A_171 = arith.muli %scan3A_33, %mul3A_170 : i32
      %add3A_172 = arith.constant 6 : i32
      %add3A_173 = arith.addi %mul3A_171, %add3A_172 : i32
      %dma_start3A_174 = arith.constant 0 : i32
      %dma_start3A_175 = tpu.memref_slice %arg6[%add3A_173, %dma_start3A_174] : memref<256x128xf32, #tpu.memory_space<vmem>> -> memref<1x128xf32, #tpu.memory_space<vmem>>
      %dma_start3A_176 = arith.constant 0 : i32
      %dma_start3A_177 = tpu.memref_slice %arg3[%add3A_169, %dma_start3A_176] : memref<253952x128xf32, #tpu.memory_space<hbm>> -> memref<1x128xf32, #tpu.memory_space<hbm>>
      %dma_start3A_178 = arith.constant 0 : i32
      %dma_start3A_179 = tpu.memref_slice %arg6[%add3A_173, %dma_start3A_178] : memref<256x128xf32, #tpu.memory_space<vmem>> -> memref<1x128xf32, #tpu.memory_space<vmem>>
      %dma_start3A_180 = arith.constant 0 : i32
      %dma_start3A_181 = tpu.memref_slice %arg3[%add3A_169, %dma_start3A_180] : memref<253952x128xf32, #tpu.memory_space<hbm>> -> memref<1x128xf32, #tpu.memory_space<hbm>>
      tpu.enqueue_dma source(%dma_start3A_181 : memref<1x128xf32, #tpu.memory_space<hbm>>) target(%dma_start3A_179 : memref<1x128xf32, #tpu.memory_space<vmem>>) target_semaphore(%arg8 : memref<!tpu.dma_semaphore, #tpu.memory_space<semaphore_mem>>)
      %slice3A_182 = vector.extract_strided_slice %get3A_39 {offsets = [7], sizes = [1], strides = [1]} : vector<16xi32> to vector<1xi32>
      %squeeze3A_183 = vector.extract %slice3A_182[0] : i32 from vector<1xi32>
      %shift_right_logical3A_184 = arith.constant 10 : i32
      %shift_right_logical3A_185 = arith.shrui %squeeze3A_183, %shift_right_logical3A_184 : i32
      %mul3A_186 = arith.constant 256 : i32
      %mul3A_187 = arith.muli %shift_right_logical3A_185, %mul3A_186 : i32
      %and3A_188 = arith.constant 255 : i32
      %and3A_189 = arith.andi %squeeze3A_183, %and3A_188 : i32
      %add3A_190 = arith.addi %mul3A_187, %and3A_189 : i32
      %mul3A_191 = arith.constant 16 : i32
      %mul3A_192 = arith.muli %scan3A_33, %mul3A_191 : i32
      %add3A_193 = arith.constant 7 : i32
      %add3A_194 = arith.addi %mul3A_192, %add3A_193 : i32
      %dma_start3A_195 = arith.constant 0 : i32
      %dma_start3A_196 = tpu.memref_slice %arg6[%add3A_194, %dma_start3A_195] : memref<256x128xf32, #tpu.memory_space<vmem>> -> memref<1x128xf32, #tpu.memory_space<vmem>>
      %dma_start3A_197 = arith.constant 0 : i32
      %dma_start3A_198 = tpu.memref_slice %arg3[%add3A_190, %dma_start3A_197] : memref<253952x128xf32, #tpu.memory_space<hbm>> -> memref<1x128xf32, #tpu.memory_space<hbm>>
      %dma_start3A_199 = arith.constant 0 : i32
      %dma_start3A_200 = tpu.memref_slice %arg6[%add3A_194, %dma_start3A_199] : memref<256x128xf32, #tpu.memory_space<vmem>> -> memref<1x128xf32, #tpu.memory_space<vmem>>
      %dma_start3A_201 = arith.constant 0 : i32
      %dma_start3A_202 = tpu.memref_slice %arg3[%add3A_190, %dma_start3A_201] : memref<253952x128xf32, #tpu.memory_space<hbm>> -> memref<1x128xf32, #tpu.memory_space<hbm>>
      tpu.enqueue_dma source(%dma_start3A_202 : memref<1x128xf32, #tpu.memory_space<hbm>>) target(%dma_start3A_200 : memref<1x128xf32, #tpu.memory_space<vmem>>) target_semaphore(%arg8 : memref<!tpu.dma_semaphore, #tpu.memory_space<semaphore_mem>>)
      %slice3A_203 = vector.extract_strided_slice %get3A_39 {offsets = [8], sizes = [1], strides = [1]} : vector<16xi32> to vector<1xi32>
      %squeeze3A_204 = vector.extract %slice3A_203[0] : i32 from vector<1xi32>
      %shift_right_logical3A_205 = arith.constant 10 : i32
      %shift_right_logical3A_206 = arith.shrui %squeeze3A_204, %shift_right_logical3A_205 : i32
      %mul3A_207 = arith.constant 256 : i32
      %mul3A_208 = arith.muli %shift_right_logical3A_206, %mul3A_207 : i32
      %and3A_209 = arith.constant 255 : i32
      %and3A_210 = arith.andi %squeeze3A_204, %and3A_209 : i32
      %add3A_211 = arith.addi %mul3A_208, %and3A_210 : i32
      %mul3A_212 = arith.constant 16 : i32
      %mul3A_213 = arith.muli %scan3A_33, %mul3A_212 : i32
      %add3A_214 = arith.constant 8 : i32
      %add3A_215 = arith.addi %mul3A_213, %add3A_214 : i32
      %dma_start3A_216 = arith.constant 0 : i32
      %dma_start3A_217 = tpu.memref_slice %arg6[%add3A_215, %dma_start3A_216] : memref<256x128xf32, #tpu.memory_space<vmem>> -> memref<1x128xf32, #tpu.memory_space<vmem>>
      %dma_start3A_218 = arith.constant 0 : i32
      %dma_start3A_219 = tpu.memref_slice %arg3[%add3A_211, %dma_start3A_218] : memref<253952x128xf32, #tpu.memory_space<hbm>> -> memref<1x128xf32, #tpu.memory_space<hbm>>
      %dma_start3A_220 = arith.constant 0 : i32
      %dma_start3A_221 = tpu.memref_slice %arg6[%add3A_215, %dma_start3A_220] : memref<256x128xf32, #tpu.memory_space<vmem>> -> memref<1x128xf32, #tpu.memory_space<vmem>>
      %dma_start3A_222 = arith.constant 0 : i32
      %dma_start3A_223 = tpu.memref_slice %arg3[%add3A_211, %dma_start3A_222] : memref<253952x128xf32, #tpu.memory_space<hbm>> -> memref<1x128xf32, #tpu.memory_space<hbm>>
      tpu.enqueue_dma source(%dma_start3A_223 : memref<1x128xf32, #tpu.memory_space<hbm>>) target(%dma_start3A_221 : memref<1x128xf32, #tpu.memory_space<vmem>>) target_semaphore(%arg8 : memref<!tpu.dma_semaphore, #tpu.memory_space<semaphore_mem>>)
      %slice3A_224 = vector.extract_strided_slice %get3A_39 {offsets = [9], sizes = [1], strides = [1]} : vector<16xi32> to vector<1xi32>
      %squeeze3A_225 = vector.extract %slice3A_224[0] : i32 from vector<1xi32>
      %shift_right_logical3A_226 = arith.constant 10 : i32
      %shift_right_logical3A_227 = arith.shrui %squeeze3A_225, %shift_right_logical3A_226 : i32
      %mul3A_228 = arith.constant 256 : i32
      %mul3A_229 = arith.muli %shift_right_logical3A_227, %mul3A_228 : i32
      %and3A_230 = arith.constant 255 : i32
      %and3A_231 = arith.andi %squeeze3A_225, %and3A_230 : i32
      %add3A_232 = arith.addi %mul3A_229, %and3A_231 : i32
      %mul3A_233 = arith.constant 16 : i32
      %mul3A_234 = arith.muli %scan3A_33, %mul3A_233 : i32
      %add3A_235 = arith.constant 9 : i32
      %add3A_236 = arith.addi %mul3A_234, %add3A_235 : i32
      %dma_start3A_237 = arith.constant 0 : i32
      %dma_start3A_238 = tpu.memref_slice %arg6[%add3A_236, %dma_start3A_237] : memref<256x128xf32, #tpu.memory_space<vmem>> -> memref<1x128xf32, #tpu.memory_space<vmem>>
      %dma_start3A_239 = arith.constant 0 : i32
      %dma_start3A_240 = tpu.memref_slice %arg3[%add3A_232, %dma_start3A_239] : memref<253952x128xf32, #tpu.memory_space<hbm>> -> memref<1x128xf32, #tpu.memory_space<hbm>>
      %dma_start3A_241 = arith.constant 0 : i32
      %dma_start3A_242 = tpu.memref_slice %arg6[%add3A_236, %dma_start3A_241] : memref<256x128xf32, #tpu.memory_space<vmem>> -> memref<1x128xf32, #tpu.memory_space<vmem>>
      %dma_start3A_243 = arith.constant 0 : i32
      %dma_start3A_244 = tpu.memref_slice %arg3[%add3A_232, %dma_start3A_243] : memref<253952x128xf32, #tpu.memory_space<hbm>> -> memref<1x128xf32, #tpu.memory_space<hbm>>
      tpu.enqueue_dma source(%dma_start3A_244 : memref<1x128xf32, #tpu.memory_space<hbm>>) target(%dma_start3A_242 : memref<1x128xf32, #tpu.memory_space<vmem>>) target_semaphore(%arg8 : memref<!tpu.dma_semaphore, #tpu.memory_space<semaphore_mem>>)
      %slice3A_245 = vector.extract_strided_slice %get3A_39 {offsets = [10], sizes = [1], strides = [1]} : vector<16xi32> to vector<1xi32>
      %squeeze3A_246 = vector.extract %slice3A_245[0] : i32 from vector<1xi32>
      %shift_right_logical3A_247 = arith.constant 10 : i32
      %shift_right_logical3A_248 = arith.shrui %squeeze3A_246, %shift_right_logical3A_247 : i32
      %mul3A_249 = arith.constant 256 : i32
      %mul3A_250 = arith.muli %shift_right_logical3A_248, %mul3A_249 : i32
      %and3A_251 = arith.constant 255 : i32
      %and3A_252 = arith.andi %squeeze3A_246, %and3A_251 : i32
      %add3A_253 = arith.addi %mul3A_250, %and3A_252 : i32
      %mul3A_254 = arith.constant 16 : i32
      %mul3A_255 = arith.muli %scan3A_33, %mul3A_254 : i32
      %add3A_256 = arith.constant 10 : i32
      %add3A_257 = arith.addi %mul3A_255, %add3A_256 : i32
      %dma_start3A_258 = arith.constant 0 : i32
      %dma_start3A_259 = tpu.memref_slice %arg6[%add3A_257, %dma_start3A_258] : memref<256x128xf32, #tpu.memory_space<vmem>> -> memref<1x128xf32, #tpu.memory_space<vmem>>
      %dma_start3A_260 = arith.constant 0 : i32
      %dma_start3A_261 = tpu.memref_slice %arg3[%add3A_253, %dma_start3A_260] : memref<253952x128xf32, #tpu.memory_space<hbm>> -> memref<1x128xf32, #tpu.memory_space<hbm>>
      %dma_start3A_262 = arith.constant 0 : i32
      %dma_start3A_263 = tpu.memref_slice %arg6[%add3A_257, %dma_start3A_262] : memref<256x128xf32, #tpu.memory_space<vmem>> -> memref<1x128xf32, #tpu.memory_space<vmem>>
      %dma_start3A_264 = arith.constant 0 : i32
      %dma_start3A_265 = tpu.memref_slice %arg3[%add3A_253, %dma_start3A_264] : memref<253952x128xf32, #tpu.memory_space<hbm>> -> memref<1x128xf32, #tpu.memory_space<hbm>>
      tpu.enqueue_dma source(%dma_start3A_265 : memref<1x128xf32, #tpu.memory_space<hbm>>) target(%dma_start3A_263 : memref<1x128xf32, #tpu.memory_space<vmem>>) target_semaphore(%arg8 : memref<!tpu.dma_semaphore, #tpu.memory_space<semaphore_mem>>)
      %slice3A_266 = vector.extract_strided_slice %get3A_39 {offsets = [11], sizes = [1], strides = [1]} : vector<16xi32> to vector<1xi32>
      %squeeze3A_267 = vector.extract %slice3A_266[0] : i32 from vector<1xi32>
      %shift_right_logical3A_268 = arith.constant 10 : i32
      %shift_right_logical3A_269 = arith.shrui %squeeze3A_267, %shift_right_logical3A_268 : i32
      %mul3A_270 = arith.constant 256 : i32
      %mul3A_271 = arith.muli %shift_right_logical3A_269, %mul3A_270 : i32
      %and3A_272 = arith.constant 255 : i32
      %and3A_273 = arith.andi %squeeze3A_267, %and3A_272 : i32
      %add3A_274 = arith.addi %mul3A_271, %and3A_273 : i32
      %mul3A_275 = arith.constant 16 : i32
      %mul3A_276 = arith.muli %scan3A_33, %mul3A_275 : i32
      %add3A_277 = arith.constant 11 : i32
      %add3A_278 = arith.addi %mul3A_276, %add3A_277 : i32
      %dma_start3A_279 = arith.constant 0 : i32
      %dma_start3A_280 = tpu.memref_slice %arg6[%add3A_278, %dma_start3A_279] : memref<256x128xf32, #tpu.memory_space<vmem>> -> memref<1x128xf32, #tpu.memory_space<vmem>>
      %dma_start3A_281 = arith.constant 0 : i32
      %dma_start3A_282 = tpu.memref_slice %arg3[%add3A_274, %dma_start3A_281] : memref<253952x128xf32, #tpu.memory_space<hbm>> -> memref<1x128xf32, #tpu.memory_space<hbm>>
      %dma_start3A_283 = arith.constant 0 : i32
      %dma_start3A_284 = tpu.memref_slice %arg6[%add3A_278, %dma_start3A_283] : memref<256x128xf32, #tpu.memory_space<vmem>> -> memref<1x128xf32, #tpu.memory_space<vmem>>
      %dma_start3A_285 = arith.constant 0 : i32
      %dma_start3A_286 = tpu.memref_slice %arg3[%add3A_274, %dma_start3A_285] : memref<253952x128xf32, #tpu.memory_space<hbm>> -> memref<1x128xf32, #tpu.memory_space<hbm>>
      tpu.enqueue_dma source(%dma_start3A_286 : memref<1x128xf32, #tpu.memory_space<hbm>>) target(%dma_start3A_284 : memref<1x128xf32, #tpu.memory_space<vmem>>) target_semaphore(%arg8 : memref<!tpu.dma_semaphore, #tpu.memory_space<semaphore_mem>>)
      %slice3A_287 = vector.extract_strided_slice %get3A_39 {offsets = [12], sizes = [1], strides = [1]} : vector<16xi32> to vector<1xi32>
      %squeeze3A_288 = vector.extract %slice3A_287[0] : i32 from vector<1xi32>
      %shift_right_logical3A_289 = arith.constant 10 : i32
      %shift_right_logical3A_290 = arith.shrui %squeeze3A_288, %shift_right_logical3A_289 : i32
      %mul3A_291 = arith.constant 256 : i32
      %mul3A_292 = arith.muli %shift_right_logical3A_290, %mul3A_291 : i32
      %and3A_293 = arith.constant 255 : i32
      %and3A_294 = arith.andi %squeeze3A_288, %and3A_293 : i32
      %add3A_295 = arith.addi %mul3A_292, %and3A_294 : i32
      %mul3A_296 = arith.constant 16 : i32
      %mul3A_297 = arith.muli %scan3A_33, %mul3A_296 : i32
      %add3A_298 = arith.constant 12 : i32
      %add3A_299 = arith.addi %mul3A_297, %add3A_298 : i32
      %dma_start3A_300 = arith.constant 0 : i32
      %dma_start3A_301 = tpu.memref_slice %arg6[%add3A_299, %dma_start3A_300] : memref<256x128xf32, #tpu.memory_space<vmem>> -> memref<1x128xf32, #tpu.memory_space<vmem>>
      %dma_start3A_302 = arith.constant 0 : i32
      %dma_start3A_303 = tpu.memref_slice %arg3[%add3A_295, %dma_start3A_302] : memref<253952x128xf32, #tpu.memory_space<hbm>> -> memref<1x128xf32, #tpu.memory_space<hbm>>
      %dma_start3A_304 = arith.constant 0 : i32
      %dma_start3A_305 = tpu.memref_slice %arg6[%add3A_299, %dma_start3A_304] : memref<256x128xf32, #tpu.memory_space<vmem>> -> memref<1x128xf32, #tpu.memory_space<vmem>>
      %dma_start3A_306 = arith.constant 0 : i32
      %dma_start3A_307 = tpu.memref_slice %arg3[%add3A_295, %dma_start3A_306] : memref<253952x128xf32, #tpu.memory_space<hbm>> -> memref<1x128xf32, #tpu.memory_space<hbm>>
      tpu.enqueue_dma source(%dma_start3A_307 : memref<1x128xf32, #tpu.memory_space<hbm>>) target(%dma_start3A_305 : memref<1x128xf32, #tpu.memory_space<vmem>>) target_semaphore(%arg8 : memref<!tpu.dma_semaphore, #tpu.memory_space<semaphore_mem>>)
      %slice3A_308 = vector.extract_strided_slice %get3A_39 {offsets = [13], sizes = [1], strides = [1]} : vector<16xi32> to vector<1xi32>
      %squeeze3A_309 = vector.extract %slice3A_308[0] : i32 from vector<1xi32>
      %shift_right_logical3A_310 = arith.constant 10 : i32
      %shift_right_logical3A_311 = arith.shrui %squeeze3A_309, %shift_right_logical3A_310 : i32
      %mul3A_312 = arith.constant 256 : i32
      %mul3A_313 = arith.muli %shift_right_logical3A_311, %mul3A_312 : i32
      %and3A_314 = arith.constant 255 : i32
      %and3A_315 = arith.andi %squeeze3A_309, %and3A_314 : i32
      %add3A_316 = arith.addi %mul3A_313, %and3A_315 : i32
      %mul3A_317 = arith.constant 16 : i32
      %mul3A_318 = arith.muli %scan3A_33, %mul3A_317 : i32
      %add3A_319 = arith.constant 13 : i32
      %add3A_320 = arith.addi %mul3A_318, %add3A_319 : i32
      %dma_start3A_321 = arith.constant 0 : i32
      %dma_start3A_322 = tpu.memref_slice %arg6[%add3A_320, %dma_start3A_321] : memref<256x128xf32, #tpu.memory_space<vmem>> -> memref<1x128xf32, #tpu.memory_space<vmem>>
      %dma_start3A_323 = arith.constant 0 : i32
      %dma_start3A_324 = tpu.memref_slice %arg3[%add3A_316, %dma_start3A_323] : memref<253952x128xf32, #tpu.memory_space<hbm>> -> memref<1x128xf32, #tpu.memory_space<hbm>>
      %dma_start3A_325 = arith.constant 0 : i32
      %dma_start3A_326 = tpu.memref_slice %arg6[%add3A_320, %dma_start3A_325] : memref<256x128xf32, #tpu.memory_space<vmem>> -> memref<1x128xf32, #tpu.memory_space<vmem>>
      %dma_start3A_327 = arith.constant 0 : i32
      %dma_start3A_328 = tpu.memref_slice %arg3[%add3A_316, %dma_start3A_327] : memref<253952x128xf32, #tpu.memory_space<hbm>> -> memref<1x128xf32, #tpu.memory_space<hbm>>
      tpu.enqueue_dma source(%dma_start3A_328 : memref<1x128xf32, #tpu.memory_space<hbm>>) target(%dma_start3A_326 : memref<1x128xf32, #tpu.memory_space<vmem>>) target_semaphore(%arg8 : memref<!tpu.dma_semaphore, #tpu.memory_space<semaphore_mem>>)
      %slice3A_329 = vector.extract_strided_slice %get3A_39 {offsets = [14], sizes = [1], strides = [1]} : vector<16xi32> to vector<1xi32>
      %squeeze3A_330 = vector.extract %slice3A_329[0] : i32 from vector<1xi32>
      %shift_right_logical3A_331 = arith.constant 10 : i32
      %shift_right_logical3A_332 = arith.shrui %squeeze3A_330, %shift_right_logical3A_331 : i32
      %mul3A_333 = arith.constant 256 : i32
      %mul3A_334 = arith.muli %shift_right_logical3A_332, %mul3A_333 : i32
      %and3A_335 = arith.constant 255 : i32
      %and3A_336 = arith.andi %squeeze3A_330, %and3A_335 : i32
      %add3A_337 = arith.addi %mul3A_334, %and3A_336 : i32
      %mul3A_338 = arith.constant 16 : i32
      %mul3A_339 = arith.muli %scan3A_33, %mul3A_338 : i32
      %add3A_340 = arith.constant 14 : i32
      %add3A_341 = arith.addi %mul3A_339, %add3A_340 : i32
      %dma_start3A_342 = arith.constant 0 : i32
      %dma_start3A_343 = tpu.memref_slice %arg6[%add3A_341, %dma_start3A_342] : memref<256x128xf32, #tpu.memory_space<vmem>> -> memref<1x128xf32, #tpu.memory_space<vmem>>
      %dma_start3A_344 = arith.constant 0 : i32
      %dma_start3A_345 = tpu.memref_slice %arg3[%add3A_337, %dma_start3A_344] : memref<253952x128xf32, #tpu.memory_space<hbm>> -> memref<1x128xf32, #tpu.memory_space<hbm>>
      %dma_start3A_346 = arith.constant 0 : i32
      %dma_start3A_347 = tpu.memref_slice %arg6[%add3A_341, %dma_start3A_346] : memref<256x128xf32, #tpu.memory_space<vmem>> -> memref<1x128xf32, #tpu.memory_space<vmem>>
      %dma_start3A_348 = arith.constant 0 : i32
      %dma_start3A_349 = tpu.memref_slice %arg3[%add3A_337, %dma_start3A_348] : memref<253952x128xf32, #tpu.memory_space<hbm>> -> memref<1x128xf32, #tpu.memory_space<hbm>>
      tpu.enqueue_dma source(%dma_start3A_349 : memref<1x128xf32, #tpu.memory_space<hbm>>) target(%dma_start3A_347 : memref<1x128xf32, #tpu.memory_space<vmem>>) target_semaphore(%arg8 : memref<!tpu.dma_semaphore, #tpu.memory_space<semaphore_mem>>)
      %slice3A_350 = vector.extract_strided_slice %get3A_39 {offsets = [15], sizes = [1], strides = [1]} : vector<16xi32> to vector<1xi32>
      %squeeze3A_351 = vector.extract %slice3A_350[0] : i32 from vector<1xi32>
      %shift_right_logical3A_352 = arith.constant 10 : i32
      %shift_right_logical3A_353 = arith.shrui %squeeze3A_351, %shift_right_logical3A_352 : i32
      %mul3A_354 = arith.constant 256 : i32
      %mul3A_355 = arith.muli %shift_right_logical3A_353, %mul3A_354 : i32
      %and3A_356 = arith.constant 255 : i32
      %and3A_357 = arith.andi %squeeze3A_351, %and3A_356 : i32
      %add3A_358 = arith.addi %mul3A_355, %and3A_357 : i32
      %mul3A_359 = arith.constant 16 : i32
      %mul3A_360 = arith.muli %scan3A_33, %mul3A_359 : i32
      %add3A_361 = arith.constant 15 : i32
      %add3A_362 = arith.addi %mul3A_360, %add3A_361 : i32
      %dma_start3A_363 = arith.constant 0 : i32
      %dma_start3A_364 = tpu.memref_slice %arg6[%add3A_362, %dma_start3A_363] : memref<256x128xf32, #tpu.memory_space<vmem>> -> memref<1x128xf32, #tpu.memory_space<vmem>>
      %dma_start3A_365 = arith.constant 0 : i32
      %dma_start3A_366 = tpu.memref_slice %arg3[%add3A_358, %dma_start3A_365] : memref<253952x128xf32, #tpu.memory_space<hbm>> -> memref<1x128xf32, #tpu.memory_space<hbm>>
      %dma_start3A_367 = arith.constant 0 : i32
      %dma_start3A_368 = tpu.memref_slice %arg6[%add3A_362, %dma_start3A_367] : memref<256x128xf32, #tpu.memory_space<vmem>> -> memref<1x128xf32, #tpu.memory_space<vmem>>
      %dma_start3A_369 = arith.constant 0 : i32
      %dma_start3A_370 = tpu.memref_slice %arg3[%add3A_358, %dma_start3A_369] : memref<253952x128xf32, #tpu.memory_space<hbm>> -> memref<1x128xf32, #tpu.memory_space<hbm>>
      tpu.enqueue_dma source(%dma_start3A_370 : memref<1x128xf32, #tpu.memory_space<hbm>>) target(%dma_start3A_368 : memref<1x128xf32, #tpu.memory_space<vmem>>) target_semaphore(%arg8 : memref<!tpu.dma_semaphore, #tpu.memory_space<semaphore_mem>>)
    }
    %scan3A_21 = arith.constant 16 : i32
    %dma_wait3A_22 = arith.constant 0 : i32
    %dma_wait3A_23 = arith.constant 0 : i32
    %dma_wait3A_24 = tpu.memref_slice %arg3[%dma_wait3A_22, %dma_wait3A_23] : memref<253952x128xf32, #tpu.memory_space<hbm>> -> memref<256x128xf32, #tpu.memory_space<hbm>>
    %dma_wait3A_25 = arith.constant 0 : i32
    %dma_wait3A_26 = arith.constant 0 : i32
    %dma_wait3A_27 = tpu.memref_slice %arg3[%dma_wait3A_25, %dma_wait3A_26] : memref<253952x128xf32, #tpu.memory_space<hbm>> -> memref<256x128xf32, #tpu.memory_space<hbm>>
    tpu.wait_dma2 semaphore(%arg8 : memref<!tpu.dma_semaphore, #tpu.memory_space<semaphore_mem>>) src(%dma_wait3A_27 : memref<256x128xf32, #tpu.memory_space<hbm>>) dst(%arg6 : memref<256x128xf32, #tpu.memory_space<vmem>>)
    %scan3A_28 = arith.constant 0 : i32
    %scan3A_29 = arith.constant 16 : i32
    %scan3A_30 = arith.addi %scan3A_28, %scan3A_29 : i32
    %scan3A_31 = arith.constant 1 : i32
    scf.for %scan3A_33 = %scan3A_28 to %scan3A_30 step %scan3A_31  : i32 {
      %mul3A_34 = arith.constant 16 : i32
      %mul3A_35 = arith.muli %scan3A_33, %mul3A_34 : i32
      %add3A_36 = arith.constant 256 : i32
      %add3A_37 = arith.addi %add3A_36, %mul3A_35 : i32
      %get3A = arith.index_cast %add3A_37 : i32 to index
      %get3A_38 = tpu.vector_load %arg5[%get3A] {strides = array<i32>} : memref<512xi32, #tpu.memory_space<vmem>>, vector<16xi32>,
      %get3A_39 = vector.shape_cast %get3A_38 : vector<16xi32> to vector<16xi32>
      %slice3A = vector.extract_strided_slice %get3A_39 {offsets = [0], sizes = [1], strides = [1]} : vector<16xi32> to vector<1xi32>
      %squeeze3A = vector.extract %slice3A[0] : i32 from vector<1xi32>
      %shift_right_logical3A = arith.constant 8 : i32
      %shift_right_logical3A_40 = arith.shrui %squeeze3A, %shift_right_logical3A : i32
      %and3A = arith.constant 3 : i32
      %and3A_41 = arith.andi %shift_right_logical3A_40, %and3A : i32
      %mul3A_42 = arith.constant 32 : i32
      %mul3A_43 = arith.muli %and3A_41, %mul3A_42 : i32
      %mul3A_44 = arith.constant 16 : i32
      %mul3A_45 = arith.muli %scan3A_33, %mul3A_44 : i32
      %add3A_46 = arith.constant 0 : i32
      %add3A_47 = arith.addi %mul3A_45, %add3A_46 : i32
      %add3A_48 = arith.constant 256 : i32
      %add3A_49 = arith.addi %add3A_48, %add3A_47 : i32
      %get3A_50 = arith.index_cast %add3A_47 : i32 to index
      %get3A_51 = arith.index_cast %mul3A_43 : i32 to index
      %get3A_52 = tpu.vector_load %arg6[%get3A_50, %get3A_51] {strides = array<i32>} : memref<256x128xf32, #tpu.memory_space<vmem>>, vector<1x16xf32>,
      %get3A_53 = vector.shape_cast %get3A_52 : vector<1x16xf32> to vector<16xf32>
      %swap3A = arith.index_cast %add3A_49 : i32 to index
      %swap3A_54 = arith.constant 0 : index
      %swap3A_55 = tpu.vector_load %arg7[%swap3A, %swap3A_54] {strides = array<i32>} : memref<512x32xf32, #tpu.memory_space<vmem>>, vector<1x16xf32>,
      %swap3A_56 = vector.shape_cast %swap3A_55 : vector<1x16xf32> to vector<16xf32>
      %swap3A_57 = vector.shape_cast %get3A_53 : vector<16xf32> to vector<1x16xf32>
      tpu.vector_store %arg7[%swap3A, %swap3A_54], %swap3A_57 {strides = array<i32>} : memref<512x32xf32, #tpu.memory_space<vmem>>, vector<1x16xf32>,
      %add3A_58 = arith.constant 16 : i32
      %add3A_59 = arith.addi %mul3A_43, %add3A_58 : i32
      %get3A_60 = arith.index_cast %add3A_47 : i32 to index
      %get3A_61 = arith.index_cast %add3A_59 : i32 to index
      %get3A_62 = tpu.vector_load %arg6[%get3A_60, %get3A_61] {strides = array<i32>} : memref<256x128xf32, #tpu.memory_space<vmem>>, vector<1x16xf32>,
      %get3A_63 = vector.shape_cast %get3A_62 : vector<1x16xf32> to vector<16xf32>
      %swap3A_64 = arith.index_cast %add3A_49 : i32 to index
      %swap3A_65 = arith.constant 16 : index
      %swap3A_66 = tpu.vector_load %arg7[%swap3A_64, %swap3A_65] {strides = array<i32>} : memref<512x32xf32, #tpu.memory_space<vmem>>, vector<1x16xf32>,
      %swap3A_67 = vector.shape_cast %swap3A_66 : vector<1x16xf32> to vector<16xf32>
      %swap3A_68 = vector.shape_cast %get3A_63 : vector<16xf32> to vector<1x16xf32>
      tpu.vector_store %arg7[%swap3A_64, %swap3A_65], %swap3A_68 {strides = array<i32>} : memref<512x32xf32, #tpu.memory_space<vmem>>, vector<1x16xf32>,
      %slice3A_69 = vector.extract_strided_slice %get3A_39 {offsets = [1], sizes = [1], strides = [1]} : vector<16xi32> to vector<1xi32>
      %squeeze3A_70 = vector.extract %slice3A_69[0] : i32 from vector<1xi32>
      %shift_right_logical3A_71 = arith.constant 8 : i32
      %shift_right_logical3A_72 = arith.shrui %squeeze3A_70, %shift_right_logical3A_71 : i32
      %and3A_73 = arith.constant 3 : i32
      %and3A_74 = arith.andi %shift_right_logical3A_72, %and3A_73 : i32
      %mul3A_75 = arith.constant 32 : i32
      %mul3A_76 = arith.muli %and3A_74, %mul3A_75 : i32
      %mul3A_77 = arith.constant 16 : i32
      %mul3A_78 = arith.muli %scan3A_33, %mul3A_77 : i32
      %add3A_79 = arith.constant 1 : i32
      %add3A_80 = arith.addi %mul3A_78, %add3A_79 : i32
      %add3A_81 = arith.constant 256 : i32
      %add3A_82 = arith.addi %add3A_81, %add3A_80 : i32
      %get3A_83 = arith.index_cast %add3A_80 : i32 to index
      %get3A_84 = arith.index_cast %mul3A_76 : i32 to index
      %get3A_85 = tpu.vector_load %arg6[%get3A_83, %get3A_84] {strides = array<i32>} : memref<256x128xf32, #tpu.memory_space<vmem>>, vector<1x16xf32>,
      %get3A_86 = vector.shape_cast %get3A_85 : vector<1x16xf32> to vector<16xf32>
      %swap3A_87 = arith.index_cast %add3A_82 : i32 to index
      %swap3A_88 = arith.constant 0 : index
      %swap3A_89 = tpu.vector_load %arg7[%swap3A_87, %swap3A_88] {strides = array<i32>} : memref<512x32xf32, #tpu.memory_space<vmem>>, vector<1x16xf32>,
      %swap3A_90 = vector.shape_cast %swap3A_89 : vector<1x16xf32> to vector<16xf32>
      %swap3A_91 = vector.shape_cast %get3A_86 : vector<16xf32> to vector<1x16xf32>
      tpu.vector_store %arg7[%swap3A_87, %swap3A_88], %swap3A_91 {strides = array<i32>} : memref<512x32xf32, #tpu.memory_space<vmem>>, vector<1x16xf32>,
      %add3A_92 = arith.constant 16 : i32
      %add3A_93 = arith.addi %mul3A_76, %add3A_92 : i32
      %get3A_94 = arith.index_cast %add3A_80 : i32 to index
      %get3A_95 = arith.index_cast %add3A_93 : i32 to index
      %get3A_96 = tpu.vector_load %arg6[%get3A_94, %get3A_95] {strides = array<i32>} : memref<256x128xf32, #tpu.memory_space<vmem>>, vector<1x16xf32>,
      %get3A_97 = vector.shape_cast %get3A_96 : vector<1x16xf32> to vector<16xf32>
      %swap3A_98 = arith.index_cast %add3A_82 : i32 to index
      %swap3A_99 = arith.constant 16 : index
      %swap3A_100 = tpu.vector_load %arg7[%swap3A_98, %swap3A_99] {strides = array<i32>} : memref<512x32xf32, #tpu.memory_space<vmem>>, vector<1x16xf32>,
      %swap3A_101 = vector.shape_cast %swap3A_100 : vector<1x16xf32> to vector<16xf32>
      %swap3A_102 = vector.shape_cast %get3A_97 : vector<16xf32> to vector<1x16xf32>
      tpu.vector_store %arg7[%swap3A_98, %swap3A_99], %swap3A_102 {strides = array<i32>} : memref<512x32xf32, #tpu.memory_space<vmem>>, vector<1x16xf32>,
      %slice3A_103 = vector.extract_strided_slice %get3A_39 {offsets = [2], sizes = [1], strides = [1]} : vector<16xi32> to vector<1xi32>
      %squeeze3A_104 = vector.extract %slice3A_103[0] : i32 from vector<1xi32>
      %shift_right_logical3A_105 = arith.constant 8 : i32
      %shift_right_logical3A_106 = arith.shrui %squeeze3A_104, %shift_right_logical3A_105 : i32
      %and3A_107 = arith.constant 3 : i32
      %and3A_108 = arith.andi %shift_right_logical3A_106, %and3A_107 : i32
      %mul3A_109 = arith.constant 32 : i32
      %mul3A_110 = arith.muli %and3A_108, %mul3A_109 : i32
      %mul3A_111 = arith.constant 16 : i32
      %mul3A_112 = arith.muli %scan3A_33, %mul3A_111 : i32
      %add3A_113 = arith.constant 2 : i32
      %add3A_114 = arith.addi %mul3A_112, %add3A_113 : i32
      %add3A_115 = arith.constant 256 : i32
      %add3A_116 = arith.addi %add3A_115, %add3A_114 : i32
      %get3A_117 = arith.index_cast %add3A_114 : i32 to index
      %get3A_118 = arith.index_cast %mul3A_110 : i32 to index
      %get3A_119 = tpu.vector_load %arg6[%get3A_117, %get3A_118] {strides = array<i32>} : memref<256x128xf32, #tpu.memory_space<vmem>>, vector<1x16xf32>,
      %get3A_120 = vector.shape_cast %get3A_119 : vector<1x16xf32> to vector<16xf32>
      %swap3A_121 = arith.index_cast %add3A_116 : i32 to index
      %swap3A_122 = arith.constant 0 : index
      %swap3A_123 = tpu.vector_load %arg7[%swap3A_121, %swap3A_122] {strides = array<i32>} : memref<512x32xf32, #tpu.memory_space<vmem>>, vector<1x16xf32>,
      %swap3A_124 = vector.shape_cast %swap3A_123 : vector<1x16xf32> to vector<16xf32>
      %swap3A_125 = vector.shape_cast %get3A_120 : vector<16xf32> to vector<1x16xf32>
      tpu.vector_store %arg7[%swap3A_121, %swap3A_122], %swap3A_125 {strides = array<i32>} : memref<512x32xf32, #tpu.memory_space<vmem>>, vector<1x16xf32>,
      %add3A_126 = arith.constant 16 : i32
      %add3A_127 = arith.addi %mul3A_110, %add3A_126 : i32
      %get3A_128 = arith.index_cast %add3A_114 : i32 to index
      %get3A_129 = arith.index_cast %add3A_127 : i32 to index
      %get3A_130 = tpu.vector_load %arg6[%get3A_128, %get3A_129] {strides = array<i32>} : memref<256x128xf32, #tpu.memory_space<vmem>>, vector<1x16xf32>,
      %get3A_131 = vector.shape_cast %get3A_130 : vector<1x16xf32> to vector<16xf32>
      %swap3A_132 = arith.index_cast %add3A_116 : i32 to index
      %swap3A_133 = arith.constant 16 : index
      %swap3A_134 = tpu.vector_load %arg7[%swap3A_132, %swap3A_133] {strides = array<i32>} : memref<512x32xf32, #tpu.memory_space<vmem>>, vector<1x16xf32>,
      %swap3A_135 = vector.shape_cast %swap3A_134 : vector<1x16xf32> to vector<16xf32>
      %swap3A_136 = vector.shape_cast %get3A_131 : vector<16xf32> to vector<1x16xf32>
      tpu.vector_store %arg7[%swap3A_132, %swap3A_133], %swap3A_136 {strides = array<i32>} : memref<512x32xf32, #tpu.memory_space<vmem>>, vector<1x16xf32>,
      %slice3A_137 = vector.extract_strided_slice %get3A_39 {offsets = [3], sizes = [1], strides = [1]} : vector<16xi32> to vector<1xi32>
      %squeeze3A_138 = vector.extract %slice3A_137[0] : i32 from vector<1xi32>
      %shift_right_logical3A_139 = arith.constant 8 : i32
      %shift_right_logical3A_140 = arith.shrui %squeeze3A_138, %shift_right_logical3A_139 : i32
      %and3A_141 = arith.constant 3 : i32
      %and3A_142 = arith.andi %shift_right_logical3A_140, %and3A_141 : i32
      %mul3A_143 = arith.constant 32 : i32
      %mul3A_144 = arith.muli %and3A_142, %mul3A_143 : i32
      %mul3A_145 = arith.constant 16 : i32
      %mul3A_146 = arith.muli %scan3A_33, %mul3A_145 : i32
      %add3A_147 = arith.constant 3 : i32
      %add3A_148 = arith.addi %mul3A_146, %add3A_147 : i32
      %add3A_149 = arith.constant 256 : i32
      %add3A_150 = arith.addi %add3A_149, %add3A_148 : i32
      %get3A_151 = arith.index_cast %add3A_148 : i32 to index
      %get3A_152 = arith.index_cast %mul3A_144 : i32 to index
      %get3A_153 = tpu.vector_load %arg6[%get3A_151, %get3A_152] {strides = array<i32>} : memref<256x128xf32, #tpu.memory_space<vmem>>, vector<1x16xf32>,
      %get3A_154 = vector.shape_cast %get3A_153 : vector<1x16xf32> to vector<16xf32>
      %swap3A_155 = arith.index_cast %add3A_150 : i32 to index
      %swap3A_156 = arith.constant 0 : index
      %swap3A_157 = tpu.vector_load %arg7[%swap3A_155, %swap3A_156] {strides = array<i32>} : memref<512x32xf32, #tpu.memory_space<vmem>>, vector<1x16xf32>,
      %swap3A_158 = vector.shape_cast %swap3A_157 : vector<1x16xf32> to vector<16xf32>
      %swap3A_159 = vector.shape_cast %get3A_154 : vector<16xf32> to vector<1x16xf32>
      tpu.vector_store %arg7[%swap3A_155, %swap3A_156], %swap3A_159 {strides = array<i32>} : memref<512x32xf32, #tpu.memory_space<vmem>>, vector<1x16xf32>,
      %add3A_160 = arith.constant 16 : i32
      %add3A_161 = arith.addi %mul3A_144, %add3A_160 : i32
      %get3A_162 = arith.index_cast %add3A_148 : i32 to index
      %get3A_163 = arith.index_cast %add3A_161 : i32 to index
      %get3A_164 = tpu.vector_load %arg6[%get3A_162, %get3A_163] {strides = array<i32>} : memref<256x128xf32, #tpu.memory_space<vmem>>, vector<1x16xf32>,
      %get3A_165 = vector.shape_cast %get3A_164 : vector<1x16xf32> to vector<16xf32>
      %swap3A_166 = arith.index_cast %add3A_150 : i32 to index
      %swap3A_167 = arith.constant 16 : index
      %swap3A_168 = tpu.vector_load %arg7[%swap3A_166, %swap3A_167] {strides = array<i32>} : memref<512x32xf32, #tpu.memory_space<vmem>>, vector<1x16xf32>,
      %swap3A_169 = vector.shape_cast %swap3A_168 : vector<1x16xf32> to vector<16xf32>
      %swap3A_170 = vector.shape_cast %get3A_165 : vector<16xf32> to vector<1x16xf32>
      tpu.vector_store %arg7[%swap3A_166, %swap3A_167], %swap3A_170 {strides = array<i32>} : memref<512x32xf32, #tpu.memory_space<vmem>>, vector<1x16xf32>,
      %slice3A_171 = vector.extract_strided_slice %get3A_39 {offsets = [4], sizes = [1], strides = [1]} : vector<16xi32> to vector<1xi32>
      %squeeze3A_172 = vector.extract %slice3A_171[0] : i32 from vector<1xi32>
      %shift_right_logical3A_173 = arith.constant 8 : i32
      %shift_right_logical3A_174 = arith.shrui %squeeze3A_172, %shift_right_logical3A_173 : i32
      %and3A_175 = arith.constant 3 : i32
      %and3A_176 = arith.andi %shift_right_logical3A_174, %and3A_175 : i32
      %mul3A_177 = arith.constant 32 : i32
      %mul3A_178 = arith.muli %and3A_176, %mul3A_177 : i32
      %mul3A_179 = arith.constant 16 : i32
      %mul3A_180 = arith.muli %scan3A_33, %mul3A_179 : i32
      %add3A_181 = arith.constant 4 : i32
      %add3A_182 = arith.addi %mul3A_180, %add3A_181 : i32
      %add3A_183 = arith.constant 256 : i32
      %add3A_184 = arith.addi %add3A_183, %add3A_182 : i32
      %get3A_185 = arith.index_cast %add3A_182 : i32 to index
      %get3A_186 = arith.index_cast %mul3A_178 : i32 to index
      %get3A_187 = tpu.vector_load %arg6[%get3A_185, %get3A_186] {strides = array<i32>} : memref<256x128xf32, #tpu.memory_space<vmem>>, vector<1x16xf32>,
      %get3A_188 = vector.shape_cast %get3A_187 : vector<1x16xf32> to vector<16xf32>
      %swap3A_189 = arith.index_cast %add3A_184 : i32 to index
      %swap3A_190 = arith.constant 0 : index
      %swap3A_191 = tpu.vector_load %arg7[%swap3A_189, %swap3A_190] {strides = array<i32>} : memref<512x32xf32, #tpu.memory_space<vmem>>, vector<1x16xf32>,
      %swap3A_192 = vector.shape_cast %swap3A_191 : vector<1x16xf32> to vector<16xf32>
      %swap3A_193 = vector.shape_cast %get3A_188 : vector<16xf32> to vector<1x16xf32>
      tpu.vector_store %arg7[%swap3A_189, %swap3A_190], %swap3A_193 {strides = array<i32>} : memref<512x32xf32, #tpu.memory_space<vmem>>, vector<1x16xf32>,
      %add3A_194 = arith.constant 16 : i32
      %add3A_195 = arith.addi %mul3A_178, %add3A_194 : i32
      %get3A_196 = arith.index_cast %add3A_182 : i32 to index
      %get3A_197 = arith.index_cast %add3A_195 : i32 to index
      %get3A_198 = tpu.vector_load %arg6[%get3A_196, %get3A_197] {strides = array<i32>} : memref<256x128xf32, #tpu.memory_space<vmem>>, vector<1x16xf32>,
      %get3A_199 = vector.shape_cast %get3A_198 : vector<1x16xf32> to vector<16xf32>
      %swap3A_200 = arith.index_cast %add3A_184 : i32 to index
      %swap3A_201 = arith.constant 16 : index
      %swap3A_202 = tpu.vector_load %arg7[%swap3A_200, %swap3A_201] {strides = array<i32>} : memref<512x32xf32, #tpu.memory_space<vmem>>, vector<1x16xf32>,
      %swap3A_203 = vector.shape_cast %swap3A_202 : vector<1x16xf32> to vector<16xf32>
      %swap3A_204 = vector.shape_cast %get3A_199 : vector<16xf32> to vector<1x16xf32>
      tpu.vector_store %arg7[%swap3A_200, %swap3A_201], %swap3A_204 {strides = array<i32>} : memref<512x32xf32, #tpu.memory_space<vmem>>, vector<1x16xf32>,
      %slice3A_205 = vector.extract_strided_slice %get3A_39 {offsets = [5], sizes = [1], strides = [1]} : vector<16xi32> to vector<1xi32>
      %squeeze3A_206 = vector.extract %slice3A_205[0] : i32 from vector<1xi32>
      %shift_right_logical3A_207 = arith.constant 8 : i32
      %shift_right_logical3A_208 = arith.shrui %squeeze3A_206, %shift_right_logical3A_207 : i32
      %and3A_209 = arith.constant 3 : i32
      %and3A_210 = arith.andi %shift_right_logical3A_208, %and3A_209 : i32
      %mul3A_211 = arith.constant 32 : i32
      %mul3A_212 = arith.muli %and3A_210, %mul3A_211 : i32
      %mul3A_213 = arith.constant 16 : i32
      %mul3A_214 = arith.muli %scan3A_33, %mul3A_213 : i32
      %add3A_215 = arith.constant 5 : i32
      %add3A_216 = arith.addi %mul3A_214, %add3A_215 : i32
      %add3A_217 = arith.constant 256 : i32
      %add3A_218 = arith.addi %add3A_217, %add3A_216 : i32
      %get3A_219 = arith.index_cast %add3A_216 : i32 to index
      %get3A_220 = arith.index_cast %mul3A_212 : i32 to index
      %get3A_221 = tpu.vector_load %arg6[%get3A_219, %get3A_220] {strides = array<i32>} : memref<256x128xf32, #tpu.memory_space<vmem>>, vector<1x16xf32>,
      %get3A_222 = vector.shape_cast %get3A_221 : vector<1x16xf32> to vector<16xf32>
      %swap3A_223 = arith.index_cast %add3A_218 : i32 to index
      %swap3A_224 = arith.constant 0 : index
      %swap3A_225 = tpu.vector_load %arg7[%swap3A_223, %swap3A_224] {strides = array<i32>} : memref<512x32xf32, #tpu.memory_space<vmem>>, vector<1x16xf32>,
      %swap3A_226 = vector.shape_cast %swap3A_225 : vector<1x16xf32> to vector<16xf32>
      %swap3A_227 = vector.shape_cast %get3A_222 : vector<16xf32> to vector<1x16xf32>
      tpu.vector_store %arg7[%swap3A_223, %swap3A_224], %swap3A_227 {strides = array<i32>} : memref<512x32xf32, #tpu.memory_space<vmem>>, vector<1x16xf32>,
      %add3A_228 = arith.constant 16 : i32
      %add3A_229 = arith.addi %mul3A_212, %add3A_228 : i32
      %get3A_230 = arith.index_cast %add3A_216 : i32 to index
      %get3A_231 = arith.index_cast %add3A_229 : i32 to index
      %get3A_232 = tpu.vector_load %arg6[%get3A_230, %get3A_231] {strides = array<i32>} : memref<256x128xf32, #tpu.memory_space<vmem>>, vector<1x16xf32>,
      %get3A_233 = vector.shape_cast %get3A_232 : vector<1x16xf32> to vector<16xf32>
      %swap3A_234 = arith.index_cast %add3A_218 : i32 to index
      %swap3A_235 = arith.constant 16 : index
      %swap3A_236 = tpu.vector_load %arg7[%swap3A_234, %swap3A_235] {strides = array<i32>} : memref<512x32xf32, #tpu.memory_space<vmem>>, vector<1x16xf32>,
      %swap3A_237 = vector.shape_cast %swap3A_236 : vector<1x16xf32> to vector<16xf32>
      %swap3A_238 = vector.shape_cast %get3A_233 : vector<16xf32> to vector<1x16xf32>
      tpu.vector_store %arg7[%swap3A_234, %swap3A_235], %swap3A_238 {strides = array<i32>} : memref<512x32xf32, #tpu.memory_space<vmem>>, vector<1x16xf32>,
      %slice3A_239 = vector.extract_strided_slice %get3A_39 {offsets = [6], sizes = [1], strides = [1]} : vector<16xi32> to vector<1xi32>
      %squeeze3A_240 = vector.extract %slice3A_239[0] : i32 from vector<1xi32>
      %shift_right_logical3A_241 = arith.constant 8 : i32
      %shift_right_logical3A_242 = arith.shrui %squeeze3A_240, %shift_right_logical3A_241 : i32
      %and3A_243 = arith.constant 3 : i32
      %and3A_244 = arith.andi %shift_right_logical3A_242, %and3A_243 : i32
      %mul3A_245 = arith.constant 32 : i32
      %mul3A_246 = arith.muli %and3A_244, %mul3A_245 : i32
      %mul3A_247 = arith.constant 16 : i32
      %mul3A_248 = arith.muli %scan3A_33, %mul3A_247 : i32
      %add3A_249 = arith.constant 6 : i32
      %add3A_250 = arith.addi %mul3A_248, %add3A_249 : i32
      %add3A_251 = arith.constant 256 : i32
      %add3A_252 = arith.addi %add3A_251, %add3A_250 : i32
      %get3A_253 = arith.index_cast %add3A_250 : i32 to index
      %get3A_254 = arith.index_cast %mul3A_246 : i32 to index
      %get3A_255 = tpu.vector_load %arg6[%get3A_253, %get3A_254] {strides = array<i32>} : memref<256x128xf32, #tpu.memory_space<vmem>>, vector<1x16xf32>,
      %get3A_256 = vector.shape_cast %get3A_255 : vector<1x16xf32> to vector<16xf32>
      %swap3A_257 = arith.index_cast %add3A_252 : i32 to index
      %swap3A_258 = arith.constant 0 : index
      %swap3A_259 = tpu.vector_load %arg7[%swap3A_257, %swap3A_258] {strides = array<i32>} : memref<512x32xf32, #tpu.memory_space<vmem>>, vector<1x16xf32>,
      %swap3A_260 = vector.shape_cast %swap3A_259 : vector<1x16xf32> to vector<16xf32>
      %swap3A_261 = vector.shape_cast %get3A_256 : vector<16xf32> to vector<1x16xf32>
      tpu.vector_store %arg7[%swap3A_257, %swap3A_258], %swap3A_261 {strides = array<i32>} : memref<512x32xf32, #tpu.memory_space<vmem>>, vector<1x16xf32>,
      %add3A_262 = arith.constant 16 : i32
      %add3A_263 = arith.addi %mul3A_246, %add3A_262 : i32
      %get3A_264 = arith.index_cast %add3A_250 : i32 to index
      %get3A_265 = arith.index_cast %add3A_263 : i32 to index
      %get3A_266 = tpu.vector_load %arg6[%get3A_264, %get3A_265] {strides = array<i32>} : memref<256x128xf32, #tpu.memory_space<vmem>>, vector<1x16xf32>,
      %get3A_267 = vector.shape_cast %get3A_266 : vector<1x16xf32> to vector<16xf32>
      %swap3A_268 = arith.index_cast %add3A_252 : i32 to index
      %swap3A_269 = arith.constant 16 : index
      %swap3A_270 = tpu.vector_load %arg7[%swap3A_268, %swap3A_269] {strides = array<i32>} : memref<512x32xf32, #tpu.memory_space<vmem>>, vector<1x16xf32>,
      %swap3A_271 = vector.shape_cast %swap3A_270 : vector<1x16xf32> to vector<16xf32>
      %swap3A_272 = vector.shape_cast %get3A_267 : vector<16xf32> to vector<1x16xf32>
      tpu.vector_store %arg7[%swap3A_268, %swap3A_269], %swap3A_272 {strides = array<i32>} : memref<512x32xf32, #tpu.memory_space<vmem>>, vector<1x16xf32>,
      %slice3A_273 = vector.extract_strided_slice %get3A_39 {offsets = [7], sizes = [1], strides = [1]} : vector<16xi32> to vector<1xi32>
      %squeeze3A_274 = vector.extract %slice3A_273[0] : i32 from vector<1xi32>
      %shift_right_logical3A_275 = arith.constant 8 : i32
      %shift_right_logical3A_276 = arith.shrui %squeeze3A_274, %shift_right_logical3A_275 : i32
      %and3A_277 = arith.constant 3 : i32
      %and3A_278 = arith.andi %shift_right_logical3A_276, %and3A_277 : i32
      %mul3A_279 = arith.constant 32 : i32
      %mul3A_280 = arith.muli %and3A_278, %mul3A_279 : i32
      %mul3A_281 = arith.constant 16 : i32
      %mul3A_282 = arith.muli %scan3A_33, %mul3A_281 : i32
      %add3A_283 = arith.constant 7 : i32
      %add3A_284 = arith.addi %mul3A_282, %add3A_283 : i32
      %add3A_285 = arith.constant 256 : i32
      %add3A_286 = arith.addi %add3A_285, %add3A_284 : i32
      %get3A_287 = arith.index_cast %add3A_284 : i32 to index
      %get3A_288 = arith.index_cast %mul3A_280 : i32 to index
      %get3A_289 = tpu.vector_load %arg6[%get3A_287, %get3A_288] {strides = array<i32>} : memref<256x128xf32, #tpu.memory_space<vmem>>, vector<1x16xf32>,
      %get3A_290 = vector.shape_cast %get3A_289 : vector<1x16xf32> to vector<16xf32>
      %swap3A_291 = arith.index_cast %add3A_286 : i32 to index
      %swap3A_292 = arith.constant 0 : index
      %swap3A_293 = tpu.vector_load %arg7[%swap3A_291, %swap3A_292] {strides = array<i32>} : memref<512x32xf32, #tpu.memory_space<vmem>>, vector<1x16xf32>,
      %swap3A_294 = vector.shape_cast %swap3A_293 : vector<1x16xf32> to vector<16xf32>
      %swap3A_295 = vector.shape_cast %get3A_290 : vector<16xf32> to vector<1x16xf32>
      tpu.vector_store %arg7[%swap3A_291, %swap3A_292], %swap3A_295 {strides = array<i32>} : memref<512x32xf32, #tpu.memory_space<vmem>>, vector<1x16xf32>,
      %add3A_296 = arith.constant 16 : i32
      %add3A_297 = arith.addi %mul3A_280, %add3A_296 : i32
      %get3A_298 = arith.index_cast %add3A_284 : i32 to index
      %get3A_299 = arith.index_cast %add3A_297 : i32 to index
      %get3A_300 = tpu.vector_load %arg6[%get3A_298, %get3A_299] {strides = array<i32>} : memref<256x128xf32, #tpu.memory_space<vmem>>, vector<1x16xf32>,
      %get3A_301 = vector.shape_cast %get3A_300 : vector<1x16xf32> to vector<16xf32>
      %swap3A_302 = arith.index_cast %add3A_286 : i32 to index
      %swap3A_303 = arith.constant 16 : index
      %swap3A_304 = tpu.vector_load %arg7[%swap3A_302, %swap3A_303] {strides = array<i32>} : memref<512x32xf32, #tpu.memory_space<vmem>>, vector<1x16xf32>,
      %swap3A_305 = vector.shape_cast %swap3A_304 : vector<1x16xf32> to vector<16xf32>
      %swap3A_306 = vector.shape_cast %get3A_301 : vector<16xf32> to vector<1x16xf32>
      tpu.vector_store %arg7[%swap3A_302, %swap3A_303], %swap3A_306 {strides = array<i32>} : memref<512x32xf32, #tpu.memory_space<vmem>>, vector<1x16xf32>,
      %slice3A_307 = vector.extract_strided_slice %get3A_39 {offsets = [8], sizes = [1], strides = [1]} : vector<16xi32> to vector<1xi32>
      %squeeze3A_308 = vector.extract %slice3A_307[0] : i32 from vector<1xi32>
      %shift_right_logical3A_309 = arith.constant 8 : i32
      %shift_right_logical3A_310 = arith.shrui %squeeze3A_308, %shift_right_logical3A_309 : i32
      %and3A_311 = arith.constant 3 : i32
      %and3A_312 = arith.andi %shift_right_logical3A_310, %and3A_311 : i32
      %mul3A_313 = arith.constant 32 : i32
      %mul3A_314 = arith.muli %and3A_312, %mul3A_313 : i32
      %mul3A_315 = arith.constant 16 : i32
      %mul3A_316 = arith.muli %scan3A_33, %mul3A_315 : i32
      %add3A_317 = arith.constant 8 : i32
      %add3A_318 = arith.addi %mul3A_316, %add3A_317 : i32
      %add3A_319 = arith.constant 256 : i32
      %add3A_320 = arith.addi %add3A_319, %add3A_318 : i32
      %get3A_321 = arith.index_cast %add3A_318 : i32 to index
      %get3A_322 = arith.index_cast %mul3A_314 : i32 to index
      %get3A_323 = tpu.vector_load %arg6[%get3A_321, %get3A_322] {strides = array<i32>} : memref<256x128xf32, #tpu.memory_space<vmem>>, vector<1x16xf32>,
      %get3A_324 = vector.shape_cast %get3A_323 : vector<1x16xf32> to vector<16xf32>
      %swap3A_325 = arith.index_cast %add3A_320 : i32 to index
      %swap3A_326 = arith.constant 0 : index
      %swap3A_327 = tpu.vector_load %arg7[%swap3A_325, %swap3A_326] {strides = array<i32>} : memref<512x32xf32, #tpu.memory_space<vmem>>, vector<1x16xf32>,
      %swap3A_328 = vector.shape_cast %swap3A_327 : vector<1x16xf32> to vector<16xf32>
      %swap3A_329 = vector.shape_cast %get3A_324 : vector<16xf32> to vector<1x16xf32>
      tpu.vector_store %arg7[%swap3A_325, %swap3A_326], %swap3A_329 {strides = array<i32>} : memref<512x32xf32, #tpu.memory_space<vmem>>, vector<1x16xf32>,
      %add3A_330 = arith.constant 16 : i32
      %add3A_331 = arith.addi %mul3A_314, %add3A_330 : i32
      %get3A_332 = arith.index_cast %add3A_318 : i32 to index
      %get3A_333 = arith.index_cast %add3A_331 : i32 to index
      %get3A_334 = tpu.vector_load %arg6[%get3A_332, %get3A_333] {strides = array<i32>} : memref<256x128xf32, #tpu.memory_space<vmem>>, vector<1x16xf32>,
      %get3A_335 = vector.shape_cast %get3A_334 : vector<1x16xf32> to vector<16xf32>
      %swap3A_336 = arith.index_cast %add3A_320 : i32 to index
      %swap3A_337 = arith.constant 16 : index
      %swap3A_338 = tpu.vector_load %arg7[%swap3A_336, %swap3A_337] {strides = array<i32>} : memref<512x32xf32, #tpu.memory_space<vmem>>, vector<1x16xf32>,
      %swap3A_339 = vector.shape_cast %swap3A_338 : vector<1x16xf32> to vector<16xf32>
      %swap3A_340 = vector.shape_cast %get3A_335 : vector<16xf32> to vector<1x16xf32>
      tpu.vector_store %arg7[%swap3A_336, %swap3A_337], %swap3A_340 {strides = array<i32>} : memref<512x32xf32, #tpu.memory_space<vmem>>, vector<1x16xf32>,
      %slice3A_341 = vector.extract_strided_slice %get3A_39 {offsets = [9], sizes = [1], strides = [1]} : vector<16xi32> to vector<1xi32>
      %squeeze3A_342 = vector.extract %slice3A_341[0] : i32 from vector<1xi32>
      %shift_right_logical3A_343 = arith.constant 8 : i32
      %shift_right_logical3A_344 = arith.shrui %squeeze3A_342, %shift_right_logical3A_343 : i32
      %and3A_345 = arith.constant 3 : i32
      %and3A_346 = arith.andi %shift_right_logical3A_344, %and3A_345 : i32
      %mul3A_347 = arith.constant 32 : i32
      %mul3A_348 = arith.muli %and3A_346, %mul3A_347 : i32
      %mul3A_349 = arith.constant 16 : i32
      %mul3A_350 = arith.muli %scan3A_33, %mul3A_349 : i32
      %add3A_351 = arith.constant 9 : i32
      %add3A_352 = arith.addi %mul3A_350, %add3A_351 : i32
      %add3A_353 = arith.constant 256 : i32
      %add3A_354 = arith.addi %add3A_353, %add3A_352 : i32
      %get3A_355 = arith.index_cast %add3A_352 : i32 to index
      %get3A_356 = arith.index_cast %mul3A_348 : i32 to index
      %get3A_357 = tpu.vector_load %arg6[%get3A_355, %get3A_356] {strides = array<i32>} : memref<256x128xf32, #tpu.memory_space<vmem>>, vector<1x16xf32>,
      %get3A_358 = vector.shape_cast %get3A_357 : vector<1x16xf32> to vector<16xf32>
      %swap3A_359 = arith.index_cast %add3A_354 : i32 to index
      %swap3A_360 = arith.constant 0 : index
      %swap3A_361 = tpu.vector_load %arg7[%swap3A_359, %swap3A_360] {strides = array<i32>} : memref<512x32xf32, #tpu.memory_space<vmem>>, vector<1x16xf32>,
      %swap3A_362 = vector.shape_cast %swap3A_361 : vector<1x16xf32> to vector<16xf32>
      %swap3A_363 = vector.shape_cast %get3A_358 : vector<16xf32> to vector<1x16xf32>
      tpu.vector_store %arg7[%swap3A_359, %swap3A_360], %swap3A_363 {strides = array<i32>} : memref<512x32xf32, #tpu.memory_space<vmem>>, vector<1x16xf32>,
      %add3A_364 = arith.constant 16 : i32
      %add3A_365 = arith.addi %mul3A_348, %add3A_364 : i32
      %get3A_366 = arith.index_cast %add3A_352 : i32 to index
      %get3A_367 = arith.index_cast %add3A_365 : i32 to index
      %get3A_368 = tpu.vector_load %arg6[%get3A_366, %get3A_367] {strides = array<i32>} : memref<256x128xf32, #tpu.memory_space<vmem>>, vector<1x16xf32>,
      %get3A_369 = vector.shape_cast %get3A_368 : vector<1x16xf32> to vector<16xf32>
      %swap3A_370 = arith.index_cast %add3A_354 : i32 to index
      %swap3A_371 = arith.constant 16 : index
      %swap3A_372 = tpu.vector_load %arg7[%swap3A_370, %swap3A_371] {strides = array<i32>} : memref<512x32xf32, #tpu.memory_space<vmem>>, vector<1x16xf32>,
      %swap3A_373 = vector.shape_cast %swap3A_372 : vector<1x16xf32> to vector<16xf32>
      %swap3A_374 = vector.shape_cast %get3A_369 : vector<16xf32> to vector<1x16xf32>
      tpu.vector_store %arg7[%swap3A_370, %swap3A_371], %swap3A_374 {strides = array<i32>} : memref<512x32xf32, #tpu.memory_space<vmem>>, vector<1x16xf32>,
      %slice3A_375 = vector.extract_strided_slice %get3A_39 {offsets = [10], sizes = [1], strides = [1]} : vector<16xi32> to vector<1xi32>
      %squeeze3A_376 = vector.extract %slice3A_375[0] : i32 from vector<1xi32>
      %shift_right_logical3A_377 = arith.constant 8 : i32
      %shift_right_logical3A_378 = arith.shrui %squeeze3A_376, %shift_right_logical3A_377 : i32
      %and3A_379 = arith.constant 3 : i32
      %and3A_380 = arith.andi %shift_right_logical3A_378, %and3A_379 : i32
      %mul3A_381 = arith.constant 32 : i32
      %mul3A_382 = arith.muli %and3A_380, %mul3A_381 : i32
      %mul3A_383 = arith.constant 16 : i32
      %mul3A_384 = arith.muli %scan3A_33, %mul3A_383 : i32
      %add3A_385 = arith.constant 10 : i32
      %add3A_386 = arith.addi %mul3A_384, %add3A_385 : i32
      %add3A_387 = arith.constant 256 : i32
      %add3A_388 = arith.addi %add3A_387, %add3A_386 : i32
      %get3A_389 = arith.index_cast %add3A_386 : i32 to index
      %get3A_390 = arith.index_cast %mul3A_382 : i32 to index
      %get3A_391 = tpu.vector_load %arg6[%get3A_389, %get3A_390] {strides = array<i32>} : memref<256x128xf32, #tpu.memory_space<vmem>>, vector<1x16xf32>,
      %get3A_392 = vector.shape_cast %get3A_391 : vector<1x16xf32> to vector<16xf32>
      %swap3A_393 = arith.index_cast %add3A_388 : i32 to index
      %swap3A_394 = arith.constant 0 : index
      %swap3A_395 = tpu.vector_load %arg7[%swap3A_393, %swap3A_394] {strides = array<i32>} : memref<512x32xf32, #tpu.memory_space<vmem>>, vector<1x16xf32>,
      %swap3A_396 = vector.shape_cast %swap3A_395 : vector<1x16xf32> to vector<16xf32>
      %swap3A_397 = vector.shape_cast %get3A_392 : vector<16xf32> to vector<1x16xf32>
      tpu.vector_store %arg7[%swap3A_393, %swap3A_394], %swap3A_397 {strides = array<i32>} : memref<512x32xf32, #tpu.memory_space<vmem>>, vector<1x16xf32>,
      %add3A_398 = arith.constant 16 : i32
      %add3A_399 = arith.addi %mul3A_382, %add3A_398 : i32
      %get3A_400 = arith.index_cast %add3A_386 : i32 to index
      %get3A_401 = arith.index_cast %add3A_399 : i32 to index
      %get3A_402 = tpu.vector_load %arg6[%get3A_400, %get3A_401] {strides = array<i32>} : memref<256x128xf32, #tpu.memory_space<vmem>>, vector<1x16xf32>,
      %get3A_403 = vector.shape_cast %get3A_402 : vector<1x16xf32> to vector<16xf32>
      %swap3A_404 = arith.index_cast %add3A_388 : i32 to index
      %swap3A_405 = arith.constant 16 : index
      %swap3A_406 = tpu.vector_load %arg7[%swap3A_404, %swap3A_405] {strides = array<i32>} : memref<512x32xf32, #tpu.memory_space<vmem>>, vector<1x16xf32>,
      %swap3A_407 = vector.shape_cast %swap3A_406 : vector<1x16xf32> to vector<16xf32>
      %swap3A_408 = vector.shape_cast %get3A_403 : vector<16xf32> to vector<1x16xf32>
      tpu.vector_store %arg7[%swap3A_404, %swap3A_405], %swap3A_408 {strides = array<i32>} : memref<512x32xf32, #tpu.memory_space<vmem>>, vector<1x16xf32>,
      %slice3A_409 = vector.extract_strided_slice %get3A_39 {offsets = [11], sizes = [1], strides = [1]} : vector<16xi32> to vector<1xi32>
      %squeeze3A_410 = vector.extract %slice3A_409[0] : i32 from vector<1xi32>
      %shift_right_logical3A_411 = arith.constant 8 : i32
      %shift_right_logical3A_412 = arith.shrui %squeeze3A_410, %shift_right_logical3A_411 : i32
      %and3A_413 = arith.constant 3 : i32
      %and3A_414 = arith.andi %shift_right_logical3A_412, %and3A_413 : i32
      %mul3A_415 = arith.constant 32 : i32
      %mul3A_416 = arith.muli %and3A_414, %mul3A_415 : i32
      %mul3A_417 = arith.constant 16 : i32
      %mul3A_418 = arith.muli %scan3A_33, %mul3A_417 : i32
      %add3A_419 = arith.constant 11 : i32
      %add3A_420 = arith.addi %mul3A_418, %add3A_419 : i32
      %add3A_421 = arith.constant 256 : i32
      %add3A_422 = arith.addi %add3A_421, %add3A_420 : i32
      %get3A_423 = arith.index_cast %add3A_420 : i32 to index
      %get3A_424 = arith.index_cast %mul3A_416 : i32 to index
      %get3A_425 = tpu.vector_load %arg6[%get3A_423, %get3A_424] {strides = array<i32>} : memref<256x128xf32, #tpu.memory_space<vmem>>, vector<1x16xf32>,
      %get3A_426 = vector.shape_cast %get3A_425 : vector<1x16xf32> to vector<16xf32>
      %swap3A_427 = arith.index_cast %add3A_422 : i32 to index
      %swap3A_428 = arith.constant 0 : index
      %swap3A_429 = tpu.vector_load %arg7[%swap3A_427, %swap3A_428] {strides = array<i32>} : memref<512x32xf32, #tpu.memory_space<vmem>>, vector<1x16xf32>,
      %swap3A_430 = vector.shape_cast %swap3A_429 : vector<1x16xf32> to vector<16xf32>
      %swap3A_431 = vector.shape_cast %get3A_426 : vector<16xf32> to vector<1x16xf32>
      tpu.vector_store %arg7[%swap3A_427, %swap3A_428], %swap3A_431 {strides = array<i32>} : memref<512x32xf32, #tpu.memory_space<vmem>>, vector<1x16xf32>,
      %add3A_432 = arith.constant 16 : i32
      %add3A_433 = arith.addi %mul3A_416, %add3A_432 : i32
      %get3A_434 = arith.index_cast %add3A_420 : i32 to index
      %get3A_435 = arith.index_cast %add3A_433 : i32 to index
      %get3A_436 = tpu.vector_load %arg6[%get3A_434, %get3A_435] {strides = array<i32>} : memref<256x128xf32, #tpu.memory_space<vmem>>, vector<1x16xf32>,
      %get3A_437 = vector.shape_cast %get3A_436 : vector<1x16xf32> to vector<16xf32>
      %swap3A_438 = arith.index_cast %add3A_422 : i32 to index
      %swap3A_439 = arith.constant 16 : index
      %swap3A_440 = tpu.vector_load %arg7[%swap3A_438, %swap3A_439] {strides = array<i32>} : memref<512x32xf32, #tpu.memory_space<vmem>>, vector<1x16xf32>,
      %swap3A_441 = vector.shape_cast %swap3A_440 : vector<1x16xf32> to vector<16xf32>
      %swap3A_442 = vector.shape_cast %get3A_437 : vector<16xf32> to vector<1x16xf32>
      tpu.vector_store %arg7[%swap3A_438, %swap3A_439], %swap3A_442 {strides = array<i32>} : memref<512x32xf32, #tpu.memory_space<vmem>>, vector<1x16xf32>,
      %slice3A_443 = vector.extract_strided_slice %get3A_39 {offsets = [12], sizes = [1], strides = [1]} : vector<16xi32> to vector<1xi32>
      %squeeze3A_444 = vector.extract %slice3A_443[0] : i32 from vector<1xi32>
      %shift_right_logical3A_445 = arith.constant 8 : i32
      %shift_right_logical3A_446 = arith.shrui %squeeze3A_444, %shift_right_logical3A_445 : i32
      %and3A_447 = arith.constant 3 : i32
      %and3A_448 = arith.andi %shift_right_logical3A_446, %and3A_447 : i32
      %mul3A_449 = arith.constant 32 : i32
      %mul3A_450 = arith.muli %and3A_448, %mul3A_449 : i32
      %mul3A_451 = arith.constant 16 : i32
      %mul3A_452 = arith.muli %scan3A_33, %mul3A_451 : i32
      %add3A_453 = arith.constant 12 : i32
      %add3A_454 = arith.addi %mul3A_452, %add3A_453 : i32
      %add3A_455 = arith.constant 256 : i32
      %add3A_456 = arith.addi %add3A_455, %add3A_454 : i32
      %get3A_457 = arith.index_cast %add3A_454 : i32 to index
      %get3A_458 = arith.index_cast %mul3A_450 : i32 to index
      %get3A_459 = tpu.vector_load %arg6[%get3A_457, %get3A_458] {strides = array<i32>} : memref<256x128xf32, #tpu.memory_space<vmem>>, vector<1x16xf32>,
      %get3A_460 = vector.shape_cast %get3A_459 : vector<1x16xf32> to vector<16xf32>
      %swap3A_461 = arith.index_cast %add3A_456 : i32 to index
      %swap3A_462 = arith.constant 0 : index
      %swap3A_463 = tpu.vector_load %arg7[%swap3A_461, %swap3A_462] {strides = array<i32>} : memref<512x32xf32, #tpu.memory_space<vmem>>, vector<1x16xf32>,
      %swap3A_464 = vector.shape_cast %swap3A_463 : vector<1x16xf32> to vector<16xf32>
      %swap3A_465 = vector.shape_cast %get3A_460 : vector<16xf32> to vector<1x16xf32>
      tpu.vector_store %arg7[%swap3A_461, %swap3A_462], %swap3A_465 {strides = array<i32>} : memref<512x32xf32, #tpu.memory_space<vmem>>, vector<1x16xf32>,
      %add3A_466 = arith.constant 16 : i32
      %add3A_467 = arith.addi %mul3A_450, %add3A_466 : i32
      %get3A_468 = arith.index_cast %add3A_454 : i32 to index
      %get3A_469 = arith.index_cast %add3A_467 : i32 to index
      %get3A_470 = tpu.vector_load %arg6[%get3A_468, %get3A_469] {strides = array<i32>} : memref<256x128xf32, #tpu.memory_space<vmem>>, vector<1x16xf32>,
      %get3A_471 = vector.shape_cast %get3A_470 : vector<1x16xf32> to vector<16xf32>
      %swap3A_472 = arith.index_cast %add3A_456 : i32 to index
      %swap3A_473 = arith.constant 16 : index
      %swap3A_474 = tpu.vector_load %arg7[%swap3A_472, %swap3A_473] {strides = array<i32>} : memref<512x32xf32, #tpu.memory_space<vmem>>, vector<1x16xf32>,
      %swap3A_475 = vector.shape_cast %swap3A_474 : vector<1x16xf32> to vector<16xf32>
      %swap3A_476 = vector.shape_cast %get3A_471 : vector<16xf32> to vector<1x16xf32>
      tpu.vector_store %arg7[%swap3A_472, %swap3A_473], %swap3A_476 {strides = array<i32>} : memref<512x32xf32, #tpu.memory_space<vmem>>, vector<1x16xf32>,
      %slice3A_477 = vector.extract_strided_slice %get3A_39 {offsets = [13], sizes = [1], strides = [1]} : vector<16xi32> to vector<1xi32>
      %squeeze3A_478 = vector.extract %slice3A_477[0] : i32 from vector<1xi32>
      %shift_right_logical3A_479 = arith.constant 8 : i32
      %shift_right_logical3A_480 = arith.shrui %squeeze3A_478, %shift_right_logical3A_479 : i32
      %and3A_481 = arith.constant 3 : i32
      %and3A_482 = arith.andi %shift_right_logical3A_480, %and3A_481 : i32
      %mul3A_483 = arith.constant 32 : i32
      %mul3A_484 = arith.muli %and3A_482, %mul3A_483 : i32
      %mul3A_485 = arith.constant 16 : i32
      %mul3A_486 = arith.muli %scan3A_33, %mul3A_485 : i32
      %add3A_487 = arith.constant 13 : i32
      %add3A_488 = arith.addi %mul3A_486, %add3A_487 : i32
      %add3A_489 = arith.constant 256 : i32
      %add3A_490 = arith.addi %add3A_489, %add3A_488 : i32
      %get3A_491 = arith.index_cast %add3A_488 : i32 to index
      %get3A_492 = arith.index_cast %mul3A_484 : i32 to index
      %get3A_493 = tpu.vector_load %arg6[%get3A_491, %get3A_492] {strides = array<i32>} : memref<256x128xf32, #tpu.memory_space<vmem>>, vector<1x16xf32>,
      %get3A_494 = vector.shape_cast %get3A_493 : vector<1x16xf32> to vector<16xf32>
      %swap3A_495 = arith.index_cast %add3A_490 : i32 to index
      %swap3A_496 = arith.constant 0 : index
      %swap3A_497 = tpu.vector_load %arg7[%swap3A_495, %swap3A_496] {strides = array<i32>} : memref<512x32xf32, #tpu.memory_space<vmem>>, vector<1x16xf32>,
      %swap3A_498 = vector.shape_cast %swap3A_497 : vector<1x16xf32> to vector<16xf32>
      %swap3A_499 = vector.shape_cast %get3A_494 : vector<16xf32> to vector<1x16xf32>
      tpu.vector_store %arg7[%swap3A_495, %swap3A_496], %swap3A_499 {strides = array<i32>} : memref<512x32xf32, #tpu.memory_space<vmem>>, vector<1x16xf32>,
      %add3A_500 = arith.constant 16 : i32
      %add3A_501 = arith.addi %mul3A_484, %add3A_500 : i32
      %get3A_502 = arith.index_cast %add3A_488 : i32 to index
      %get3A_503 = arith.index_cast %add3A_501 : i32 to index
      %get3A_504 = tpu.vector_load %arg6[%get3A_502, %get3A_503] {strides = array<i32>} : memref<256x128xf32, #tpu.memory_space<vmem>>, vector<1x16xf32>,
      %get3A_505 = vector.shape_cast %get3A_504 : vector<1x16xf32> to vector<16xf32>
      %swap3A_506 = arith.index_cast %add3A_490 : i32 to index
      %swap3A_507 = arith.constant 16 : index
      %swap3A_508 = tpu.vector_load %arg7[%swap3A_506, %swap3A_507] {strides = array<i32>} : memref<512x32xf32, #tpu.memory_space<vmem>>, vector<1x16xf32>,
      %swap3A_509 = vector.shape_cast %swap3A_508 : vector<1x16xf32> to vector<16xf32>
      %swap3A_510 = vector.shape_cast %get3A_505 : vector<16xf32> to vector<1x16xf32>
      tpu.vector_store %arg7[%swap3A_506, %swap3A_507], %swap3A_510 {strides = array<i32>} : memref<512x32xf32, #tpu.memory_space<vmem>>, vector<1x16xf32>,
      %slice3A_511 = vector.extract_strided_slice %get3A_39 {offsets = [14], sizes = [1], strides = [1]} : vector<16xi32> to vector<1xi32>
      %squeeze3A_512 = vector.extract %slice3A_511[0] : i32 from vector<1xi32>
      %shift_right_logical3A_513 = arith.constant 8 : i32
      %shift_right_logical3A_514 = arith.shrui %squeeze3A_512, %shift_right_logical3A_513 : i32
      %and3A_515 = arith.constant 3 : i32
      %and3A_516 = arith.andi %shift_right_logical3A_514, %and3A_515 : i32
      %mul3A_517 = arith.constant 32 : i32
      %mul3A_518 = arith.muli %and3A_516, %mul3A_517 : i32
      %mul3A_519 = arith.constant 16 : i32
      %mul3A_520 = arith.muli %scan3A_33, %mul3A_519 : i32
      %add3A_521 = arith.constant 14 : i32
      %add3A_522 = arith.addi %mul3A_520, %add3A_521 : i32
      %add3A_523 = arith.constant 256 : i32
      %add3A_524 = arith.addi %add3A_523, %add3A_522 : i32
      %get3A_525 = arith.index_cast %add3A_522 : i32 to index
      %get3A_526 = arith.index_cast %mul3A_518 : i32 to index
      %get3A_527 = tpu.vector_load %arg6[%get3A_525, %get3A_526] {strides = array<i32>} : memref<256x128xf32, #tpu.memory_space<vmem>>, vector<1x16xf32>,
      %get3A_528 = vector.shape_cast %get3A_527 : vector<1x16xf32> to vector<16xf32>
      %swap3A_529 = arith.index_cast %add3A_524 : i32 to index
      %swap3A_530 = arith.constant 0 : index
      %swap3A_531 = tpu.vector_load %arg7[%swap3A_529, %swap3A_530] {strides = array<i32>} : memref<512x32xf32, #tpu.memory_space<vmem>>, vector<1x16xf32>,
      %swap3A_532 = vector.shape_cast %swap3A_531 : vector<1x16xf32> to vector<16xf32>
      %swap3A_533 = vector.shape_cast %get3A_528 : vector<16xf32> to vector<1x16xf32>
      tpu.vector_store %arg7[%swap3A_529, %swap3A_530], %swap3A_533 {strides = array<i32>} : memref<512x32xf32, #tpu.memory_space<vmem>>, vector<1x16xf32>,
      %add3A_534 = arith.constant 16 : i32
      %add3A_535 = arith.addi %mul3A_518, %add3A_534 : i32
      %get3A_536 = arith.index_cast %add3A_522 : i32 to index
      %get3A_537 = arith.index_cast %add3A_535 : i32 to index
      %get3A_538 = tpu.vector_load %arg6[%get3A_536, %get3A_537] {strides = array<i32>} : memref<256x128xf32, #tpu.memory_space<vmem>>, vector<1x16xf32>,
      %get3A_539 = vector.shape_cast %get3A_538 : vector<1x16xf32> to vector<16xf32>
      %swap3A_540 = arith.index_cast %add3A_524 : i32 to index
      %swap3A_541 = arith.constant 16 : index
      %swap3A_542 = tpu.vector_load %arg7[%swap3A_540, %swap3A_541] {strides = array<i32>} : memref<512x32xf32, #tpu.memory_space<vmem>>, vector<1x16xf32>,
      %swap3A_543 = vector.shape_cast %swap3A_542 : vector<1x16xf32> to vector<16xf32>
      %swap3A_544 = vector.shape_cast %get3A_539 : vector<16xf32> to vector<1x16xf32>
      tpu.vector_store %arg7[%swap3A_540, %swap3A_541], %swap3A_544 {strides = array<i32>} : memref<512x32xf32, #tpu.memory_space<vmem>>, vector<1x16xf32>,
      %slice3A_545 = vector.extract_strided_slice %get3A_39 {offsets = [15], sizes = [1], strides = [1]} : vector<16xi32> to vector<1xi32>
      %squeeze3A_546 = vector.extract %slice3A_545[0] : i32 from vector<1xi32>
      %shift_right_logical3A_547 = arith.constant 8 : i32
      %shift_right_logical3A_548 = arith.shrui %squeeze3A_546, %shift_right_logical3A_547 : i32
      %and3A_549 = arith.constant 3 : i32
      %and3A_550 = arith.andi %shift_right_logical3A_548, %and3A_549 : i32
      %mul3A_551 = arith.constant 32 : i32
      %mul3A_552 = arith.muli %and3A_550, %mul3A_551 : i32
      %mul3A_553 = arith.constant 16 : i32
      %mul3A_554 = arith.muli %scan3A_33, %mul3A_553 : i32
      %add3A_555 = arith.constant 15 : i32
      %add3A_556 = arith.addi %mul3A_554, %add3A_555 : i32
      %add3A_557 = arith.constant 256 : i32
      %add3A_558 = arith.addi %add3A_557, %add3A_556 : i32
      %get3A_559 = arith.index_cast %add3A_556 : i32 to index
      %get3A_560 = arith.index_cast %mul3A_552 : i32 to index
      %get3A_561 = tpu.vector_load %arg6[%get3A_559, %get3A_560] {strides = array<i32>} : memref<256x128xf32, #tpu.memory_space<vmem>>, vector<1x16xf32>,
      %get3A_562 = vector.shape_cast %get3A_561 : vector<1x16xf32> to vector<16xf32>
      %swap3A_563 = arith.index_cast %add3A_558 : i32 to index
      %swap3A_564 = arith.constant 0 : index
      %swap3A_565 = tpu.vector_load %arg7[%swap3A_563, %swap3A_564] {strides = array<i32>} : memref<512x32xf32, #tpu.memory_space<vmem>>, vector<1x16xf32>,
      %swap3A_566 = vector.shape_cast %swap3A_565 : vector<1x16xf32> to vector<16xf32>
      %swap3A_567 = vector.shape_cast %get3A_562 : vector<16xf32> to vector<1x16xf32>
      tpu.vector_store %arg7[%swap3A_563, %swap3A_564], %swap3A_567 {strides = array<i32>} : memref<512x32xf32, #tpu.memory_space<vmem>>, vector<1x16xf32>,
      %add3A_568 = arith.constant 16 : i32
      %add3A_569 = arith.addi %mul3A_552, %add3A_568 : i32
      %get3A_570 = arith.index_cast %add3A_556 : i32 to index
      %get3A_571 = arith.index_cast %add3A_569 : i32 to index
      %get3A_572 = tpu.vector_load %arg6[%get3A_570, %get3A_571] {strides = array<i32>} : memref<256x128xf32, #tpu.memory_space<vmem>>, vector<1x16xf32>,
      %get3A_573 = vector.shape_cast %get3A_572 : vector<1x16xf32> to vector<16xf32>
      %swap3A_574 = arith.index_cast %add3A_558 : i32 to index
      %swap3A_575 = arith.constant 16 : index
      %swap3A_576 = tpu.vector_load %arg7[%swap3A_574, %swap3A_575] {strides = array<i32>} : memref<512x32xf32, #tpu.memory_space<vmem>>, vector<1x16xf32>,
      %swap3A_577 = vector.shape_cast %swap3A_576 : vector<1x16xf32> to vector<16xf32>
      %swap3A_578 = vector.shape_cast %get3A_573 : vector<16xf32> to vector<1x16xf32>
      tpu.vector_store %arg7[%swap3A_574, %swap3A_575], %swap3A_578 {strides = array<i32>} : memref<512x32xf32, #tpu.memory_space<vmem>>, vector<1x16xf32>,
    }
    %scan3A_32 = arith.constant 16 : i32
    "tpu.region"() ({
      %run_scoped3A = tpu.sem_alloc : memref<!tpu.dma_semaphore, #tpu.memory_space<semaphore_mem>>
      %dma_start3A = arith.constant 0 : i32
      %dma_start3A_33 = tpu.memref_slice %arg4[%mul3A_2, %dma_start3A] : memref<16384x32xf32, #tpu.memory_space<hbm>> -> memref<512x32xf32, #tpu.memory_space<hbm>>
      %dma_start3A_34 = arith.constant 0 : i32
      %dma_start3A_35 = tpu.memref_slice %arg4[%mul3A_2, %dma_start3A_34] : memref<16384x32xf32, #tpu.memory_space<hbm>> -> memref<512x32xf32, #tpu.memory_space<hbm>>
      tpu.enqueue_dma source(%arg7 : memref<512x32xf32, #tpu.memory_space<vmem>>) target(%dma_start3A_35 : memref<512x32xf32, #tpu.memory_space<hbm>>) target_semaphore(%run_scoped3A : memref<!tpu.dma_semaphore, #tpu.memory_space<semaphore_mem>>)
      %dma_wait3A_36 = arith.constant 0 : i32
      %dma_wait3A_37 = tpu.memref_slice %arg4[%mul3A_2, %dma_wait3A_36] : memref<16384x32xf32, #tpu.memory_space<hbm>> -> memref<512x32xf32, #tpu.memory_space<hbm>>
      %dma_wait3A_38 = arith.constant 0 : i32
      %dma_wait3A_39 = tpu.memref_slice %arg4[%mul3A_2, %dma_wait3A_38] : memref<16384x32xf32, #tpu.memory_space<hbm>> -> memref<512x32xf32, #tpu.memory_space<hbm>>
      tpu.wait_dma2 semaphore(%run_scoped3A : memref<!tpu.dma_semaphore, #tpu.memory_space<semaphore_mem>>) src(%arg7 : memref<512x32xf32, #tpu.memory_space<vmem>>) dst(%dma_wait3A_39 : memref<512x32xf32, #tpu.memory_space<hbm>>)
      tpu.yield
    }) : () -> ()
    return
  }
}

module attributes {stable_mosaic.version = 14 : i64} {
  func.func @_proj_body(%arg0: i32, %arg1: memref<32x16384xf32, #tpu.memory_space<vmem>>, %arg2: memref<32x32xf32, #tpu.memory_space<vmem>>, %arg3: memref<1x32xf32, #tpu.memory_space<vmem>>, %arg4: memref<4096x128xf32, #tpu.memory_space<vmem>>) attributes {dimension_semantics = [#tpu.dimension_semantics<arbitrary>], iteration_bounds = array<i64: 62>, scalar_prefetch = 0 : i64, scratch_operands = 0 : i64, tpu.core_type = #tpu.core_type<tc>, window_params = [{transform_indices = @transform_0, window_bounds = array<i64: 32, 16384>}, {pipeline_mode = #tpu.pipeline_mode<synchronous>, transform_indices = @transform_1, window_bounds = array<i64: 32, 32>}, {pipeline_mode = #tpu.pipeline_mode<synchronous>, transform_indices = @transform_2, window_bounds = array<i64: 1, 32>}, {transform_indices = @transform_3, window_bounds = array<i64: 4096, 128>}]} {
    %get3A = arith.constant 0 : index
    %get3A_0 = arith.constant 0 : index
    %get3A_1 = vector.load %arg2[%get3A, %get3A_0] : memref<32x32xf32, #tpu.memory_space<vmem>>, vector<32x32xf32>
    %convert_element_type3A = arith.truncf %get3A_1 : vector<32x32xf32> to vector<32x32xbf16>
    %get3A_2 = arith.constant 0 : index
    %get3A_3 = arith.constant 0 : index
    %get3A_4 = vector.load %arg1[%get3A_2, %get3A_3] : memref<32x16384xf32, #tpu.memory_space<vmem>>, vector<32x1024xf32>
    %convert_element_type3A_5 = arith.truncf %get3A_4 : vector<32x1024xf32> to vector<32x1024xbf16>
    %dot_general3A = arith.constant dense<0.000000e+00> : vector<1024x32xf32>
    %dot_general3A_6 = tpu.matmul %convert_element_type3A_5, %convert_element_type3A, %dot_general3A {dimension_numbers = #tpu.dot_dimension_numbers<[0], [0], [1], [1], [0, 1, 1, 1], [], []>, transpose_lhs_hint = false} : vector<32x1024xbf16>, vector<32x32xbf16>, vector<1024x32xf32> -> vector<1024x32xf32>
    %get3A_7 = arith.constant 0 : index
    %get3A_8 = arith.constant 0 : index
    %get3A_9 = vector.load %arg3[%get3A_7, %get3A_8] : memref<1x32xf32, #tpu.memory_space<vmem>>, vector<1x32xf32>
    %add3A = vector.broadcast %get3A_9 : vector<1x32xf32> to vector<1024x32xf32>
    %add3A_10 = arith.addf %dot_general3A_6, %add3A : vector<1024x32xf32>
    %slice3A = vector.extract_strided_slice %add3A_10 {offsets = [0, 0], sizes = [256, 32], strides = [1, 1]} : vector<1024x32xf32> to vector<256x32xf32>
    %slice3A_11 = vector.extract_strided_slice %add3A_10 {offsets = [256, 0], sizes = [256, 32], strides = [1, 1]} : vector<1024x32xf32> to vector<256x32xf32>
    %slice3A_12 = vector.extract_strided_slice %add3A_10 {offsets = [512, 0], sizes = [256, 32], strides = [1, 1]} : vector<1024x32xf32> to vector<256x32xf32>
    %slice3A_13 = vector.extract_strided_slice %add3A_10 {offsets = [768, 0], sizes = [256, 32], strides = [1, 1]} : vector<1024x32xf32> to vector<256x32xf32>
    %concatenate3A = tpu.concatenate %slice3A, %slice3A_11, %slice3A_12, %slice3A_13 in 1 : vector<256x32xf32>, vector<256x32xf32>, vector<256x32xf32>, vector<256x32xf32> -> vector<256x128xf32>
    %swap3A = arith.constant 0 : index
    %swap3A_14 = arith.constant 0 : index
    %swap3A_15 = vector.load %arg4[%swap3A, %swap3A_14] : memref<4096x128xf32, #tpu.memory_space<vmem>>, vector<256x128xf32>
    tpu.vector_store %arg4[%swap3A, %swap3A_14], %concatenate3A {strides = array<i32>} : memref<4096x128xf32, #tpu.memory_space<vmem>>, vector<256x128xf32>,
    %get3A_16 = arith.constant 0 : index
    %get3A_17 = arith.constant 1024 : index
    %get3A_18 = vector.load %arg1[%get3A_16, %get3A_17] : memref<32x16384xf32, #tpu.memory_space<vmem>>, vector<32x1024xf32>
    %convert_element_type3A_19 = arith.truncf %get3A_18 : vector<32x1024xf32> to vector<32x1024xbf16>
    %dot_general3A_20 = arith.constant dense<0.000000e+00> : vector<1024x32xf32>
    %dot_general3A_21 = tpu.matmul %convert_element_type3A_19, %convert_element_type3A, %dot_general3A_20 {dimension_numbers = #tpu.dot_dimension_numbers<[0], [0], [1], [1], [0, 1, 1, 1], [], []>, transpose_lhs_hint = false} : vector<32x1024xbf16>, vector<32x32xbf16>, vector<1024x32xf32> -> vector<1024x32xf32>
    %get3A_22 = arith.constant 0 : index
    %get3A_23 = arith.constant 0 : index
    %get3A_24 = vector.load %arg3[%get3A_22, %get3A_23] : memref<1x32xf32, #tpu.memory_space<vmem>>, vector<1x32xf32>
    %add3A_25 = vector.broadcast %get3A_24 : vector<1x32xf32> to vector<1024x32xf32>
    %add3A_26 = arith.addf %dot_general3A_21, %add3A_25 : vector<1024x32xf32>
    %slice3A_27 = vector.extract_strided_slice %add3A_26 {offsets = [0, 0], sizes = [256, 32], strides = [1, 1]} : vector<1024x32xf32> to vector<256x32xf32>
    %slice3A_28 = vector.extract_strided_slice %add3A_26 {offsets = [256, 0], sizes = [256, 32], strides = [1, 1]} : vector<1024x32xf32> to vector<256x32xf32>
    %slice3A_29 = vector.extract_strided_slice %add3A_26 {offsets = [512, 0], sizes = [256, 32], strides = [1, 1]} : vector<1024x32xf32> to vector<256x32xf32>
    %slice3A_30 = vector.extract_strided_slice %add3A_26 {offsets = [768, 0], sizes = [256, 32], strides = [1, 1]} : vector<1024x32xf32> to vector<256x32xf32>
    %concatenate3A_31 = tpu.concatenate %slice3A_27, %slice3A_28, %slice3A_29, %slice3A_30 in 1 : vector<256x32xf32>, vector<256x32xf32>, vector<256x32xf32>, vector<256x32xf32> -> vector<256x128xf32>
    %swap3A_32 = arith.constant 256 : index
    %swap3A_33 = arith.constant 0 : index
    %swap3A_34 = vector.load %arg4[%swap3A_32, %swap3A_33] : memref<4096x128xf32, #tpu.memory_space<vmem>>, vector<256x128xf32>
    tpu.vector_store %arg4[%swap3A_32, %swap3A_33], %concatenate3A_31 {strides = array<i32>} : memref<4096x128xf32, #tpu.memory_space<vmem>>, vector<256x128xf32>,
    %get3A_35 = arith.constant 0 : index
    %get3A_36 = arith.constant 2048 : index
    %get3A_37 = vector.load %arg1[%get3A_35, %get3A_36] : memref<32x16384xf32, #tpu.memory_space<vmem>>, vector<32x1024xf32>
    %convert_element_type3A_38 = arith.truncf %get3A_37 : vector<32x1024xf32> to vector<32x1024xbf16>
    %dot_general3A_39 = arith.constant dense<0.000000e+00> : vector<1024x32xf32>
    %dot_general3A_40 = tpu.matmul %convert_element_type3A_38, %convert_element_type3A, %dot_general3A_39 {dimension_numbers = #tpu.dot_dimension_numbers<[0], [0], [1], [1], [0, 1, 1, 1], [], []>, transpose_lhs_hint = false} : vector<32x1024xbf16>, vector<32x32xbf16>, vector<1024x32xf32> -> vector<1024x32xf32>
    %get3A_41 = arith.constant 0 : index
    %get3A_42 = arith.constant 0 : index
    %get3A_43 = vector.load %arg3[%get3A_41, %get3A_42] : memref<1x32xf32, #tpu.memory_space<vmem>>, vector<1x32xf32>
    %add3A_44 = vector.broadcast %get3A_43 : vector<1x32xf32> to vector<1024x32xf32>
    %add3A_45 = arith.addf %dot_general3A_40, %add3A_44 : vector<1024x32xf32>
    %slice3A_46 = vector.extract_strided_slice %add3A_45 {offsets = [0, 0], sizes = [256, 32], strides = [1, 1]} : vector<1024x32xf32> to vector<256x32xf32>
    %slice3A_47 = vector.extract_strided_slice %add3A_45 {offsets = [256, 0], sizes = [256, 32], strides = [1, 1]} : vector<1024x32xf32> to vector<256x32xf32>
    %slice3A_48 = vector.extract_strided_slice %add3A_45 {offsets = [512, 0], sizes = [256, 32], strides = [1, 1]} : vector<1024x32xf32> to vector<256x32xf32>
    %slice3A_49 = vector.extract_strided_slice %add3A_45 {offsets = [768, 0], sizes = [256, 32], strides = [1, 1]} : vector<1024x32xf32> to vector<256x32xf32>
    %concatenate3A_50 = tpu.concatenate %slice3A_46, %slice3A_47, %slice3A_48, %slice3A_49 in 1 : vector<256x32xf32>, vector<256x32xf32>, vector<256x32xf32>, vector<256x32xf32> -> vector<256x128xf32>
    %swap3A_51 = arith.constant 512 : index
    %swap3A_52 = arith.constant 0 : index
    %swap3A_53 = vector.load %arg4[%swap3A_51, %swap3A_52] : memref<4096x128xf32, #tpu.memory_space<vmem>>, vector<256x128xf32>
    tpu.vector_store %arg4[%swap3A_51, %swap3A_52], %concatenate3A_50 {strides = array<i32>} : memref<4096x128xf32, #tpu.memory_space<vmem>>, vector<256x128xf32>,
    %get3A_54 = arith.constant 0 : index
    %get3A_55 = arith.constant 3072 : index
    %get3A_56 = vector.load %arg1[%get3A_54, %get3A_55] : memref<32x16384xf32, #tpu.memory_space<vmem>>, vector<32x1024xf32>
    %convert_element_type3A_57 = arith.truncf %get3A_56 : vector<32x1024xf32> to vector<32x1024xbf16>
    %dot_general3A_58 = arith.constant dense<0.000000e+00> : vector<1024x32xf32>
    %dot_general3A_59 = tpu.matmul %convert_element_type3A_57, %convert_element_type3A, %dot_general3A_58 {dimension_numbers = #tpu.dot_dimension_numbers<[0], [0], [1], [1], [0, 1, 1, 1], [], []>, transpose_lhs_hint = false} : vector<32x1024xbf16>, vector<32x32xbf16>, vector<1024x32xf32> -> vector<1024x32xf32>
    %get3A_60 = arith.constant 0 : index
    %get3A_61 = arith.constant 0 : index
    %get3A_62 = vector.load %arg3[%get3A_60, %get3A_61] : memref<1x32xf32, #tpu.memory_space<vmem>>, vector<1x32xf32>
    %add3A_63 = vector.broadcast %get3A_62 : vector<1x32xf32> to vector<1024x32xf32>
    %add3A_64 = arith.addf %dot_general3A_59, %add3A_63 : vector<1024x32xf32>
    %slice3A_65 = vector.extract_strided_slice %add3A_64 {offsets = [0, 0], sizes = [256, 32], strides = [1, 1]} : vector<1024x32xf32> to vector<256x32xf32>
    %slice3A_66 = vector.extract_strided_slice %add3A_64 {offsets = [256, 0], sizes = [256, 32], strides = [1, 1]} : vector<1024x32xf32> to vector<256x32xf32>
    %slice3A_67 = vector.extract_strided_slice %add3A_64 {offsets = [512, 0], sizes = [256, 32], strides = [1, 1]} : vector<1024x32xf32> to vector<256x32xf32>
    %slice3A_68 = vector.extract_strided_slice %add3A_64 {offsets = [768, 0], sizes = [256, 32], strides = [1, 1]} : vector<1024x32xf32> to vector<256x32xf32>
    %concatenate3A_69 = tpu.concatenate %slice3A_65, %slice3A_66, %slice3A_67, %slice3A_68 in 1 : vector<256x32xf32>, vector<256x32xf32>, vector<256x32xf32>, vector<256x32xf32> -> vector<256x128xf32>
    %swap3A_70 = arith.constant 768 : index
    %swap3A_71 = arith.constant 0 : index
    %swap3A_72 = vector.load %arg4[%swap3A_70, %swap3A_71] : memref<4096x128xf32, #tpu.memory_space<vmem>>, vector<256x128xf32>
    tpu.vector_store %arg4[%swap3A_70, %swap3A_71], %concatenate3A_69 {strides = array<i32>} : memref<4096x128xf32, #tpu.memory_space<vmem>>, vector<256x128xf32>,
    %get3A_73 = arith.constant 0 : index
    %get3A_74 = arith.constant 4096 : index
    %get3A_75 = vector.load %arg1[%get3A_73, %get3A_74] : memref<32x16384xf32, #tpu.memory_space<vmem>>, vector<32x1024xf32>
    %convert_element_type3A_76 = arith.truncf %get3A_75 : vector<32x1024xf32> to vector<32x1024xbf16>
    %dot_general3A_77 = arith.constant dense<0.000000e+00> : vector<1024x32xf32>
    %dot_general3A_78 = tpu.matmul %convert_element_type3A_76, %convert_element_type3A, %dot_general3A_77 {dimension_numbers = #tpu.dot_dimension_numbers<[0], [0], [1], [1], [0, 1, 1, 1], [], []>, transpose_lhs_hint = false} : vector<32x1024xbf16>, vector<32x32xbf16>, vector<1024x32xf32> -> vector<1024x32xf32>
    %get3A_79 = arith.constant 0 : index
    %get3A_80 = arith.constant 0 : index
    %get3A_81 = vector.load %arg3[%get3A_79, %get3A_80] : memref<1x32xf32, #tpu.memory_space<vmem>>, vector<1x32xf32>
    %add3A_82 = vector.broadcast %get3A_81 : vector<1x32xf32> to vector<1024x32xf32>
    %add3A_83 = arith.addf %dot_general3A_78, %add3A_82 : vector<1024x32xf32>
    %slice3A_84 = vector.extract_strided_slice %add3A_83 {offsets = [0, 0], sizes = [256, 32], strides = [1, 1]} : vector<1024x32xf32> to vector<256x32xf32>
    %slice3A_85 = vector.extract_strided_slice %add3A_83 {offsets = [256, 0], sizes = [256, 32], strides = [1, 1]} : vector<1024x32xf32> to vector<256x32xf32>
    %slice3A_86 = vector.extract_strided_slice %add3A_83 {offsets = [512, 0], sizes = [256, 32], strides = [1, 1]} : vector<1024x32xf32> to vector<256x32xf32>
    %slice3A_87 = vector.extract_strided_slice %add3A_83 {offsets = [768, 0], sizes = [256, 32], strides = [1, 1]} : vector<1024x32xf32> to vector<256x32xf32>
    %concatenate3A_88 = tpu.concatenate %slice3A_84, %slice3A_85, %slice3A_86, %slice3A_87 in 1 : vector<256x32xf32>, vector<256x32xf32>, vector<256x32xf32>, vector<256x32xf32> -> vector<256x128xf32>
    %swap3A_89 = arith.constant 1024 : index
    %swap3A_90 = arith.constant 0 : index
    %swap3A_91 = vector.load %arg4[%swap3A_89, %swap3A_90] : memref<4096x128xf32, #tpu.memory_space<vmem>>, vector<256x128xf32>
    tpu.vector_store %arg4[%swap3A_89, %swap3A_90], %concatenate3A_88 {strides = array<i32>} : memref<4096x128xf32, #tpu.memory_space<vmem>>, vector<256x128xf32>,
    %get3A_92 = arith.constant 0 : index
    %get3A_93 = arith.constant 5120 : index
    %get3A_94 = vector.load %arg1[%get3A_92, %get3A_93] : memref<32x16384xf32, #tpu.memory_space<vmem>>, vector<32x1024xf32>
    %convert_element_type3A_95 = arith.truncf %get3A_94 : vector<32x1024xf32> to vector<32x1024xbf16>
    %dot_general3A_96 = arith.constant dense<0.000000e+00> : vector<1024x32xf32>
    %dot_general3A_97 = tpu.matmul %convert_element_type3A_95, %convert_element_type3A, %dot_general3A_96 {dimension_numbers = #tpu.dot_dimension_numbers<[0], [0], [1], [1], [0, 1, 1, 1], [], []>, transpose_lhs_hint = false} : vector<32x1024xbf16>, vector<32x32xbf16>, vector<1024x32xf32> -> vector<1024x32xf32>
    %get3A_98 = arith.constant 0 : index
    %get3A_99 = arith.constant 0 : index
    %get3A_100 = vector.load %arg3[%get3A_98, %get3A_99] : memref<1x32xf32, #tpu.memory_space<vmem>>, vector<1x32xf32>
    %add3A_101 = vector.broadcast %get3A_100 : vector<1x32xf32> to vector<1024x32xf32>
    %add3A_102 = arith.addf %dot_general3A_97, %add3A_101 : vector<1024x32xf32>
    %slice3A_103 = vector.extract_strided_slice %add3A_102 {offsets = [0, 0], sizes = [256, 32], strides = [1, 1]} : vector<1024x32xf32> to vector<256x32xf32>
    %slice3A_104 = vector.extract_strided_slice %add3A_102 {offsets = [256, 0], sizes = [256, 32], strides = [1, 1]} : vector<1024x32xf32> to vector<256x32xf32>
    %slice3A_105 = vector.extract_strided_slice %add3A_102 {offsets = [512, 0], sizes = [256, 32], strides = [1, 1]} : vector<1024x32xf32> to vector<256x32xf32>
    %slice3A_106 = vector.extract_strided_slice %add3A_102 {offsets = [768, 0], sizes = [256, 32], strides = [1, 1]} : vector<1024x32xf32> to vector<256x32xf32>
    %concatenate3A_107 = tpu.concatenate %slice3A_103, %slice3A_104, %slice3A_105, %slice3A_106 in 1 : vector<256x32xf32>, vector<256x32xf32>, vector<256x32xf32>, vector<256x32xf32> -> vector<256x128xf32>
    %swap3A_108 = arith.constant 1280 : index
    %swap3A_109 = arith.constant 0 : index
    %swap3A_110 = vector.load %arg4[%swap3A_108, %swap3A_109] : memref<4096x128xf32, #tpu.memory_space<vmem>>, vector<256x128xf32>
    tpu.vector_store %arg4[%swap3A_108, %swap3A_109], %concatenate3A_107 {strides = array<i32>} : memref<4096x128xf32, #tpu.memory_space<vmem>>, vector<256x128xf32>,
    %get3A_111 = arith.constant 0 : index
    %get3A_112 = arith.constant 6144 : index
    %get3A_113 = vector.load %arg1[%get3A_111, %get3A_112] : memref<32x16384xf32, #tpu.memory_space<vmem>>, vector<32x1024xf32>
    %convert_element_type3A_114 = arith.truncf %get3A_113 : vector<32x1024xf32> to vector<32x1024xbf16>
    %dot_general3A_115 = arith.constant dense<0.000000e+00> : vector<1024x32xf32>
    %dot_general3A_116 = tpu.matmul %convert_element_type3A_114, %convert_element_type3A, %dot_general3A_115 {dimension_numbers = #tpu.dot_dimension_numbers<[0], [0], [1], [1], [0, 1, 1, 1], [], []>, transpose_lhs_hint = false} : vector<32x1024xbf16>, vector<32x32xbf16>, vector<1024x32xf32> -> vector<1024x32xf32>
    %get3A_117 = arith.constant 0 : index
    %get3A_118 = arith.constant 0 : index
    %get3A_119 = vector.load %arg3[%get3A_117, %get3A_118] : memref<1x32xf32, #tpu.memory_space<vmem>>, vector<1x32xf32>
    %add3A_120 = vector.broadcast %get3A_119 : vector<1x32xf32> to vector<1024x32xf32>
    %add3A_121 = arith.addf %dot_general3A_116, %add3A_120 : vector<1024x32xf32>
    %slice3A_122 = vector.extract_strided_slice %add3A_121 {offsets = [0, 0], sizes = [256, 32], strides = [1, 1]} : vector<1024x32xf32> to vector<256x32xf32>
    %slice3A_123 = vector.extract_strided_slice %add3A_121 {offsets = [256, 0], sizes = [256, 32], strides = [1, 1]} : vector<1024x32xf32> to vector<256x32xf32>
    %slice3A_124 = vector.extract_strided_slice %add3A_121 {offsets = [512, 0], sizes = [256, 32], strides = [1, 1]} : vector<1024x32xf32> to vector<256x32xf32>
    %slice3A_125 = vector.extract_strided_slice %add3A_121 {offsets = [768, 0], sizes = [256, 32], strides = [1, 1]} : vector<1024x32xf32> to vector<256x32xf32>
    %concatenate3A_126 = tpu.concatenate %slice3A_122, %slice3A_123, %slice3A_124, %slice3A_125 in 1 : vector<256x32xf32>, vector<256x32xf32>, vector<256x32xf32>, vector<256x32xf32> -> vector<256x128xf32>
    %swap3A_127 = arith.constant 1536 : index
    %swap3A_128 = arith.constant 0 : index
    %swap3A_129 = vector.load %arg4[%swap3A_127, %swap3A_128] : memref<4096x128xf32, #tpu.memory_space<vmem>>, vector<256x128xf32>
    tpu.vector_store %arg4[%swap3A_127, %swap3A_128], %concatenate3A_126 {strides = array<i32>} : memref<4096x128xf32, #tpu.memory_space<vmem>>, vector<256x128xf32>,
    %get3A_130 = arith.constant 0 : index
    %get3A_131 = arith.constant 7168 : index
    %get3A_132 = vector.load %arg1[%get3A_130, %get3A_131] : memref<32x16384xf32, #tpu.memory_space<vmem>>, vector<32x1024xf32>
    %convert_element_type3A_133 = arith.truncf %get3A_132 : vector<32x1024xf32> to vector<32x1024xbf16>
    %dot_general3A_134 = arith.constant dense<0.000000e+00> : vector<1024x32xf32>
    %dot_general3A_135 = tpu.matmul %convert_element_type3A_133, %convert_element_type3A, %dot_general3A_134 {dimension_numbers = #tpu.dot_dimension_numbers<[0], [0], [1], [1], [0, 1, 1, 1], [], []>, transpose_lhs_hint = false} : vector<32x1024xbf16>, vector<32x32xbf16>, vector<1024x32xf32> -> vector<1024x32xf32>
    %get3A_136 = arith.constant 0 : index
    %get3A_137 = arith.constant 0 : index
    %get3A_138 = vector.load %arg3[%get3A_136, %get3A_137] : memref<1x32xf32, #tpu.memory_space<vmem>>, vector<1x32xf32>
    %add3A_139 = vector.broadcast %get3A_138 : vector<1x32xf32> to vector<1024x32xf32>
    %add3A_140 = arith.addf %dot_general3A_135, %add3A_139 : vector<1024x32xf32>
    %slice3A_141 = vector.extract_strided_slice %add3A_140 {offsets = [0, 0], sizes = [256, 32], strides = [1, 1]} : vector<1024x32xf32> to vector<256x32xf32>
    %slice3A_142 = vector.extract_strided_slice %add3A_140 {offsets = [256, 0], sizes = [256, 32], strides = [1, 1]} : vector<1024x32xf32> to vector<256x32xf32>
    %slice3A_143 = vector.extract_strided_slice %add3A_140 {offsets = [512, 0], sizes = [256, 32], strides = [1, 1]} : vector<1024x32xf32> to vector<256x32xf32>
    %slice3A_144 = vector.extract_strided_slice %add3A_140 {offsets = [768, 0], sizes = [256, 32], strides = [1, 1]} : vector<1024x32xf32> to vector<256x32xf32>
    %concatenate3A_145 = tpu.concatenate %slice3A_141, %slice3A_142, %slice3A_143, %slice3A_144 in 1 : vector<256x32xf32>, vector<256x32xf32>, vector<256x32xf32>, vector<256x32xf32> -> vector<256x128xf32>
    %swap3A_146 = arith.constant 1792 : index
    %swap3A_147 = arith.constant 0 : index
    %swap3A_148 = vector.load %arg4[%swap3A_146, %swap3A_147] : memref<4096x128xf32, #tpu.memory_space<vmem>>, vector<256x128xf32>
    tpu.vector_store %arg4[%swap3A_146, %swap3A_147], %concatenate3A_145 {strides = array<i32>} : memref<4096x128xf32, #tpu.memory_space<vmem>>, vector<256x128xf32>,
    %get3A_149 = arith.constant 0 : index
    %get3A_150 = arith.constant 8192 : index
    %get3A_151 = vector.load %arg1[%get3A_149, %get3A_150] : memref<32x16384xf32, #tpu.memory_space<vmem>>, vector<32x1024xf32>
    %convert_element_type3A_152 = arith.truncf %get3A_151 : vector<32x1024xf32> to vector<32x1024xbf16>
    %dot_general3A_153 = arith.constant dense<0.000000e+00> : vector<1024x32xf32>
    %dot_general3A_154 = tpu.matmul %convert_element_type3A_152, %convert_element_type3A, %dot_general3A_153 {dimension_numbers = #tpu.dot_dimension_numbers<[0], [0], [1], [1], [0, 1, 1, 1], [], []>, transpose_lhs_hint = false} : vector<32x1024xbf16>, vector<32x32xbf16>, vector<1024x32xf32> -> vector<1024x32xf32>
    %get3A_155 = arith.constant 0 : index
    %get3A_156 = arith.constant 0 : index
    %get3A_157 = vector.load %arg3[%get3A_155, %get3A_156] : memref<1x32xf32, #tpu.memory_space<vmem>>, vector<1x32xf32>
    %add3A_158 = vector.broadcast %get3A_157 : vector<1x32xf32> to vector<1024x32xf32>
    %add3A_159 = arith.addf %dot_general3A_154, %add3A_158 : vector<1024x32xf32>
    %slice3A_160 = vector.extract_strided_slice %add3A_159 {offsets = [0, 0], sizes = [256, 32], strides = [1, 1]} : vector<1024x32xf32> to vector<256x32xf32>
    %slice3A_161 = vector.extract_strided_slice %add3A_159 {offsets = [256, 0], sizes = [256, 32], strides = [1, 1]} : vector<1024x32xf32> to vector<256x32xf32>
    %slice3A_162 = vector.extract_strided_slice %add3A_159 {offsets = [512, 0], sizes = [256, 32], strides = [1, 1]} : vector<1024x32xf32> to vector<256x32xf32>
    %slice3A_163 = vector.extract_strided_slice %add3A_159 {offsets = [768, 0], sizes = [256, 32], strides = [1, 1]} : vector<1024x32xf32> to vector<256x32xf32>
    %concatenate3A_164 = tpu.concatenate %slice3A_160, %slice3A_161, %slice3A_162, %slice3A_163 in 1 : vector<256x32xf32>, vector<256x32xf32>, vector<256x32xf32>, vector<256x32xf32> -> vector<256x128xf32>
    %swap3A_165 = arith.constant 2048 : index
    %swap3A_166 = arith.constant 0 : index
    %swap3A_167 = vector.load %arg4[%swap3A_165, %swap3A_166] : memref<4096x128xf32, #tpu.memory_space<vmem>>, vector<256x128xf32>
    tpu.vector_store %arg4[%swap3A_165, %swap3A_166], %concatenate3A_164 {strides = array<i32>} : memref<4096x128xf32, #tpu.memory_space<vmem>>, vector<256x128xf32>,
    %get3A_168 = arith.constant 0 : index
    %get3A_169 = arith.constant 9216 : index
    %get3A_170 = vector.load %arg1[%get3A_168, %get3A_169] : memref<32x16384xf32, #tpu.memory_space<vmem>>, vector<32x1024xf32>
    %convert_element_type3A_171 = arith.truncf %get3A_170 : vector<32x1024xf32> to vector<32x1024xbf16>
    %dot_general3A_172 = arith.constant dense<0.000000e+00> : vector<1024x32xf32>
    %dot_general3A_173 = tpu.matmul %convert_element_type3A_171, %convert_element_type3A, %dot_general3A_172 {dimension_numbers = #tpu.dot_dimension_numbers<[0], [0], [1], [1], [0, 1, 1, 1], [], []>, transpose_lhs_hint = false} : vector<32x1024xbf16>, vector<32x32xbf16>, vector<1024x32xf32> -> vector<1024x32xf32>
    %get3A_174 = arith.constant 0 : index
    %get3A_175 = arith.constant 0 : index
    %get3A_176 = vector.load %arg3[%get3A_174, %get3A_175] : memref<1x32xf32, #tpu.memory_space<vmem>>, vector<1x32xf32>
    %add3A_177 = vector.broadcast %get3A_176 : vector<1x32xf32> to vector<1024x32xf32>
    %add3A_178 = arith.addf %dot_general3A_173, %add3A_177 : vector<1024x32xf32>
    %slice3A_179 = vector.extract_strided_slice %add3A_178 {offsets = [0, 0], sizes = [256, 32], strides = [1, 1]} : vector<1024x32xf32> to vector<256x32xf32>
    %slice3A_180 = vector.extract_strided_slice %add3A_178 {offsets = [256, 0], sizes = [256, 32], strides = [1, 1]} : vector<1024x32xf32> to vector<256x32xf32>
    %slice3A_181 = vector.extract_strided_slice %add3A_178 {offsets = [512, 0], sizes = [256, 32], strides = [1, 1]} : vector<1024x32xf32> to vector<256x32xf32>
    %slice3A_182 = vector.extract_strided_slice %add3A_178 {offsets = [768, 0], sizes = [256, 32], strides = [1, 1]} : vector<1024x32xf32> to vector<256x32xf32>
    %concatenate3A_183 = tpu.concatenate %slice3A_179, %slice3A_180, %slice3A_181, %slice3A_182 in 1 : vector<256x32xf32>, vector<256x32xf32>, vector<256x32xf32>, vector<256x32xf32> -> vector<256x128xf32>
    %swap3A_184 = arith.constant 2304 : index
    %swap3A_185 = arith.constant 0 : index
    %swap3A_186 = vector.load %arg4[%swap3A_184, %swap3A_185] : memref<4096x128xf32, #tpu.memory_space<vmem>>, vector<256x128xf32>
    tpu.vector_store %arg4[%swap3A_184, %swap3A_185], %concatenate3A_183 {strides = array<i32>} : memref<4096x128xf32, #tpu.memory_space<vmem>>, vector<256x128xf32>,
    %get3A_187 = arith.constant 0 : index
    %get3A_188 = arith.constant 10240 : index
    %get3A_189 = vector.load %arg1[%get3A_187, %get3A_188] : memref<32x16384xf32, #tpu.memory_space<vmem>>, vector<32x1024xf32>
    %convert_element_type3A_190 = arith.truncf %get3A_189 : vector<32x1024xf32> to vector<32x1024xbf16>
    %dot_general3A_191 = arith.constant dense<0.000000e+00> : vector<1024x32xf32>
    %dot_general3A_192 = tpu.matmul %convert_element_type3A_190, %convert_element_type3A, %dot_general3A_191 {dimension_numbers = #tpu.dot_dimension_numbers<[0], [0], [1], [1], [0, 1, 1, 1], [], []>, transpose_lhs_hint = false} : vector<32x1024xbf16>, vector<32x32xbf16>, vector<1024x32xf32> -> vector<1024x32xf32>
    %get3A_193 = arith.constant 0 : index
    %get3A_194 = arith.constant 0 : index
    %get3A_195 = vector.load %arg3[%get3A_193, %get3A_194] : memref<1x32xf32, #tpu.memory_space<vmem>>, vector<1x32xf32>
    %add3A_196 = vector.broadcast %get3A_195 : vector<1x32xf32> to vector<1024x32xf32>
    %add3A_197 = arith.addf %dot_general3A_192, %add3A_196 : vector<1024x32xf32>
    %slice3A_198 = vector.extract_strided_slice %add3A_197 {offsets = [0, 0], sizes = [256, 32], strides = [1, 1]} : vector<1024x32xf32> to vector<256x32xf32>
    %slice3A_199 = vector.extract_strided_slice %add3A_197 {offsets = [256, 0], sizes = [256, 32], strides = [1, 1]} : vector<1024x32xf32> to vector<256x32xf32>
    %slice3A_200 = vector.extract_strided_slice %add3A_197 {offsets = [512, 0], sizes = [256, 32], strides = [1, 1]} : vector<1024x32xf32> to vector<256x32xf32>
    %slice3A_201 = vector.extract_strided_slice %add3A_197 {offsets = [768, 0], sizes = [256, 32], strides = [1, 1]} : vector<1024x32xf32> to vector<256x32xf32>
    %concatenate3A_202 = tpu.concatenate %slice3A_198, %slice3A_199, %slice3A_200, %slice3A_201 in 1 : vector<256x32xf32>, vector<256x32xf32>, vector<256x32xf32>, vector<256x32xf32> -> vector<256x128xf32>
    %swap3A_203 = arith.constant 2560 : index
    %swap3A_204 = arith.constant 0 : index
    %swap3A_205 = vector.load %arg4[%swap3A_203, %swap3A_204] : memref<4096x128xf32, #tpu.memory_space<vmem>>, vector<256x128xf32>
    tpu.vector_store %arg4[%swap3A_203, %swap3A_204], %concatenate3A_202 {strides = array<i32>} : memref<4096x128xf32, #tpu.memory_space<vmem>>, vector<256x128xf32>,
    %get3A_206 = arith.constant 0 : index
    %get3A_207 = arith.constant 11264 : index
    %get3A_208 = vector.load %arg1[%get3A_206, %get3A_207] : memref<32x16384xf32, #tpu.memory_space<vmem>>, vector<32x1024xf32>
    %convert_element_type3A_209 = arith.truncf %get3A_208 : vector<32x1024xf32> to vector<32x1024xbf16>
    %dot_general3A_210 = arith.constant dense<0.000000e+00> : vector<1024x32xf32>
    %dot_general3A_211 = tpu.matmul %convert_element_type3A_209, %convert_element_type3A, %dot_general3A_210 {dimension_numbers = #tpu.dot_dimension_numbers<[0], [0], [1], [1], [0, 1, 1, 1], [], []>, transpose_lhs_hint = false} : vector<32x1024xbf16>, vector<32x32xbf16>, vector<1024x32xf32> -> vector<1024x32xf32>
    %get3A_212 = arith.constant 0 : index
    %get3A_213 = arith.constant 0 : index
    %get3A_214 = vector.load %arg3[%get3A_212, %get3A_213] : memref<1x32xf32, #tpu.memory_space<vmem>>, vector<1x32xf32>
    %add3A_215 = vector.broadcast %get3A_214 : vector<1x32xf32> to vector<1024x32xf32>
    %add3A_216 = arith.addf %dot_general3A_211, %add3A_215 : vector<1024x32xf32>
    %slice3A_217 = vector.extract_strided_slice %add3A_216 {offsets = [0, 0], sizes = [256, 32], strides = [1, 1]} : vector<1024x32xf32> to vector<256x32xf32>
    %slice3A_218 = vector.extract_strided_slice %add3A_216 {offsets = [256, 0], sizes = [256, 32], strides = [1, 1]} : vector<1024x32xf32> to vector<256x32xf32>
    %slice3A_219 = vector.extract_strided_slice %add3A_216 {offsets = [512, 0], sizes = [256, 32], strides = [1, 1]} : vector<1024x32xf32> to vector<256x32xf32>
    %slice3A_220 = vector.extract_strided_slice %add3A_216 {offsets = [768, 0], sizes = [256, 32], strides = [1, 1]} : vector<1024x32xf32> to vector<256x32xf32>
    %concatenate3A_221 = tpu.concatenate %slice3A_217, %slice3A_218, %slice3A_219, %slice3A_220 in 1 : vector<256x32xf32>, vector<256x32xf32>, vector<256x32xf32>, vector<256x32xf32> -> vector<256x128xf32>
    %swap3A_222 = arith.constant 2816 : index
    %swap3A_223 = arith.constant 0 : index
    %swap3A_224 = vector.load %arg4[%swap3A_222, %swap3A_223] : memref<4096x128xf32, #tpu.memory_space<vmem>>, vector<256x128xf32>
    tpu.vector_store %arg4[%swap3A_222, %swap3A_223], %concatenate3A_221 {strides = array<i32>} : memref<4096x128xf32, #tpu.memory_space<vmem>>, vector<256x128xf32>,
    %get3A_225 = arith.constant 0 : index
    %get3A_226 = arith.constant 12288 : index
    %get3A_227 = vector.load %arg1[%get3A_225, %get3A_226] : memref<32x16384xf32, #tpu.memory_space<vmem>>, vector<32x1024xf32>
    %convert_element_type3A_228 = arith.truncf %get3A_227 : vector<32x1024xf32> to vector<32x1024xbf16>
    %dot_general3A_229 = arith.constant dense<0.000000e+00> : vector<1024x32xf32>
    %dot_general3A_230 = tpu.matmul %convert_element_type3A_228, %convert_element_type3A, %dot_general3A_229 {dimension_numbers = #tpu.dot_dimension_numbers<[0], [0], [1], [1], [0, 1, 1, 1], [], []>, transpose_lhs_hint = false} : vector<32x1024xbf16>, vector<32x32xbf16>, vector<1024x32xf32> -> vector<1024x32xf32>
    %get3A_231 = arith.constant 0 : index
    %get3A_232 = arith.constant 0 : index
    %get3A_233 = vector.load %arg3[%get3A_231, %get3A_232] : memref<1x32xf32, #tpu.memory_space<vmem>>, vector<1x32xf32>
    %add3A_234 = vector.broadcast %get3A_233 : vector<1x32xf32> to vector<1024x32xf32>
    %add3A_235 = arith.addf %dot_general3A_230, %add3A_234 : vector<1024x32xf32>
    %slice3A_236 = vector.extract_strided_slice %add3A_235 {offsets = [0, 0], sizes = [256, 32], strides = [1, 1]} : vector<1024x32xf32> to vector<256x32xf32>
    %slice3A_237 = vector.extract_strided_slice %add3A_235 {offsets = [256, 0], sizes = [256, 32], strides = [1, 1]} : vector<1024x32xf32> to vector<256x32xf32>
    %slice3A_238 = vector.extract_strided_slice %add3A_235 {offsets = [512, 0], sizes = [256, 32], strides = [1, 1]} : vector<1024x32xf32> to vector<256x32xf32>
    %slice3A_239 = vector.extract_strided_slice %add3A_235 {offsets = [768, 0], sizes = [256, 32], strides = [1, 1]} : vector<1024x32xf32> to vector<256x32xf32>
    %concatenate3A_240 = tpu.concatenate %slice3A_236, %slice3A_237, %slice3A_238, %slice3A_239 in 1 : vector<256x32xf32>, vector<256x32xf32>, vector<256x32xf32>, vector<256x32xf32> -> vector<256x128xf32>
    %swap3A_241 = arith.constant 3072 : index
    %swap3A_242 = arith.constant 0 : index
    %swap3A_243 = vector.load %arg4[%swap3A_241, %swap3A_242] : memref<4096x128xf32, #tpu.memory_space<vmem>>, vector<256x128xf32>
    tpu.vector_store %arg4[%swap3A_241, %swap3A_242], %concatenate3A_240 {strides = array<i32>} : memref<4096x128xf32, #tpu.memory_space<vmem>>, vector<256x128xf32>,
    %get3A_244 = arith.constant 0 : index
    %get3A_245 = arith.constant 13312 : index
    %get3A_246 = vector.load %arg1[%get3A_244, %get3A_245] : memref<32x16384xf32, #tpu.memory_space<vmem>>, vector<32x1024xf32>
    %convert_element_type3A_247 = arith.truncf %get3A_246 : vector<32x1024xf32> to vector<32x1024xbf16>
    %dot_general3A_248 = arith.constant dense<0.000000e+00> : vector<1024x32xf32>
    %dot_general3A_249 = tpu.matmul %convert_element_type3A_247, %convert_element_type3A, %dot_general3A_248 {dimension_numbers = #tpu.dot_dimension_numbers<[0], [0], [1], [1], [0, 1, 1, 1], [], []>, transpose_lhs_hint = false} : vector<32x1024xbf16>, vector<32x32xbf16>, vector<1024x32xf32> -> vector<1024x32xf32>
    %get3A_250 = arith.constant 0 : index
    %get3A_251 = arith.constant 0 : index
    %get3A_252 = vector.load %arg3[%get3A_250, %get3A_251] : memref<1x32xf32, #tpu.memory_space<vmem>>, vector<1x32xf32>
    %add3A_253 = vector.broadcast %get3A_252 : vector<1x32xf32> to vector<1024x32xf32>
    %add3A_254 = arith.addf %dot_general3A_249, %add3A_253 : vector<1024x32xf32>
    %slice3A_255 = vector.extract_strided_slice %add3A_254 {offsets = [0, 0], sizes = [256, 32], strides = [1, 1]} : vector<1024x32xf32> to vector<256x32xf32>
    %slice3A_256 = vector.extract_strided_slice %add3A_254 {offsets = [256, 0], sizes = [256, 32], strides = [1, 1]} : vector<1024x32xf32> to vector<256x32xf32>
    %slice3A_257 = vector.extract_strided_slice %add3A_254 {offsets = [512, 0], sizes = [256, 32], strides = [1, 1]} : vector<1024x32xf32> to vector<256x32xf32>
    %slice3A_258 = vector.extract_strided_slice %add3A_254 {offsets = [768, 0], sizes = [256, 32], strides = [1, 1]} : vector<1024x32xf32> to vector<256x32xf32>
    %concatenate3A_259 = tpu.concatenate %slice3A_255, %slice3A_256, %slice3A_257, %slice3A_258 in 1 : vector<256x32xf32>, vector<256x32xf32>, vector<256x32xf32>, vector<256x32xf32> -> vector<256x128xf32>
    %swap3A_260 = arith.constant 3328 : index
    %swap3A_261 = arith.constant 0 : index
    %swap3A_262 = vector.load %arg4[%swap3A_260, %swap3A_261] : memref<4096x128xf32, #tpu.memory_space<vmem>>, vector<256x128xf32>
    tpu.vector_store %arg4[%swap3A_260, %swap3A_261], %concatenate3A_259 {strides = array<i32>} : memref<4096x128xf32, #tpu.memory_space<vmem>>, vector<256x128xf32>,
    %get3A_263 = arith.constant 0 : index
    %get3A_264 = arith.constant 14336 : index
    %get3A_265 = vector.load %arg1[%get3A_263, %get3A_264] : memref<32x16384xf32, #tpu.memory_space<vmem>>, vector<32x1024xf32>
    %convert_element_type3A_266 = arith.truncf %get3A_265 : vector<32x1024xf32> to vector<32x1024xbf16>
    %dot_general3A_267 = arith.constant dense<0.000000e+00> : vector<1024x32xf32>
    %dot_general3A_268 = tpu.matmul %convert_element_type3A_266, %convert_element_type3A, %dot_general3A_267 {dimension_numbers = #tpu.dot_dimension_numbers<[0], [0], [1], [1], [0, 1, 1, 1], [], []>, transpose_lhs_hint = false} : vector<32x1024xbf16>, vector<32x32xbf16>, vector<1024x32xf32> -> vector<1024x32xf32>
    %get3A_269 = arith.constant 0 : index
    %get3A_270 = arith.constant 0 : index
    %get3A_271 = vector.load %arg3[%get3A_269, %get3A_270] : memref<1x32xf32, #tpu.memory_space<vmem>>, vector<1x32xf32>
    %add3A_272 = vector.broadcast %get3A_271 : vector<1x32xf32> to vector<1024x32xf32>
    %add3A_273 = arith.addf %dot_general3A_268, %add3A_272 : vector<1024x32xf32>
    %slice3A_274 = vector.extract_strided_slice %add3A_273 {offsets = [0, 0], sizes = [256, 32], strides = [1, 1]} : vector<1024x32xf32> to vector<256x32xf32>
    %slice3A_275 = vector.extract_strided_slice %add3A_273 {offsets = [256, 0], sizes = [256, 32], strides = [1, 1]} : vector<1024x32xf32> to vector<256x32xf32>
    %slice3A_276 = vector.extract_strided_slice %add3A_273 {offsets = [512, 0], sizes = [256, 32], strides = [1, 1]} : vector<1024x32xf32> to vector<256x32xf32>
    %slice3A_277 = vector.extract_strided_slice %add3A_273 {offsets = [768, 0], sizes = [256, 32], strides = [1, 1]} : vector<1024x32xf32> to vector<256x32xf32>
    %concatenate3A_278 = tpu.concatenate %slice3A_274, %slice3A_275, %slice3A_276, %slice3A_277 in 1 : vector<256x32xf32>, vector<256x32xf32>, vector<256x32xf32>, vector<256x32xf32> -> vector<256x128xf32>
    %swap3A_279 = arith.constant 3584 : index
    %swap3A_280 = arith.constant 0 : index
    %swap3A_281 = vector.load %arg4[%swap3A_279, %swap3A_280] : memref<4096x128xf32, #tpu.memory_space<vmem>>, vector<256x128xf32>
    tpu.vector_store %arg4[%swap3A_279, %swap3A_280], %concatenate3A_278 {strides = array<i32>} : memref<4096x128xf32, #tpu.memory_space<vmem>>, vector<256x128xf32>,
    %get3A_282 = arith.constant 0 : index
    %get3A_283 = arith.constant 15360 : index
    %get3A_284 = vector.load %arg1[%get3A_282, %get3A_283] : memref<32x16384xf32, #tpu.memory_space<vmem>>, vector<32x1024xf32>
    %convert_element_type3A_285 = arith.truncf %get3A_284 : vector<32x1024xf32> to vector<32x1024xbf16>
    %dot_general3A_286 = arith.constant dense<0.000000e+00> : vector<1024x32xf32>
    %dot_general3A_287 = tpu.matmul %convert_element_type3A_285, %convert_element_type3A, %dot_general3A_286 {dimension_numbers = #tpu.dot_dimension_numbers<[0], [0], [1], [1], [0, 1, 1, 1], [], []>, transpose_lhs_hint = false} : vector<32x1024xbf16>, vector<32x32xbf16>, vector<1024x32xf32> -> vector<1024x32xf32>
    %get3A_288 = arith.constant 0 : index
    %get3A_289 = arith.constant 0 : index
    %get3A_290 = vector.load %arg3[%get3A_288, %get3A_289] : memref<1x32xf32, #tpu.memory_space<vmem>>, vector<1x32xf32>
    %add3A_291 = vector.broadcast %get3A_290 : vector<1x32xf32> to vector<1024x32xf32>
    %add3A_292 = arith.addf %dot_general3A_287, %add3A_291 : vector<1024x32xf32>
    %slice3A_293 = vector.extract_strided_slice %add3A_292 {offsets = [0, 0], sizes = [256, 32], strides = [1, 1]} : vector<1024x32xf32> to vector<256x32xf32>
    %slice3A_294 = vector.extract_strided_slice %add3A_292 {offsets = [256, 0], sizes = [256, 32], strides = [1, 1]} : vector<1024x32xf32> to vector<256x32xf32>
    %slice3A_295 = vector.extract_strided_slice %add3A_292 {offsets = [512, 0], sizes = [256, 32], strides = [1, 1]} : vector<1024x32xf32> to vector<256x32xf32>
    %slice3A_296 = vector.extract_strided_slice %add3A_292 {offsets = [768, 0], sizes = [256, 32], strides = [1, 1]} : vector<1024x32xf32> to vector<256x32xf32>
    %concatenate3A_297 = tpu.concatenate %slice3A_293, %slice3A_294, %slice3A_295, %slice3A_296 in 1 : vector<256x32xf32>, vector<256x32xf32>, vector<256x32xf32>, vector<256x32xf32> -> vector<256x128xf32>
    %swap3A_298 = arith.constant 3840 : index
    %swap3A_299 = arith.constant 0 : index
    %swap3A_300 = vector.load %arg4[%swap3A_298, %swap3A_299] : memref<4096x128xf32, #tpu.memory_space<vmem>>, vector<256x128xf32>
    tpu.vector_store %arg4[%swap3A_298, %swap3A_299], %concatenate3A_297 {strides = array<i32>} : memref<4096x128xf32, #tpu.memory_space<vmem>>, vector<256x128xf32>,
    return
  }
  func.func @transform_0(%arg0: i32) -> (i32, i32) {
    %c0_i32 = arith.constant 0 : i32
    %c0_i32_0 = arith.constant 0 : i32
    return %c0_i32, %arg0 : i32, i32
  }
  func.func @transform_1(%arg0: i32) -> (i32, i32) {
    %c0_i32 = arith.constant 0 : i32
    %c0_i32_0 = arith.constant 0 : i32
    %c0_i32_1 = arith.constant 0 : i32
    return %c0_i32, %c0_i32_0 : i32, i32
  }
  func.func @transform_2(%arg0: i32) -> (i32, i32) {
    %c0_i32 = arith.constant 0 : i32
    %c0_i32_0 = arith.constant 0 : i32
    %c0_i32_1 = arith.constant 0 : i32
    return %c0_i32, %c0_i32_0 : i32, i32
  }
  func.func @transform_3(%arg0: i32) -> (i32, i32) {
    %c0_i32 = arith.constant 0 : i32
    %c0_i32_0 = arith.constant 0 : i32
    return %arg0, %c0_i32 : i32, i32
  }
}

</mosaic_0001>

<sc_bundles>
// kernel: kernel.4.cloned.1.call-start
scs
__scs_entry_jumppad:
0x0: {  	(pc) =	sbr.rel $0x88, $3  }
0x1: {  	(tag) =	ssettag $0x0;
	lr =	simm.s32 $0x1  }
0x2: {  	[smem:$0x3F9D] =	sst lr;
	_ =	strace $0xD0000000  }
0x3: {  	_ = 	snop  }
0x4: {  	_ = 	snop  }
0x5: {  	_ = 	snop  }
0x6: {  	_ = 	snop  }
0x7: {  	_ = 	snop  }
__scs_overlays_trampoline_lowered:
0x8: {  	[smem:$0x3FAC] =	sst s0  }
0x9: {  	[smem:$0x3FAD] =	sst s1  }
0xa: {  	[smem:$0x3FAE] =	sst s2  }
0xb: {  	[smem:$0x3FAF] =	sst s3  }
0xc: {  	[smem:$0x3FB0] =	sst s4  }
0xd: {  	[smem:$0x3FB1] =	sst s5  }
0xe: {  	[smem:$0x3FB2] =	sst s6  }
0xf: {  	[smem:$0x3FB3] =	sst s7  }
0x10: {  	[smem:$0x3FB4] =	sst s8  }
0x11: {  	[smem:$0x3FB5] =	sst s9;
	s0 =	simm.s32 @!p0 $0x0  }
0x12: {  	s1 =	sld [smem:$0x3F9B];
	s0 =	simm.s32 @p0 $0x1  }
0x13: {  	[smem:$0x3FB6] =	sst s0;
	s0 =	simm.s32 @!p1 $0x0  }
0x14: {  	s2 =	sld [smem:$0x3F9A];
	s0 =	simm.s32 @p1 $0x1  }
0x15: {  	[smem:$0x3FB7] =	sst s0;
	s0 =	simm.s32 @!p2 $0x0  }
0x16: {  	s3 =	sld [smem:$0x3FDB];
	s0 =	simm.s32 @p2 $0x1  }
0x17: {  	s4 =	simm.s32 $0x1BF5;
	[smem:$0x3FB9] =	sst s0  }
0x18: {  	s0 =	sld [smem:$0x3F9C];
	_ =	swait.ge [sflag:s4], $0x0  }
0x19: {  	s7 =	sld [smem:$0x3F9D]  }
0x1a: {  	s8 =	sadd.s32 $0xFFFFE003, lr  }
0x1b: {  	s9 =	sadd.s32 $0xFFFFFEF7, lr;
	s5 =	simm.s32 $0xFFFFFFFF;
	p2 =	slt.u32 s8, $0xFFFFF086  }
0x1c: {  	p1 =	slt.u32 s9, $0xF7A;
	s5 =	simm.s32 @!p2 $0x0  }
0x1d: {  	s5 =	simm.s32 @p1 $0x1;
	p0 =	seq.s32 s7, s2  }
0x1e: {  	s7 =	smul.u32 @!p0 $0xF7A, s2;
	p2 =	seq.s32 @!p0 s5, $0x0  }
0x1f: {  	s9 =	smul.u32 $0xF7A, s1;
	s8 =	simm.s32 @!p0 $0x1BF5;
	p2 =	por !p2, p0  }
0x20: {  	[sflag:s8] =	ssyncset.s32 @!p0 $0xFFFFF086;
	s6 =	sadd.s32 @!p0 s3, s7;
	s7 =	simm.s32 @!p0 $0x108  }
0x21: {  	s3 =	sadd.s32 s3, s9;
	s6 =	sadd.s32 @!p0 $0x88, s6;
	s7 =	simm.s32 @p2 $0x1082  }
0x22: {  	[simem:s7], [sflag:s8] =	dma.local @!p0 [hbm:s6], $0xF7A  }
0x23: {  	s9 =	sor.u32 $0xD0000000, s2;
	s6 =	simm.s32 $0x108;
	_ =	swait.ge @!p0 [sflag:s8], $0x0  }
0x24: {  	s3 =	sadd.s32 $0x88, s3;
	s6 =	simm.s32 @!p1 $0x1082;
	[sflag:s4] =	ssyncset.s32 $0xFFFFF086  }
0x25: {  	[simem:s6], [sflag:s4] =	dma.local [hbm:s3], $0xF7A  }
0x26: {  	[smem:$0x3F9D] =	sst s1;
	(tag) =	ssettag s2;
	_ =	strace s9  }
0x27: {  	s1 =	sld [smem:$0x3FAD]  }
0x28: {  	s2 =	sld [smem:$0x3FAE]  }
0x29: {  	s4 =	sld [smem:$0x3FB0]  }
0x2a: {  	p0 =	seq.s32 s5, $0x0;
	s5 =	sld [smem:$0x3FB1]  }
0x2b: {  	s6 =	sld [smem:$0x3FB2]  }
0x2c: {  	s7 =	sld [smem:$0x3FB3]  }
0x2d: {  	s3 =	simm.s32 $0x108;
	s8 =	sld [smem:$0x3FB4]  }
0x2e: {  	s3 =	simm.s32 @!p0 $0x1082;
	s9 =	sld [smem:$0x3FB5]  }
0x2f: {  	lr =	sadd.s32 s0, s3;
	s0 =	sld [smem:$0x3FAC]  }
0x30: {  	s3 =	sld [smem:$0x3FAF]  }
0x31: {  	[smem:$0x3FB8] =	sst s10  }
0x32: {  	s10 =	sld [smem:$0x3FB6];
	_ =	sdelay $0x3  }
0x33: {  	p0 =	seq.s32 s10, $0x1;
	s10 =	sld [smem:$0x3FB8];
	_ =	sdelay $0x3  }
0x34: {  	[smem:$0x3FB8] =	sst s10  }
0x35: {  	s10 =	sld [smem:$0x3FB7];
	_ =	sdelay $0x3  }
0x36: {  	p1 =	seq.s32 s10, $0x1;
	s10 =	sld [smem:$0x3FB8];
	_ =	sdelay $0x3  }
0x37: {  	[smem:$0x3FB8] =	sst s10  }
0x38: {  	s10 =	sld [smem:$0x3FB9]  }
0x39: {  	_ = 	snop;
	(pc) =	sbr.ind lr, $3  }
0x3a: {  	_ = 	snop  }
0x3b: {  	_ = 	snop  }
0x3c: {  	p2 =	seq.s32 s10, $0x1;
	s10 =	sld [smem:$0x3FB8]  }
0x3d: {  	_ =	shalt  }
0x3e: {  	_ =	shalt  }
0x3f: {  	_ =	shalt  }
0x40: {  	_ =	shalt  }
0x41: {  	_ =	shalt  }
0x42: {  	_ =	shalt  }
0x43: {  	_ =	shalt  }
0x44: {  	_ =	shalt  }
0x45: {  	_ =	shalt  }
0x46: {  	_ =	shalt  }
0x47: {  	_ =	shalt  }
0x48: {  	_ =	shalt  }
0x49: {  	_ =	shalt  }
0x4a: {  	_ =	shalt  }
0x4b: {  	_ =	shalt  }
0x4c: {  	_ =	shalt  }
0x4d: {  	_ =	shalt  }
0x4e: {  	_ =	shalt  }
0x4f: {  	_ =	shalt  }
0x50: {  	_ =	shalt  }
0x51: {  	_ =	shalt  }
0x52: {  	_ =	shalt  }
0x53: {  	_ =	shalt  }
0x54: {  	_ =	shalt  }
0x55: {  	_ =	shalt  }
0x56: {  	_ =	shalt  }
0x57: {  	_ =	shalt  }
0x58: {  	_ =	shalt  }
0x59: {  	_ =	shalt  }
0x5a: {  	_ =	shalt  }
0x5b: {  	_ =	shalt  }
0x5c: {  	_ =	shalt  }
0x5d: {  	_ =	shalt  }
0x5e: {  	_ =	shalt  }
0x5f: {  	_ =	shalt  }
0x60: {  	_ =	shalt  }
0x61: {  	_ =	shalt  }
0x62: {  	_ =	shalt  }
0x63: {  	_ =	shalt  }
0x64: {  	_ =	shalt  }
0x65: {  	_ =	shalt  }
0x66: {  	_ =	shalt  }
0x67: {  	_ =	shalt  }
0x68: {  	_ =	shalt  }
0x69: {  	_ =	shalt  }
0x6a: {  	_ =	shalt  }
0x6b: {  	_ =	shalt  }
0x6c: {  	_ =	shalt  }
0x6d: {  	_ =	shalt  }
0x6e: {  	_ =	shalt  }
0x6f: {  	_ =	shalt  }
0x70: {  	_ =	shalt  }
0x71: {  	_ =	shalt  }
0x72: {  	_ =	shalt  }
0x73: {  	_ =	shalt  }
0x74: {  	_ =	shalt  }
0x75: {  	_ =	shalt  }
0x76: {  	_ =	shalt  }
0x77: {  	_ =	shalt  }
0x78: {  	_ =	shalt  }
0x79: {  	_ =	shalt  }
0x7a: {  	_ =	shalt  }
0x7b: {  	_ =	shalt  }
0x7c: {  	_ =	shalt  }
0x7d: {  	_ =	shalt  }
0x7e: {  	_ =	shalt  }
0x7f: {  	_ =	shalt  }
0x80: {  	_ =	shalt  }
0x81: {  	_ =	shalt  }
0x82: {  	_ =	shalt  }
0x83: {  	_ =	shalt  }
0x84: {  	_ =	shalt  }
0x85: {  	_ =	shalt  }
0x86: {  	_ =	shalt  }
0x87: {  	_ =	shalt  }
.Lfunc_end0:
.L_simem_size_0:
called_computation_lowered:
.L_overlay_start_0:
0x88: {  	s2 =	sld [smem:$0x3FD9]  }
0x89: {  	s3 =	sld [smem:$0x3FFE];
	_ =	sdelay $0x1  }
0x8a: {  	s1 =	srdreg.scid  }
0x8b: {  	s0 =	sand.u32 $0x1, s1  }
0x8c: {  	s17 =	sshll.u32 s0, $0xA;
	s2 =	sadd.s32 s3, s2  }
0x8d: {  	s2 =	sadd.s32 s2, s17  }
0x8e: {  	[smem:$0x3FC4] =	sst s2  }
0x8f: {  	_ = 	snop  }
0x90: {  	s2 =	sld [smem:$0x3FD0];
	(tm) =	ssettm $0x1  }
0x91: {  	s18 =	sld [smem:$0x3FFB];
	_ =	sdelay $0x3  }
0x92: {  	_ =	strace s18  }
0x93: {  	s3 =	sld [smem:$0x3FFC];
	_ =	sdelay $0x3  }
0x94: {  	_ =	strace s3  }
0x95: {  	s3 =	sld [smem:$0x3FFD];
	_ =	sdelay $0x3  }
0x96: {  	_ =	strace s3  }
0x97: {  	_ =	strace $0x8FFFFFFF  }
0x98: {  	s19 =	sld [smem:$0x3FDB];
	_ =	sdelay $0x1  }
0x99: {  	s4 =	simm.s32 $_scs_section_size  }
0x9a: {  	s5 =	simm.s32 $_size__tile_overlayer_lowered;
	s6 =	simm.s32 $_tile_overlayer_lowered  }
0x9b: {  	s22 =	simm.s32 $0x1BFF;
	s21 =	sshll.u32 s6, $0x1;
	s3 =	sadd.s32 s4, s19  }
0x9c: {  	s7 =	simm.s32 $0x0;
	s20 =	sshll.u32 s5, $0x1;
	s5 =	sadd.s32 s21, s3  }
0x9d: {  	[timem:s7], [sflag:s22] =	dma.local [hbm:s5], s20  }
0x9e: {  	_ =	swait.ge [sflag:s22], s20  }
0x9f: {  	s4 =	ssub.s32 $0x0, s20;
	[sflag:s22] =	ssyncset.done $0x0  }
0xa0: {  	[sflag:s22] =	ssyncadd.s32 s4;
	_ =	sdelay $0x1  }
0xa1: {  	s23 =	simm.s32 $0x1B8B  }
0xa2: {  	_ =	swait.ge [sflag:s23], $0x1  }
0xa3: {  	[sflag:s23] =	ssyncset.done $0x0  }
0xa4: {  	s25 =	simm.s32 $0x1B8E;
	s24 =	sld [smem:$0x3FFE];
	[sflag:s23] =	ssyncadd.s32 $0xFFFFFFFF  }
0xa5: {  	s26 =	simm.s32 $execute0_lowered;
	[smem:$0x3FD2] =	sst s25  }
0xa6: {  	s5 =	sshll.u32 s26, $0x1;
	_ =	strace $0x80000046;
	[dreg:$0x1] =	wrdreg $0xFFFFFFFF  }
0xa7: {  	s28 =	simm.s32 $_size_execute0_lowered;
	s3 =	sadd.s32 s3, s5;
	[dreg:$0x0] =	wrdreg $0x0  }
0xa8: {  	s5 =	sshll.u32 s28, $0x1;
	[dreg:$0x2] =	wrdreg s3  }
0xa9: {  	[dreg:$0x3] =	wrdreg s5  }
0xaa: {  	[dreg:$0x4] =	wrdreg $0xC0  }
0xab: {  	_ =	task [dreg:s7], $0x5FFFF  }
0xac: {  	[dreg:$0x1] =	wrdreg $0xFFFFFFFF  }
0xad: {  	[dreg:$0x0] =	wrdreg $0x60  }
0xae: {  	[dreg:$0x2] =	wrdreg s2  }
0xaf: {  	[dreg:$0x3] =	wrdreg s24  }
0xb0: {  	[dreg:$0x4] =	wrdreg $0x9  }
0xb1: {  	_ =	task.clear_ibuf [dreg:s7], $0x5FFFF;
	_ =	strace $0x90000046  }
0xb2: {  	s29 =	simm.s32 $0x9;
	_ =	strace $0x80000048  }
0xb3: {  	_ =	swait.ge [sflag:s29], $0x1  }
0xb4: {  	[sflag:s29] =	ssyncadd.s32 $0xFFFFFFFF  }
0xb5: {  	_ =	strace $0x90000048  }
0xb6: {  	_ =	sfence  }
0xb7: {  	s30 =	sld [smem:$0x0];
	_ =	sdelay $0x2  }
0xb8: {  	s31 =	sshll.u32 s1, $0xD;
	s1 =	sshrl.u32 s1, $0x2  }
0xb9: {  	s3 =	sand.u32 $0x4000, s31;
	s1 =	sadd.s32 s1, s30  }
0xba: {  	s0 =	sor.u32 s3, s0;
	s1 =	sshll.u32 s1, $0x11  }
0xbb: {  	s0 =	sor.u32 s1, s0  }
0xbc: {  	s0 =	sadd.s32 $0x8F2B, s0  }
0xbd: {  	[sflag:s0] =	ssyncadd.remote.s32 $0x1  }
0xbe: {  	_ =	sfence.sel $0xFFFF  }
0xbf: {  	[dreg:$0x0] =	wrdreg $0xFFFFFFFF;
	(pc) =	sbr.abs _section_cstart, $3  }
0xc0: {  	[dreg:$0x1] =	wrdreg $0xFFFFFFFF  }
0xc1: {  	_ =	task.clear_ibuf [dreg:s7], $0x2FFFF;
	_ =	strace $0x9FFFFFFF  }
0xc2: {  	(tm) =	ssettm $0x7FFFFFFF  }
0xc3: {  	_ =	shalt  }
tec
execute0_lowered:
.L_overlay_start_1:
0x0: {  	(tag) =	ssettag $0x1  }
0x1: {  	s0 =	rddreg [dreg:$0x0]  }
0x2: {  	s1 =	rddreg [dreg:$0x1];
	s3 =	srdreg.scid  }
0x3: {  	s2 =	stileid.u32;
	s9 =	simm.s32 $0x0;
	s4 =	sand.u32 $0x1, s3  }
0x4: {  	s28 =	sshll.u32 s2, $0x1;
	[smem:$0x7FF] =	sst s9;
	s3 =	sadd.s32 $0x800, s1  }
0x5: {  	s29 =	sshll.u32 s2, $0x7;
	s5 =	sor.u32 s4, s28;
	s4 =	ssub.s32 $0x2, s4  }
0x6: {  	_ =	strace $0x80000047;
	s6 =	sshll.u32 s5, $0xD;
	s7 =	sshrl.u32 s4, $0x1  }
0x7: {  	s5 =	sshll.u32 s5, $0x4;
	s1 =	sadd.s32 s6, s1;
	s6 =	sand.u32 $0x600, s29  }
0x8: {  	s4 =	ssub.s32 s4, s7;
	s5 =	sand.u32 $0x70, s5;
	s30 =	sadd.s32 $0x3E0800, s1  }
0x9: {  	s0 =	sadd.s32 s0, s6;
	s31 =	smax.u32 s4, $0x1;
	[dreg:$0xe] =	wrdreg s30  }
0xa: {  	s0 =	sadd.s32 s5, s0;
	[dreg:$0xf] =	wrdreg s31  }
0xb: {  	s4 =	simm.s32 $0x2;
	s1 =	simm.s32 $0x0;
	[dreg:$0xd] =	wrdreg s0  }
.LBB2_1:
0xc: {  	[dreg:$0x10] =	wrdreg s1  }
0xd: {  	s0 =	rddreg [dreg:$0xd];
	s22 =	simm.s32 $0x80;
	s2 =	simm.s32 $0x400  }
0xe: {  	[tilespmem:s9], [sflag:$0x2] =	stream.strided.gather [hbm4b:s0+s22], $0x200, s2, s22, $0x38;
	[tilespmem:$0x18200] =	vst v63  }
0xf: {  	_ =	swait.ge [sflag:s4], $0x200  }
0x10: {  	[sflag:s4] =	ssyncset.done $0x0  }
0x11: {  	[sflag:s4] =	ssyncadd.s32 $0xFFFFFE00  }
0x12: {  	v0 =	vld [tilespmem:s9+$0x0];
	_ =	sdelay $0x4  }
0x13: {  	(v2sf) =	vpush v0, $0x2  }
0x14: {  	(v2sf) =	vpush v0, $0x6  }
0x15: {  	(v2sf) =	vpush v0, $0x5;
	_ =	sdelay $0x1  }
0x16: {  	(v2sf) =	vpush v0, $0x3;
	_ =	sdelay $0x1  }
0x17: {  	(v2sf) =	vpush v0, $0x7  }
0x18: {  	(v2sf) =	vpush v0, $0x0;
	_ =	sdelay $0x1  }
0x19: {  	(v2sf) =	vpush v0, $0xB;
	_ =	sdelay $0x1  }
0x1a: {  	s20 =	simm.s32 $0x2000;
	s13 =	simm.s32 $0x0;
	(v2sf) =	vpush v0, $0x8  }
0x1b: {  	s25 =	simm.s32 $0x280;
	s24 =	simm.s32 $0x300;
	s23 =	simm.s32 $0x200  }
0x1c: {  	s19 =	simm.s32 $0x480;
	s17 =	simm.s32 $0x780;
	s16 =	simm.s32 $0x800  }
0x1d: {  	s15 =	simm.s32 $0x10;
	s21 =	simm.s32 $0x580;
	s18 =	simm.s32 $0x600;
	(v2sf) =	vpush v0, $0x1  }
0x1e: {  	s22 =	simm.s32 $0x380;
	[dreg:$0x4] =	wrdreg s23;
	(v2sf) =	vpush v0, $0x9;
	s26 =	spop (v2sf)  }
0x1f: {  	s23 =	simm.s32 $0x500;
	s28 =	sand.u32 $0xFF, s26;
	s4 =	spop (v2sf)  }
0x20: {  	s0 =	sshrl.u32 s26, $0x2;
	s5 =	sand.u32 $0xFF, s4;
	s6 =	spop (v2sf)  }
0x21: {  	s0 =	sand.u32 $0x1FFFF00, s0;
	s4 =	sshrl.u32 s4, $0x2;
	s7 =	sand.u32 $0xFF, s6  }
0x22: {  	(v2sf) =	vpush v0, $0xA;
	s8 =	spop (v2sf);
	s0 =	sor.u32 s28, s0;
	s6 =	sshrl.u32 s6, $0x2  }
0x23: {  	(v2sf) =	vpush v0, $0x4;
	s4 =	sand.u32 $0x1FFFF00, s4;
	s2 =	sand.u32 $0xFF, s8;
	s8 =	sshrl.u32 s8, $0x2  }
0x24: {  	(v2sf) =	vpush v0, $0xC;
	s6 =	sand.u32 $0x1FFFF00, s6;
	s12 =	spop (v2sf);
	s29 =	sshll.u32 s0, $0x4  }
0x25: {  	s14 =	sshrl.u32 s12, $0x2;
	s10 =	spop (v2sf);
	s9 =	sand.u32 $0xFF, s12  }
0x26: {  	s8 =	sand.u32 $0x1FFFF00, s8;
	s6 =	sor.u32 s7, s6;
	s11 =	sshrl.u32 s10, $0x2  }
0x27: {  	s0 =	sand.u32 $0x1FFFF00, s14;
	s10 =	sand.u32 $0xFF, s10;
	s26 =	spop (v2sf)  }
0x28: {  	s1 =	sor.u32 s2, s8;
	s7 =	sshll.u32 s6, $0x4;
	s0 =	sor.u32 s9, s0  }
0x29: {  	s12 =	sshrl.u32 s26, $0x2;
	s9 =	sand.u32 $0xFF, s26;
	s28 =	spop (v2sf)  }
0x2a: {  	s11 =	sand.u32 $0x1FFFF00, s11;
	s26 =	sshrl.u32 s28, $0x2;
	s8 =	sand.u32 $0xFF, s28  }
0x2b: {  	s12 =	sand.u32 $0x1FFFF00, s12;
	s30 =	sshll.u32 s0, $0x4;
	s26 =	sand.u32 $0x1FFFF00, s26  }
0x2c: {  	s9 =	sor.u32 s9, s12;
	s12 =	spop (v2sf);
	s2 =	sor.u32 s8, s26  }
0x2d: {  	s31 =	spop (v2sf);
	s8 =	sshll.u32 s1, $0x4;
	s1 =	sor.u32 s10, s11  }
0x2e: {  	s14 =	sshll.u32 s9, $0x4;
	s10 =	sshrl.u32 s12, $0x2;
	s11 =	sshrl.u32 s31, $0x2  }
0x2f: {  	s26 =	sshll.u32 s2, $0x4;
	s2 =	sand.u32 $0xFF, s31;
	s6 =	sand.u32 $0x1FFFF00, s10  }
0x30: {  	s31 =	simm.s32 $0x700;
	s28 =	sand.u32 $0x1FFFF00, s11;
	s11 =	sand.u32 $0xFF, s12  }
0x31: {  	s12 =	sshll.u32 s1, $0x4;
	s9 =	sor.u32 s2, s28;
	s0 =	spop (v2sf)  }
0x32: {  	s6 =	sor.u32 s11, s6;
	s28 =	sor.u32 s5, s4;
	(v2sf) =	vpush v0, $0xD;
	s10 =	spop (v2sf)  }
0x33: {  	s5 =	simm.s32 $0x400;
	s4 =	sshll.u32 s28, $0x4;
	(v2sf) =	vpush v0, $0xE;
	s11 =	spop (v2sf)  }
.LBB2_2:
0x34: {  	_ =	sdelay $0x1  }
0x35: {  	[dreg:$0xc] =	wrdreg s14  }
0x36: {  	[dreg:$0xa] =	wrdreg s17  }
0x37: {  	[dreg:$0x9] =	wrdreg s16;
	s2 =	sshll.u32 s6, $0x4;
	s1 =	sadd.s32 $0x680, s13  }
0x38: {  	s28 =	smov.u32 s20;
	s12 =	sadd.s32 s3, s12;
	s6 =	sshrl.u32 s10, $0x2  }
0x39: {  	s9 =	sshll.u32 s9, $0x4;
	s14 =	simm.s32 $0x0;
	[dreg:$0xb] =	wrdreg s1  }
0x3a: {  	s4 =	sadd.s32 s3, s4;
	[dreg:$0x6] =	wrdreg s28;
	s17 =	sand.u32 $0x1FFFF00, s6  }
0x3b: {  	s6 =	smov.u32 s18;
	s1 =	smov.u32 s23;
	s23 =	smov.u32 s19  }
0x3c: {  	s28 =	smov.u32 s20;
	s20 =	smov.u32 s15;
	s15 =	rddreg [dreg:$0x4]  }
0x3d: {  	[tilespmem:s15], [sflag:$0x1] =	stream.linear.gather [hbm4b:s12+s14], $0x80, $0x38;
	[tilespmem:$0x18200] =	vst v63  }
0x3e: {  	s2 =	sadd.s32 s3, s2;
	s15 =	smov.u32 s20;
	s12 =	sand.u32 $0xFF, s10  }
0x3f: {  	[tilespmem:s25], [sflag:$0x1] =	stream.linear.gather [hbm4b:s2+s14], $0x80, $0x38;
	[tilespmem:$0x18200] =	vst v63  }
0x40: {  	s10 =	sor.u32 s12, s17;
	s17 =	sadd.s32 s3, s8;
	s16 =	spop (v2sf)  }
0x41: {  	s25 =	sshrl.u32 s11, $0x2;
	s18 =	sand.u32 $0xFF, s16;
	s20 =	sshrl.u32 s16, $0x2  }
0x42: {  	s19 =	spop (v2sf);
	s16 =	sadd.s32 s3, s29;
	s12 =	sand.u32 $0x1FFFF00, s20  }
0x43: {  	[tilespmem:s24], [sflag:$0x1] =	stream.linear.gather [hbm4b:s16+s14], $0x80, $0x38;
	[tilespmem:$0x18200] =	vst v63  }
0x44: {  	(v2sf) =	vpush v0, $0xF;
	s20 =	sshll.u32 s10, $0x4;
	s10 =	sand.u32 $0x1FFFF00, s25;
	s16 =	sand.u32 $0xFF, s11  }
0x45: {  	s24 =	sshrl.u32 s19, $0x2;
	s25 =	sand.u32 $0xFF, s19;
	s11 =	sadd.s32 s3, s26  }
0x46: {  	[tilespmem:s22], [sflag:$0x1] =	stream.linear.gather [hbm4b:s17+s14], $0x80, $0x38;
	[tilespmem:$0x18200] =	vst v63  }
0x47: {  	s26 =	sadd.s32 $0x880, s13;
	s12 =	sor.u32 s18, s12;
	s17 =	sadd.s32 s3, s20  }
0x48: {  	[tilespmem:s5], [sflag:$0x1] =	stream.linear.gather [hbm4b:s17+s14], $0x80, $0x38;
	[tilespmem:$0x18200] =	vst v63  }
0x49: {  	s18 =	sand.u32 $0xFF, s0;
	s10 =	sor.u32 s16, s10;
	s20 =	sadd.s32 s3, s7  }
0x4a: {  	[tilespmem:s23], [sflag:$0x1] =	stream.linear.gather [hbm4b:s20+s14], $0x80, $0x38;
	[tilespmem:$0x18200] =	vst v63  }
0x4b: {  	s2 =	sand.u32 $0x1FFFF00, s24;
	s22 =	sshrl.u32 s0, $0x2;
	s7 =	sadd.s32 s3, s30  }
0x4c: {  	[tilespmem:s1], [sflag:$0x1] =	stream.linear.gather [hbm4b:s4+s14], $0x80, $0x38;
	[tilespmem:$0x18200] =	vst v63  }
0x4d: {  	s2 =	sor.u32 s25, s2;
	s25 =	rddreg [dreg:$0x9];
	s0 =	sand.u32 $0x1FFFF00, s22  }
0x4e: {  	[tilespmem:s21], [sflag:$0x1] =	stream.linear.gather [hbm4b:s7+s14], $0x80, $0x38;
	[tilespmem:$0x18200] =	vst v63  }
0x4f: {  	s16 =	sadd.s32 s3, s9;
	s22 =	rddreg [dreg:$0xa];
	s0 =	sor.u32 s18, s0  }
0x50: {  	[tilespmem:s6], [sflag:$0x1] =	stream.linear.gather [hbm4b:s11+s14], $0x80, $0x38;
	[tilespmem:$0x18200] =	vst v63  }
0x51: {  	s24 =	sshll.u32 s12, $0x4;
	s18 =	rddreg [dreg:$0xb];
	s0 =	sshll.u32 s0, $0x4  }
0x52: {  	[tilespmem:s18], [sflag:$0x1] =	stream.linear.gather [hbm4b:s16+s14], $0x80, $0x38;
	[tilespmem:$0x18200] =	vst v63  }
0x53: {  	s0 =	sadd.s32 s3, s0;
	s20 =	rddreg [dreg:$0xc];
	s17 =	spop (v2sf)  }
0x54: {  	[tilespmem:s31], [sflag:$0x1] =	stream.linear.gather [hbm4b:s0+s14], $0x80, $0x38;
	[tilespmem:$0x18200] =	vst v63  }
0x55: {  	s21 =	sshll.u32 s10, $0x4;
	s19 =	sshrl.u32 s17, $0x2;
	s0 =	sadd.s32 s3, s20  }
0x56: {  	[tilespmem:s22], [sflag:$0x1] =	stream.linear.gather [hbm4b:s0+s14], $0x80, $0x38;
	[tilespmem:$0x18200] =	vst v63  }
0x57: {  	s23 =	sadd.s32 s3, s21;
	s5 =	sand.u32 $0xFF, s17;
	s4 =	sand.u32 $0x1FFFF00, s19  }
0x58: {  	[tilespmem:s25], [sflag:$0x1] =	stream.linear.gather [hbm4b:s23+s14], $0x80, $0x38;
	[tilespmem:$0x18200] =	vst v63  }
0x59: {  	s2 =	sshll.u32 s2, $0x4;
	s1 =	sadd.s32 s3, s24;
	s4 =	sor.u32 s5, s4  }
0x5a: {  	[tilespmem:s26], [sflag:$0x1] =	stream.linear.gather [hbm4b:s1+s14], $0x80, $0x38;
	[tilespmem:$0x18200] =	vst v63  }
0x5b: {  	s2 =	sadd.s32 s3, s2;
	s6 =	sadd.s32 $0x900, s13;
	s4 =	sshll.u32 s4, $0x4  }
0x5c: {  	[tilespmem:s6], [sflag:$0x1] =	stream.linear.gather [hbm4b:s2+s14], $0x80, $0x38;
	[tilespmem:$0x18200] =	vst v63  }
0x5d: {  	s7 =	sadd.s32 $0x980, s13;
	s8 =	sadd.s32 s3, s4  }
0x5e: {  	[tilespmem:s7], [sflag:$0x1] =	stream.linear.gather [hbm4b:s8+s14], $0x80, $0x38;
	[tilespmem:$0x18200] =	vst v63  }
0x5f: {  	v0 =	vld [tilespmem:s15+$0x0];
	_ =	sdelay $0x4  }
0x60: {  	(v2sf) =	vpush v0, $0x2  }
0x61: {  	(v2sf) =	vpush v0, $0x6  }
0x62: {  	(v2sf) =	vpush v0, $0x5;
	_ =	sdelay $0x1  }
0x63: {  	(v2sf) =	vpush v0, $0x3  }
0x64: {  	(v2sf) =	vpush v0, $0x7  }
0x65: {  	(v2sf) =	vpush v0, $0x0;
	_ =	sdelay $0x2  }
0x66: {  	s9 =	rddreg [dreg:$0x6]  }
0x67: {  	s13 =	sshra.s32 s9, $0x2;
	(v2sf) =	vpush v0, $0xB  }
0x68: {  	p0 =	sne.s32 s28, $0x1E000;
	s24 =	sadd.s32 $0x300, s13;
	s21 =	sadd.s32 $0x580, s13;
	(v2sf) =	vpush v0, $0x8  }
0x69: {  	s16 =	sadd.s32 $0x800, s13;
	s18 =	sadd.s32 $0x600, s13;
	s17 =	sadd.s32 $0x780, s13  }
0x6a: {  	s20 =	sadd.s32 $0x2000, s28;
	s19 =	sadd.s32 $0x480, s13;
	s0 =	sadd.s32 $0x200, s13  }
0x6b: {  	s31 =	sadd.s32 $0x700, s13;
	s22 =	sadd.s32 $0x380, s13;
	[dreg:$0x4] =	wrdreg s0;
	(v2sf) =	vpush v0, $0x1  }
0x6c: {  	s25 =	sadd.s32 $0x280, s13;
	s23 =	sadd.s32 $0x500, s13;
	(v2sf) =	vpush v0, $0x9;
	s10 =	spop (v2sf)  }
0x6d: {  	s15 =	sadd.s32 $0x10, s15;
	s11 =	sand.u32 $0xFF, s10;
	s4 =	spop (v2sf)  }
0x6e: {  	s0 =	sshrl.u32 s10, $0x2;
	s1 =	sand.u32 $0xFF, s4;
	s12 =	spop (v2sf)  }
0x6f: {  	s0 =	sand.u32 $0x1FFFF00, s0;
	s4 =	sshrl.u32 s4, $0x2;
	s6 =	sand.u32 $0xFF, s12  }
0x70: {  	(v2sf) =	vpush v0, $0xA;
	s14 =	spop (v2sf);
	s0 =	sor.u32 s11, s0;
	s5 =	sshrl.u32 s12, $0x2  }
0x71: {  	(v2sf) =	vpush v0, $0x4;
	s4 =	sand.u32 $0x1FFFF00, s4;
	s26 =	sand.u32 $0xFF, s14;
	s28 =	spop (v2sf)  }
0x72: {  	s7 =	sshrl.u32 s14, $0x2;
	s5 =	sand.u32 $0x1FFFF00, s5;
	s10 =	spop (v2sf);
	(v2sf) =	vpush v0, $0xC  }
0x73: {  	s29 =	sshll.u32 s0, $0x4;
	s1 =	sor.u32 s1, s4;
	s9 =	sshrl.u32 s28, $0x2  }
0x74: {  	s8 =	sand.u32 $0xFF, s28;
	s7 =	sand.u32 $0x1FFFF00, s7;
	s5 =	sor.u32 s6, s5  }
0x75: {  	s4 =	sshll.u32 s1, $0x4;
	s11 =	sshrl.u32 s10, $0x2;
	s0 =	sand.u32 $0x1FFFF00, s9  }
0x76: {  	s9 =	sand.u32 $0xFF, s10;
	s12 =	spop (v2sf);
	s2 =	sor.u32 s26, s7  }
0x77: {  	s0 =	sor.u32 s8, s0;
	s14 =	sshrl.u32 s12, $0x2;
	s26 =	spop (v2sf)  }
0x78: {  	s8 =	sand.u32 $0xFF, s12;
	s10 =	sand.u32 $0x1FFFF00, s11;
	s28 =	sshrl.u32 s26, $0x2  }
0x79: {  	s7 =	sand.u32 $0xFF, s26;
	s11 =	sand.u32 $0x1FFFF00, s14;
	s30 =	sshll.u32 s0, $0x4  }
0x7a: {  	s10 =	sor.u32 s9, s10;
	s14 =	sor.u32 s8, s11;
	s11 =	spop (v2sf)  }
0x7b: {  	s8 =	sshll.u32 s2, $0x4;
	s26 =	sand.u32 $0x1FFFF00, s28;
	s12 =	spop (v2sf)  }
0x7c: {  	s2 =	sor.u32 s7, s26;
	s14 =	sshll.u32 s14, $0x4;
	s7 =	sshll.u32 s5, $0x4  }
.Ltmp0:
0x7d: {  	s6 =	sshrl.u32 s11, $0x2;
	s28 =	sshrl.u32 s12, $0x2;
	(pc) =	sbr.rel @p0 .LBB2_2-.Ltmp0, $4  }
0x7e: {  	s26 =	sshll.u32 s2, $0x4;
	s12 =	sand.u32 $0xFF, s12;
	s28 =	sand.u32 $0x1FFFF00, s28  }
0x7f: {  	s2 =	sand.u32 $0x1FFFF00, s6;
	s9 =	sor.u32 s12, s28;
	s0 =	spop (v2sf)  }
0x80: {  	(v2sf) =	vpush v0, $0xD;
	s28 =	sand.u32 $0xFF, s11;
	s12 =	sshll.u32 s10, $0x4;
	s10 =	spop (v2sf)  }
0x81: {  	(v2sf) =	vpush v0, $0xE;
	s5 =	sadd.s32 $0x400, s13;
	s6 =	sor.u32 s28, s2;
	s11 =	spop (v2sf)  }
0x82: {  	s1 =	sadd.s32 s3, s12  }
0x83: {  	s2 =	rddreg [dreg:$0x4];
	s12 =	simm.s32 $0x0;
	s28 =	sshll.u32 s6, $0x4  }
0x84: {  	[tilespmem:s2], [sflag:$0x1] =	stream.linear.gather [hbm4b:s1+s12], $0x80, $0x38;
	[tilespmem:$0x18200] =	vst v63  }
0x85: {  	s6 =	sadd.s32 s3, s8;
	s8 =	sshrl.u32 s10, $0x2;
	s1 =	sadd.s32 s3, s28  }
0x86: {  	[tilespmem:s25], [sflag:$0x1] =	stream.linear.gather [hbm4b:s1+s12], $0x80, $0x38;
	[tilespmem:$0x18200] =	vst v63  }
0x87: {  	s10 =	sand.u32 $0xFF, s10;
	s1 =	sand.u32 $0x1FFFF00, s8  }
0x88: {  	s2 =	sadd.s32 s3, s29;
	s1 =	sor.u32 s10, s1  }
0x89: {  	[tilespmem:s24], [sflag:$0x1] =	stream.linear.gather [hbm4b:s2+s12], $0x80, $0x38;
	[tilespmem:$0x18200] =	vst v63  }
0x8a: {  	s1 =	sshll.u32 s1, $0x4  }
0x8b: {  	[tilespmem:s22], [sflag:$0x1] =	stream.linear.gather [hbm4b:s6+s12], $0x80, $0x38;
	[tilespmem:$0x18200] =	vst v63  }
0x8c: {  	s1 =	sadd.s32 s3, s1  }
0x8d: {  	[tilespmem:s5], [sflag:$0x1] =	stream.linear.gather [hbm4b:s1+s12], $0x80, $0x38;
	[tilespmem:$0x18200] =	vst v63  }
0x8e: {  	s15 =	sadd.s32 s3, s7  }
0x8f: {  	[tilespmem:s19], [sflag:$0x1] =	stream.linear.gather [hbm4b:s15+s12], $0x80, $0x38;
	[tilespmem:$0x18200] =	vst v63  }
0x90: {  	s19 =	sadd.s32 s3, s4  }
0x91: {  	[tilespmem:s23], [sflag:$0x1] =	stream.linear.gather [hbm4b:s19+s12], $0x80, $0x38;
	[tilespmem:$0x18200] =	vst v63  }
0x92: {  	s20 =	sadd.s32 s3, s30  }
0x93: {  	[tilespmem:s21], [sflag:$0x1] =	stream.linear.gather [hbm4b:s20+s12], $0x80, $0x38;
	[tilespmem:$0x18200] =	vst v63  }
0x94: {  	(v2sf) =	vpush v0, $0xF;
	s22 =	sshll.u32 s9, $0x4;
	s21 =	sadd.s32 s3, s26  }
0x95: {  	[tilespmem:s18], [sflag:$0x1] =	stream.linear.gather [hbm4b:s21+s12], $0x80, $0x38;
	[tilespmem:$0x18200] =	vst v63  }
0x96: {  	s24 =	sshrl.u32 s0, $0x2;
	s1 =	sadd.s32 s3, s22;
	s23 =	sadd.s32 $0x680, s13  }
0x97: {  	[tilespmem:s23], [sflag:$0x1] =	stream.linear.gather [hbm4b:s1+s12], $0x80, $0x38;
	[tilespmem:$0x18200] =	vst v63  }
0x98: {  	s25 =	sand.u32 $0xFF, s0;
	s1 =	sand.u32 $0x1FFFF00, s24  }
0x99: {  	s0 =	sor.u32 s25, s1  }
0x9a: {  	s28 =	spop (v2sf);
	s0 =	sshll.u32 s0, $0x4  }
0x9b: {  	s29 =	sshrl.u32 s11, $0x2;
	s30 =	sshrl.u32 s28, $0x2;
	s0 =	sadd.s32 s3, s0  }
0x9c: {  	[tilespmem:s31], [sflag:$0x1] =	stream.linear.gather [hbm4b:s0+s12], $0x80, $0x38;
	[tilespmem:$0x18200] =	vst v63  }
0x9d: {  	s26 =	sadd.s32 s3, s14;
	s1 =	sand.u32 $0x1FFFF00, s29;
	s31 =	sand.u32 $0xFF, s11  }
0x9e: {  	s2 =	sand.u32 $0x1FFFF00, s30;
	s0 =	sand.u32 $0xFF, s28;
	s1 =	sor.u32 s31, s1  }
0x9f: {  	[tilespmem:s17], [sflag:$0x1] =	stream.linear.gather [hbm4b:s26+s12], $0x80, $0x38;
	[tilespmem:$0x18200] =	vst v63  }
0xa0: {  	s5 =	sadd.s32 $0x880, s13;
	s0 =	sor.u32 s0, s2;
	s1 =	sshll.u32 s1, $0x4  }
0xa1: {  	s4 =	spop (v2sf);
	s0 =	sshll.u32 s0, $0x4;
	s1 =	sadd.s32 s3, s1  }
0xa2: {  	[tilespmem:s16], [sflag:$0x1] =	stream.linear.gather [hbm4b:s1+s12], $0x80, $0x38;
	[tilespmem:$0x18200] =	vst v63  }
0xa3: {  	s6 =	sshrl.u32 s4, $0x2;
	s7 =	spop (v2sf);
	s0 =	sadd.s32 s3, s0  }
0xa4: {  	[tilespmem:s5], [sflag:$0x1] =	stream.linear.gather [hbm4b:s0+s12], $0x80, $0x38;
	[tilespmem:$0x18200] =	vst v63  }
0xa5: {  	s8 =	sshrl.u32 s7, $0x2;
	s1 =	sand.u32 $0xFF, s4;
	s0 =	sand.u32 $0x1FFFF00, s6  }
0xa6: {  	s9 =	sand.u32 $0xFF, s7;
	s10 =	sand.u32 $0x1FFFF00, s8;
	s0 =	sor.u32 s1, s0  }
0xa7: {  	s1 =	sor.u32 s9, s10;
	s0 =	sshll.u32 s0, $0x4  }
0xa8: {  	s11 =	sadd.s32 $0x900, s13;
	s1 =	sshll.u32 s1, $0x4;
	s0 =	sadd.s32 s3, s0  }
0xa9: {  	[tilespmem:s11], [sflag:$0x1] =	stream.linear.gather [hbm4b:s0+s12], $0x80, $0x38;
	[tilespmem:$0x18200] =	vst v63  }
0xaa: {  	s14 =	simm.s32 $0x1;
	s13 =	sadd.s32 $0x980, s13;
	s1 =	sadd.s32 s3, s1  }
0xab: {  	[tilespmem:s13], [sflag:$0x1] =	stream.linear.gather [hbm4b:s1+s12], $0x80, $0x38;
	[tilespmem:$0x18200] =	vst v63  }
0xac: {  	_ =	swait.ge [sflag:s14], $0x8000  }
0xad: {  	[sflag:s14] =	ssyncset.done $0x0  }
0xae: {  	s13 =	simm.s32 $0x0;
	[sflag:s14] =	ssyncadd.s32 $0xFFFF8000  }
0xaf: {  	v0 =	vld [tilespmem:s13+$0x0];
	_ =	sdelay $0x4  }
0xb0: {  	v0 =	vshrl.u32 v0, $0x3  }
0xb1: {  	(v2sf) =	vpush v0, $0x0;
	_ =	sdelay $0xb  }
0xb2: {  	(v2sf) =	vpush v0, $0x1;
	_ =	sdelay $0x2  }
0xb3: {  	s15 =	spop (v2sf)  }
0xb4: {  	s0 =	sand.u32 $0x60, s15  }
0xb5: {  	s0 =	sadd.s32 $0x0, s0  }
0xb6: {  	v1 =	vld [tilespmem:s0+$0x200];
	_ =	sdelay $0x3  }
0xb7: {  	s14 =	simm.s32 $0x0  }
0xb8: {  	[tilespmem:s14+$0x8200] =	vst v1  }
0xb9: {  	(v2sf) =	vpush v0, $0x2;
	v1 =	vld [tilespmem:s0+$0x210];
	_ =	sdelay $0x2  }
0xba: {  	s16 =	spop (v2sf)  }
0xbb: {  	s0 =	sand.u32 $0x60, s16  }
0xbc: {  	s0 =	sadd.s32 $0x0, s0;
	[tilespmem:s14+$0x8210] =	vst v1  }
0xbd: {  	v1 =	vld [tilespmem:s0+$0x280];
	_ =	sdelay $0x4  }
0xbe: {  	[tilespmem:s14+$0x8280] =	vst v1  }
0xbf: {  	(v2sf) =	vpush v0, $0x3;
	v1 =	vld [tilespmem:s0+$0x290];
	_ =	sdelay $0x2  }
0xc0: {  	s17 =	spop (v2sf)  }
0xc1: {  	s0 =	sand.u32 $0x60, s17  }
0xc2: {  	s0 =	sadd.s32 $0x0, s0;
	[tilespmem:s14+$0x8290] =	vst v1  }
0xc3: {  	v1 =	vld [tilespmem:s0+$0x300];
	_ =	sdelay $0x4  }
0xc4: {  	[tilespmem:s14+$0x8300] =	vst v1  }
0xc5: {  	(v2sf) =	vpush v0, $0x4;
	v1 =	vld [tilespmem:s0+$0x310];
	_ =	sdelay $0x2  }
0xc6: {  	s18 =	spop (v2sf)  }
0xc7: {  	s0 =	sand.u32 $0x60, s18  }
0xc8: {  	s0 =	sadd.s32 $0x0, s0;
	[tilespmem:s14+$0x8310] =	vst v1  }
0xc9: {  	v1 =	vld [tilespmem:s0+$0x380];
	_ =	sdelay $0x4  }
0xca: {  	[tilespmem:s14+$0x8380] =	vst v1  }
0xcb: {  	(v2sf) =	vpush v0, $0x5;
	v1 =	vld [tilespmem:s0+$0x390];
	_ =	sdelay $0x2  }
0xcc: {  	s19 =	spop (v2sf)  }
0xcd: {  	s0 =	sand.u32 $0x60, s19  }
0xce: {  	s0 =	sadd.s32 $0x0, s0;
	[tilespmem:s14+$0x8390] =	vst v1  }
0xcf: {  	v1 =	vld [tilespmem:s0+$0x400];
	_ =	sdelay $0x4  }
0xd0: {  	[tilespmem:s14+$0x8400] =	vst v1  }
0xd1: {  	(v2sf) =	vpush v0, $0x6;
	v1 =	vld [tilespmem:s0+$0x410];
	_ =	sdelay $0x2  }
0xd2: {  	s20 =	spop (v2sf)  }
0xd3: {  	s0 =	sand.u32 $0x60, s20  }
0xd4: {  	s0 =	sadd.s32 $0x0, s0;
	[tilespmem:s14+$0x8410] =	vst v1  }
0xd5: {  	v1 =	vld [tilespmem:s0+$0x480];
	_ =	sdelay $0x4  }
0xd6: {  	[tilespmem:s14+$0x8480] =	vst v1  }
0xd7: {  	(v2sf) =	vpush v0, $0x7;
	v1 =	vld [tilespmem:s0+$0x490];
	_ =	sdelay $0x2  }
0xd8: {  	s21 =	spop (v2sf)  }
0xd9: {  	s0 =	sand.u32 $0x60, s21  }
0xda: {  	s0 =	sadd.s32 $0x0, s0;
	[tilespmem:s14+$0x8490] =	vst v1  }
0xdb: {  	v1 =	vld [tilespmem:s0+$0x500];
	_ =	sdelay $0x4  }
0xdc: {  	[tilespmem:s14+$0x8500] =	vst v1  }
0xdd: {  	(v2sf) =	vpush v0, $0x8;
	v1 =	vld [tilespmem:s0+$0x510];
	_ =	sdelay $0x2  }
0xde: {  	s22 =	spop (v2sf)  }
0xdf: {  	s0 =	sand.u32 $0x60, s22  }
0xe0: {  	s0 =	sadd.s32 $0x0, s0;
	[tilespmem:s14+$0x8510] =	vst v1  }
0xe1: {  	v1 =	vld [tilespmem:s0+$0x580];
	_ =	sdelay $0x4  }
0xe2: {  	[tilespmem:s14+$0x8580] =	vst v1  }
0xe3: {  	(v2sf) =	vpush v0, $0x9;
	v1 =	vld [tilespmem:s0+$0x590];
	_ =	sdelay $0x2  }
0xe4: {  	s23 =	spop (v2sf)  }
0xe5: {  	s0 =	sand.u32 $0x60, s23  }
0xe6: {  	s0 =	sadd.s32 $0x0, s0;
	[tilespmem:s14+$0x8590] =	vst v1  }
0xe7: {  	v1 =	vld [tilespmem:s0+$0x600];
	_ =	sdelay $0x4  }
0xe8: {  	[tilespmem:s14+$0x8600] =	vst v1  }
0xe9: {  	(v2sf) =	vpush v0, $0xA;
	v1 =	vld [tilespmem:s0+$0x610];
	_ =	sdelay $0x2  }
0xea: {  	s24 =	spop (v2sf)  }
0xeb: {  	s0 =	sand.u32 $0x60, s24  }
0xec: {  	s0 =	sadd.s32 $0x0, s0;
	[tilespmem:s14+$0x8610] =	vst v1  }
0xed: {  	v1 =	vld [tilespmem:s0+$0x680];
	_ =	sdelay $0x4  }
0xee: {  	[tilespmem:s14+$0x8680] =	vst v1  }
0xef: {  	(v2sf) =	vpush v0, $0xB;
	v1 =	vld [tilespmem:s0+$0x690];
	_ =	sdelay $0x2  }
0xf0: {  	s25 =	spop (v2sf)  }
0xf1: {  	s0 =	sand.u32 $0x60, s25  }
0xf2: {  	s0 =	sadd.s32 $0x0, s0;
	[tilespmem:s14+$0x8690] =	vst v1  }
0xf3: {  	v1 =	vld [tilespmem:s0+$0x700];
	_ =	sdelay $0x4  }
0xf4: {  	[tilespmem:s14+$0x8700] =	vst v1  }
0xf5: {  	(v2sf) =	vpush v0, $0xC;
	v1 =	vld [tilespmem:s0+$0x710];
	_ =	sdelay $0x2  }
0xf6: {  	s26 =	spop (v2sf)  }
0xf7: {  	s0 =	sand.u32 $0x60, s26  }
0xf8: {  	s0 =	sadd.s32 $0x0, s0;
	[tilespmem:s14+$0x8710] =	vst v1  }
0xf9: {  	v1 =	vld [tilespmem:s0+$0x780];
	_ =	sdelay $0x4  }
0xfa: {  	[tilespmem:s14+$0x8780] =	vst v1  }
0xfb: {  	(v2sf) =	vpush v0, $0xD;
	v1 =	vld [tilespmem:s0+$0x790];
	_ =	sdelay $0x2  }
0xfc: {  	s28 =	spop (v2sf)  }
0xfd: {  	s0 =	sand.u32 $0x60, s28  }
0xfe: {  	s0 =	sadd.s32 $0x0, s0;
	[tilespmem:s14+$0x8790] =	vst v1  }
0xff: {  	v1 =	vld [tilespmem:s0+$0x800];
	_ =	sdelay $0x4  }
0x100: {  	[tilespmem:s14+$0x8800] =	vst v1  }
0x101: {  	(v2sf) =	vpush v0, $0xE;
	v1 =	vld [tilespmem:s0+$0x810];
	_ =	sdelay $0x2  }
0x102: {  	s29 =	spop (v2sf)  }
0x103: {  	s0 =	sand.u32 $0x60, s29  }
0x104: {  	s0 =	sadd.s32 $0x0, s0;
	[tilespmem:s14+$0x8810] =	vst v1  }
0x105: {  	v1 =	vld [tilespmem:s0+$0x880];
	_ =	sdelay $0x4  }
0x106: {  	[tilespmem:s14+$0x8880] =	vst v1  }
0x107: {  	(v2sf) =	vpush v0, $0xF;
	v0 =	vld [tilespmem:s0+$0x890];
	_ =	sdelay $0x2  }
0x108: {  	s30 =	spop (v2sf)  }
0x109: {  	s0 =	sand.u32 $0x60, s30  }
0x10a: {  	s0 =	sadd.s32 $0x0, s0;
	[tilespmem:s14+$0x8890] =	vst v0  }
0x10b: {  	v0 =	vld [tilespmem:s0+$0x900];
	_ =	sdelay $0x4  }
0x10c: {  	[tilespmem:s14+$0x8900] =	vst v0  }
0x10d: {  	v0 =	vld [tilespmem:s0+$0x910];
	_ =	sdelay $0x2  }
0x10e: {  	s31 =	spop (v2sf)  }
0x10f: {  	s0 =	sand.u32 $0x60, s31  }
0x110: {  	s0 =	sadd.s32 $0x0, s0;
	[tilespmem:s14+$0x8910] =	vst v0  }
0x111: {  	v0 =	vld [tilespmem:s0+$0x980];
	_ =	sdelay $0x4  }
0x112: {  	[tilespmem:s14+$0x8980] =	vst v0  }
0x113: {  	s15 =	simm.s32 $0x2000;
	s16 =	simm.s32 $0x0;
	v0 =	vld [tilespmem:s0+$0x990]  }
.LBB2_4:
0x114: {  	_ =	sdelay $0x2  }
0x115: {  	p0 =	sne.s32 s15, $0x1E000  }
0x116: {  	s16 =	sadd.s32 $0x10, s16;
	s0 =	smov.u32 s15;
	s15 =	sadd.s32 $0x2000, s15;
	[tilespmem:s14+$0x8990] =	vst v0  }
0x117: {  	v0 =	vld [tilespmem:s16+$0x0];
	_ =	sdelay $0x4  }
0x118: {  	v0 =	vshrl.u32 v0, $0x3  }
0x119: {  	(v2sf) =	vpush v0, $0x0  }
0x11a: {  	(v2sf) =	vpush v0, $0x1  }
0x11b: {  	(v2sf) =	vpush v0, $0x2  }
0x11c: {  	(v2sf) =	vpush v0, $0x3  }
0x11d: {  	(v2sf) =	vpush v0, $0x4  }
0x11e: {  	(v2sf) =	vpush v0, $0x5  }
0x11f: {  	(v2sf) =	vpush v0, $0x6  }
0x120: {  	(v2sf) =	vpush v0, $0x7  }
0x121: {  	(v2sf) =	vpush v0, $0x8  }
0x122: {  	(v2sf) =	vpush v0, $0x9  }
0x123: {  	(v2sf) =	vpush v0, $0xA  }
0x124: {  	(v2sf) =	vpush v0, $0xB  }
0x125: {  	(v2sf) =	vpush v0, $0xC  }
0x126: {  	(v2sf) =	vpush v0, $0xD  }
0x127: {  	(v2sf) =	vpush v0, $0xE  }
0x128: {  	s1 =	spop (v2sf);
	(v2sf) =	vpush v0, $0xF  }
0x129: {  	s14 =	sshra.s32 s0, $0x2;
	s1 =	sand.u32 $0x60, s1;
	s0 =	spop (v2sf)  }
0x12a: {  	s2 =	sadd.s32 s14, s1;
	s5 =	sand.u32 $0x60, s0;
	s0 =	spop (v2sf)  }
0x12b: {  	v0 =	vld [tilespmem:s2+$0x200];
	s6 =	sand.u32 $0x60, s0;
	s0 =	spop (v2sf)  }
0x12c: {  	s4 =	sand.u32 $0x60, s0;
	s0 =	spop (v2sf)  }
0x12d: {  	s7 =	sand.u32 $0x60, s0;
	s0 =	spop (v2sf)  }
0x12e: {  	s1 =	sand.u32 $0x60, s0;
	s0 =	spop (v2sf)  }
0x12f: {  	s0 =	sand.u32 $0x60, s0;
	s8 =	spop (v2sf)  }
0x130: {  	[tilespmem:s14+$0x8200] =	vst v0;
	s25 =	sand.u32 $0x60, s8;
	s8 =	spop (v2sf)  }
0x131: {  	v0 =	vld [tilespmem:s2+$0x210];
	s24 =	sand.u32 $0x60, s8;
	s2 =	spop (v2sf)  }
0x132: {  	s23 =	sand.u32 $0x60, s2;
	s2 =	spop (v2sf)  }
0x133: {  	s22 =	sand.u32 $0x60, s2;
	s2 =	spop (v2sf)  }
0x134: {  	s21 =	sand.u32 $0x60, s2;
	s2 =	spop (v2sf)  }
0x135: {  	s20 =	sand.u32 $0x60, s2;
	s2 =	spop (v2sf)  }
0x136: {  	s5 =	sadd.s32 s14, s5;
	[tilespmem:s14+$0x8210] =	vst v0;
	s19 =	sand.u32 $0x60, s2;
	s2 =	spop (v2sf)  }
0x137: {  	v0 =	vld [tilespmem:s5+$0x280];
	s18 =	sand.u32 $0x60, s2;
	s2 =	spop (v2sf)  }
0x138: {  	s17 =	sand.u32 $0x60, s2;
	_ =	sdelay $0x3  }
0x139: {  	[tilespmem:s14+$0x8280] =	vst v0  }
0x13a: {  	v0 =	vld [tilespmem:s5+$0x290];
	_ =	sdelay $0x4  }
0x13b: {  	s2 =	sadd.s32 s14, s6;
	[tilespmem:s14+$0x8290] =	vst v0  }
0x13c: {  	v0 =	vld [tilespmem:s2+$0x300];
	_ =	sdelay $0x4  }
0x13d: {  	[tilespmem:s14+$0x8300] =	vst v0  }
0x13e: {  	v0 =	vld [tilespmem:s2+$0x310];
	_ =	sdelay $0x4  }
0x13f: {  	s2 =	sadd.s32 s14, s4;
	[tilespmem:s14+$0x8310] =	vst v0  }
0x140: {  	v0 =	vld [tilespmem:s2+$0x380];
	_ =	sdelay $0x4  }
0x141: {  	[tilespmem:s14+$0x8380] =	vst v0  }
0x142: {  	v0 =	vld [tilespmem:s2+$0x390];
	_ =	sdelay $0x4  }
0x143: {  	s2 =	sadd.s32 s14, s7;
	[tilespmem:s14+$0x8390] =	vst v0  }
0x144: {  	v0 =	vld [tilespmem:s2+$0x400];
	_ =	sdelay $0x4  }
0x145: {  	[tilespmem:s14+$0x8400] =	vst v0  }
0x146: {  	v0 =	vld [tilespmem:s2+$0x410];
	_ =	sdelay $0x4  }
0x147: {  	s1 =	sadd.s32 s14, s1;
	[tilespmem:s14+$0x8410] =	vst v0  }
0x148: {  	v0 =	vld [tilespmem:s1+$0x480];
	_ =	sdelay $0x4  }
0x149: {  	[tilespmem:s14+$0x8480] =	vst v0  }
0x14a: {  	v0 =	vld [tilespmem:s1+$0x490];
	_ =	sdelay $0x4  }
0x14b: {  	s0 =	sadd.s32 s14, s0;
	[tilespmem:s14+$0x8490] =	vst v0  }
0x14c: {  	v0 =	vld [tilespmem:s0+$0x500];
	_ =	sdelay $0x4  }
0x14d: {  	[tilespmem:s14+$0x8500] =	vst v0  }
0x14e: {  	v0 =	vld [tilespmem:s0+$0x510];
	_ =	sdelay $0x4  }
0x14f: {  	s0 =	sadd.s32 s14, s25;
	[tilespmem:s14+$0x8510] =	vst v0  }
0x150: {  	v0 =	vld [tilespmem:s0+$0x580];
	_ =	sdelay $0x4  }
0x151: {  	[tilespmem:s14+$0x8580] =	vst v0  }
0x152: {  	v0 =	vld [tilespmem:s0+$0x590];
	_ =	sdelay $0x4  }
0x153: {  	s0 =	sadd.s32 s14, s24;
	[tilespmem:s14+$0x8590] =	vst v0  }
0x154: {  	v0 =	vld [tilespmem:s0+$0x600];
	_ =	sdelay $0x4  }
0x155: {  	[tilespmem:s14+$0x8600] =	vst v0  }
0x156: {  	v0 =	vld [tilespmem:s0+$0x610];
	_ =	sdelay $0x4  }
0x157: {  	s0 =	sadd.s32 s14, s23;
	[tilespmem:s14+$0x8610] =	vst v0  }
0x158: {  	v0 =	vld [tilespmem:s0+$0x680];
	_ =	sdelay $0x4  }
0x159: {  	[tilespmem:s14+$0x8680] =	vst v0  }
0x15a: {  	v0 =	vld [tilespmem:s0+$0x690];
	_ =	sdelay $0x4  }
0x15b: {  	s0 =	sadd.s32 s14, s22;
	[tilespmem:s14+$0x8690] =	vst v0  }
0x15c: {  	v0 =	vld [tilespmem:s0+$0x700];
	_ =	sdelay $0x4  }
0x15d: {  	[tilespmem:s14+$0x8700] =	vst v0  }
0x15e: {  	v0 =	vld [tilespmem:s0+$0x710];
	_ =	sdelay $0x4  }
0x15f: {  	s0 =	sadd.s32 s14, s21;
	[tilespmem:s14+$0x8710] =	vst v0  }
0x160: {  	v0 =	vld [tilespmem:s0+$0x780];
	_ =	sdelay $0x4  }
0x161: {  	[tilespmem:s14+$0x8780] =	vst v0  }
0x162: {  	v0 =	vld [tilespmem:s0+$0x790];
	_ =	sdelay $0x4  }
0x163: {  	s0 =	sadd.s32 s14, s20;
	[tilespmem:s14+$0x8790] =	vst v0  }
0x164: {  	v0 =	vld [tilespmem:s0+$0x800];
	_ =	sdelay $0x4  }
0x165: {  	[tilespmem:s14+$0x8800] =	vst v0  }
0x166: {  	v0 =	vld [tilespmem:s0+$0x810];
	_ =	sdelay $0x4  }
0x167: {  	s0 =	sadd.s32 s14, s19;
	[tilespmem:s14+$0x8810] =	vst v0  }
0x168: {  	v0 =	vld [tilespmem:s0+$0x880];
	_ =	sdelay $0x4  }
0x169: {  	[tilespmem:s14+$0x8880] =	vst v0  }
0x16a: {  	v0 =	vld [tilespmem:s0+$0x890];
	_ =	sdelay $0x4  }
0x16b: {  	s0 =	sadd.s32 s14, s18;
	[tilespmem:s14+$0x8890] =	vst v0  }
0x16c: {  	v0 =	vld [tilespmem:s0+$0x900];
	_ =	sdelay $0x4  }
0x16d: {  	[tilespmem:s14+$0x8900] =	vst v0  }
0x16e: {  	v0 =	vld [tilespmem:s0+$0x910];
	_ =	sdelay $0x4  }
0x16f: {  	s0 =	sadd.s32 s14, s17;
	[tilespmem:s14+$0x8910] =	vst v0  }
0x170: {  	v0 =	vld [tilespmem:s0+$0x980];
	_ =	sdelay $0x1  }
.Ltmp1:
0x171: {  	(pc) =	sbr.rel @p0 .LBB2_4-.Ltmp1, $3  }
0x172: {  	_ =	sdelay $0x1  }
0x173: {  	[tilespmem:s14+$0x8980] =	vst v0  }
0x174: {  	v0 =	vld [tilespmem:s0+$0x990]  }
0x175: {  	_ =	sdelay $0x3  }
0x176: {  	s0 =	sand.u32 $0xF0, s13;
	[tilespmem:s14+$0x8990] =	vst v0  }
0x177: {  	v0 =	vld [tilespmem:s0+$0x100];
	_ =	sdelay $0x4  }
0x178: {  	(v2sf) =	vpush v0, $0xA  }
0x179: {  	(v2sf) =	vpush v0, $0x0  }
0x17a: {  	(v2sf) =	vpush v0, $0x1;
	_ =	sdelay $0x1  }
0x17b: {  	(v2sf) =	vpush v0, $0x5  }
0x17c: {  	(v2sf) =	vpush v0, $0x6;
	_ =	sdelay $0x1  }
0x17d: {  	(v2sf) =	vpush v0, $0x7  }
0x17e: {  	(v2sf) =	vpush v0, $0x2;
	_ =	sdelay $0x2  }
0x17f: {  	s13 =	simm.s32 $0x0;
	s24 =	simm.s32 $0x280;
	s23 =	simm.s32 $0x300  }
0x180: {  	s17 =	simm.s32 $0x780;
	s15 =	simm.s32 $0x10;
	s1 =	simm.s32 $0x580  }
0x181: {  	s19 =	simm.s32 $0x600;
	s18 =	simm.s32 $0x700;
	s21 =	simm.s32 $0x480;
	(v2sf) =	vpush v0, $0x4  }
0x182: {  	s20 =	simm.s32 $0x500;
	s25 =	simm.s32 $0x400;
	[dreg:$0x3] =	wrdreg s1;
	(v2sf) =	vpush v0, $0x3  }
0x183: {  	s14 =	simm.s32 $0x2000;
	s0 =	simm.s32 $0x200;
	(v2sf) =	vpush v0, $0xF;
	s10 =	spop (v2sf)  }
0x184: {  	s2 =	sshrl.u32 s10, $0x2;
	s4 =	spop (v2sf);
	s1 =	sand.u32 $0xFF, s10  }
0x185: {  	(v2sf) =	vpush v0, $0x8;
	s5 =	sshrl.u32 s4, $0x2;
	s2 =	sand.u32 $0x1FFFF00, s2;
	s6 =	spop (v2sf)  }
0x186: {  	s4 =	sand.u32 $0xFF, s4;
	s5 =	sand.u32 $0x1FFFF00, s5;
	s7 =	sshrl.u32 s6, $0x2  }
0x187: {  	s22 =	sor.u32 s1, s2;
	s11 =	spop (v2sf);
	s6 =	sand.u32 $0xFF, s6  }
0x188: {  	s12 =	sor.u32 s4, s5;
	s16 =	sshrl.u32 s11, $0x2;
	s26 =	spop (v2sf)  }
0x189: {  	(v2sf) =	vpush v0, $0xB;
	s7 =	sand.u32 $0x1FFFF00, s7;
	s1 =	sand.u32 $0xFF, s11;
	s2 =	sshll.u32 s12, $0x4  }
0x18a: {  	s8 =	spop (v2sf);
	s4 =	sand.u32 $0x1FFFF00, s16;
	s11 =	sshrl.u32 s26, $0x2  }
0x18b: {  	(v2sf) =	vpush v0, $0x9;
	s5 =	sand.u32 $0xFF, s26;
	s26 =	simm.s32 $0x0;
	s9 =	spop (v2sf)  }
0x18c: {  	s12 =	sand.u32 $0xFF, s8;
	s8 =	sshrl.u32 s8, $0x2;
	s11 =	sand.u32 $0x1FFFF00, s11  }
0x18d: {  	(v2sf) =	vpush v0, $0xC;
	s16 =	sor.u32 s1, s4;
	s2 =	sadd.s32 s3, s2;
	s10 =	sshrl.u32 s9, $0x2  }
0x18e: {  	[tilespmem:s0], [sflag:$0x1] =	stream.linear.gather [hbm4b:s2+s26], $0x80, $0x38;
	[tilespmem:$0x18200] =	vst v63  }
0x18f: {  	s9 =	sand.u32 $0xFF, s9;
	s1 =	sor.u32 s5, s11;
	s10 =	sand.u32 $0x1FFFF00, s10  }
0x190: {  	s5 =	sor.u32 s6, s7;
	s9 =	sor.u32 s9, s10;
	s10 =	spop (v2sf)  }
0x191: {  	s8 =	sand.u32 $0x1FFFF00, s8;
	s5 =	sshll.u32 s5, $0x4;
	s4 =	spop (v2sf)  }
0x192: {  	s7 =	sshll.u32 s9, $0x4;
	s9 =	sor.u32 s12, s8;
	s28 =	spop (v2sf)  }
0x193: {  	s8 =	sadd.s32 s3, s7;
	s6 =	sand.u32 $0xFF, s4;
	s2 =	sshll.u32 s9, $0x4  }
0x194: {  	s4 =	sshrl.u32 s4, $0x2;
	s7 =	sshll.u32 s1, $0x4;
	s11 =	spop (v2sf)  }
0x195: {  	s4 =	sand.u32 $0x1FFFF00, s4;
	s29 =	sadd.s32 s3, s2;
	s0 =	sshrl.u32 s11, $0x2  }
0x196: {  	s9 =	sand.u32 $0xFF, s11;
	s11 =	sshrl.u32 s10, $0x2;
	s10 =	sand.u32 $0xFF, s10  }
0x197: {  	s6 =	sor.u32 s6, s4;
	s11 =	sand.u32 $0x1FFFF00, s11;
	s0 =	sand.u32 $0x1FFFF00, s0  }
0x198: {  	s12 =	spop (v2sf);
	s30 =	sor.u32 s10, s11;
	s11 =	sor.u32 s9, s0  }
0x199: {  	s0 =	sand.u32 $0xFF, s28;
	s9 =	simm.s32 $0x380;
	s4 =	sshrl.u32 s12, $0x2  }
0x19a: {  	s31 =	spop (v2sf);
	s10 =	sand.u32 $0xFF, s12;
	s12 =	sshrl.u32 s28, $0x2  }
0x19b: {  	s30 =	sshll.u32 s30, $0x4;
	s4 =	sand.u32 $0x1FFFF00, s4;
	s28 =	sand.u32 $0xFF, s31  }
0x19c: {  	s1 =	sand.u32 $0x1FFFF00, s12;
	s12 =	sadd.s32 s3, s5;
	s5 =	spop (v2sf)  }
0x19d: {  	(v2sf) =	vpush v0, $0xD;
	s10 =	sor.u32 s10, s4;
	s4 =	sshrl.u32 s31, $0x2;
	s31 =	sshll.u32 s16, $0x4  }
.LBB2_6:
0x19e: {  	_ = 	snop  }
0x19f: {  	[tilespmem:s24], [sflag:$0x1] =	stream.linear.gather [hbm4b:s12+s26], $0x80, $0x38;
	[tilespmem:$0x18200] =	vst v63  }
0x1a0: {  	s2 =	sshll.u32 s6, $0x4;
	s6 =	sshll.u32 s10, $0x4;
	s16 =	sshrl.u32 s5, $0x2;
	(v2sf) =	vpush v0, $0xE  }
0x1a1: {  	[tilespmem:s23], [sflag:$0x1] =	stream.linear.gather [hbm4b:s8+s26], $0x80, $0x38;
	[tilespmem:$0x18200] =	vst v63  }
0x1a2: {  	s24 =	sand.u32 $0xFF, s5;
	s12 =	sadd.s32 s3, s30;
	s2 =	sadd.s32 s3, s2  }
0x1a3: {  	[tilespmem:s9], [sflag:$0x1] =	stream.linear.gather [hbm4b:s2+s26], $0x80, $0x38;
	[tilespmem:$0x18200] =	vst v63  }
0x1a4: {  	s7 =	sadd.s32 s3, s7;
	s11 =	sshll.u32 s11, $0x4;
	s10 =	sand.u32 $0x1FFFF00, s16  }
0x1a5: {  	[tilespmem:s25], [sflag:$0x1] =	stream.linear.gather [hbm4b:s12+s26], $0x80, $0x38;
	[tilespmem:$0x18200] =	vst v63  }
0x1a6: {  	s4 =	sand.u32 $0x1FFFF00, s4;
	s5 =	sor.u32 s24, s10;
	s23 =	sadd.s32 s3, s31  }
0x1a7: {  	[tilespmem:s21], [sflag:$0x1] =	stream.linear.gather [hbm4b:s23+s26], $0x80, $0x38;
	[tilespmem:$0x18200] =	vst v63  }
0x1a8: {  	s0 =	sor.u32 s0, s1;
	s4 =	sor.u32 s28, s4;
	s5 =	sshll.u32 s5, $0x4  }
0x1a9: {  	[tilespmem:s20], [sflag:$0x1] =	stream.linear.gather [hbm4b:s7+s26], $0x80, $0x38;
	[tilespmem:$0x18200] =	vst v63  }
0x1aa: {  	s12 =	rddreg [dreg:$0x3];
	s25 =	sadd.s32 s3, s6;
	s21 =	sshll.u32 s22, $0x4  }
0x1ab: {  	[tilespmem:s12], [sflag:$0x1] =	stream.linear.gather [hbm4b:s29+s26], $0x80, $0x38;
	[tilespmem:$0x18200] =	vst v63  }
0x1ac: {  	s22 =	sadd.s32 $0x680, s13;
	s20 =	sshll.u32 s4, $0x4;
	s16 =	spop (v2sf)  }
0x1ad: {  	s24 =	sshrl.u32 s16, $0x2;
	s10 =	sand.u32 $0xFF, s16;
	s16 =	sadd.s32 s3, s11  }
0x1ae: {  	[tilespmem:s19], [sflag:$0x1] =	stream.linear.gather [hbm4b:s16+s26], $0x80, $0x38;
	[tilespmem:$0x18200] =	vst v63  }
0x1af: {  	s2 =	sadd.s32 s3, s20;
	s23 =	spop (v2sf);
	s11 =	sadd.s32 $0x800, s13  }
0x1b0: {  	[tilespmem:s22], [sflag:$0x1] =	stream.linear.gather [hbm4b:s2+s26], $0x80, $0x38;
	[tilespmem:$0x18200] =	vst v63  }
0x1b1: {  	s9 =	sand.u32 $0x1FFFF00, s24;
	s24 =	sadd.s32 s3, s21;
	s6 =	sshrl.u32 s23, $0x2  }
0x1b2: {  	[tilespmem:s18], [sflag:$0x1] =	stream.linear.gather [hbm4b:s24+s26], $0x80, $0x38;
	[tilespmem:$0x18200] =	vst v63  }
0x1b3: {  	s8 =	sor.u32 s10, s9;
	s4 =	sand.u32 $0x1FFFF00, s6;
	s10 =	sand.u32 $0xFF, s23  }
0x1b4: {  	[tilespmem:s17], [sflag:$0x1] =	stream.linear.gather [hbm4b:s25+s26], $0x80, $0x38;
	[tilespmem:$0x18200] =	vst v63  }
0x1b5: {  	s9 =	sadd.s32 s3, s5;
	s7 =	sshll.u32 s8, $0x4;
	s4 =	sor.u32 s10, s4  }
0x1b6: {  	[tilespmem:s11], [sflag:$0x1] =	stream.linear.gather [hbm4b:s9+s26], $0x80, $0x38;
	[tilespmem:$0x18200] =	vst v63  }
0x1b7: {  	s16 =	sadd.s32 $0x880, s13;
	s12 =	sadd.s32 s3, s7;
	s17 =	sshll.u32 s4, $0x4  }
0x1b8: {  	[tilespmem:s16], [sflag:$0x1] =	stream.linear.gather [hbm4b:s12+s26], $0x80, $0x38;
	[tilespmem:$0x18200] =	vst v63  }
0x1b9: {  	s0 =	sshll.u32 s0, $0x4;
	s18 =	sadd.s32 $0x900, s13;
	s2 =	sadd.s32 s3, s17  }
0x1ba: {  	[tilespmem:s18], [sflag:$0x1] =	stream.linear.gather [hbm4b:s2+s26], $0x80, $0x38;
	[tilespmem:$0x18200] =	vst v63  }
0x1bb: {  	s0 =	sadd.s32 s3, s0;
	s20 =	sadd.s32 $0x980, s13;
	s19 =	sand.u32 $0xF0, s15  }
0x1bc: {  	[tilespmem:s20], [sflag:$0x1] =	stream.linear.gather [hbm4b:s0+s26], $0x80, $0x38;
	[tilespmem:$0x18200] =	vst v63  }
0x1bd: {  	v0 =	vld [tilespmem:s19+$0x100];
	_ =	sdelay $0x4  }
0x1be: {  	(v2sf) =	vpush v0, $0xA  }
0x1bf: {  	(v2sf) =	vpush v0, $0x0;
	_ =	sdelay $0x1  }
0x1c0: {  	(v2sf) =	vpush v0, $0x1;
	_ =	sdelay $0x1  }
0x1c1: {  	(v2sf) =	vpush v0, $0x5  }
0x1c2: {  	(v2sf) =	vpush v0, $0x6  }
0x1c3: {  	(v2sf) =	vpush v0, $0x7;
	_ =	sdelay $0x1  }
0x1c4: {  	s21 =	smov.u32 s14;
	(v2sf) =	vpush v0, $0x2  }
0x1c5: {  	p0 =	sne.s32 s14, $0x1E000;
	s13 =	sshra.s32 s21, $0x2  }
0x1c6: {  	s14 =	sadd.s32 $0x2000, s14;
	s15 =	sadd.s32 $0x10, s15;
	s22 =	sadd.s32 $0x780, s13  }
0x1c7: {  	s24 =	sadd.s32 $0x280, s13;
	s1 =	sadd.s32 $0x600, s13;
	[dreg:$0x8] =	wrdreg s22  }
0x1c8: {  	s23 =	sadd.s32 $0x300, s13;
	s25 =	sadd.s32 $0x580, s13;
	[dreg:$0x7] =	wrdreg s1  }
0x1c9: {  	s21 =	sadd.s32 $0x480, s13;
	[dreg:$0x3] =	wrdreg s25;
	s25 =	sadd.s32 $0x400, s13;
	(v2sf) =	vpush v0, $0x4  }
0x1ca: {  	s0 =	sadd.s32 $0x200, s13;
	s20 =	sadd.s32 $0x500, s13;
	(v2sf) =	vpush v0, $0x3;
	s2 =	spop (v2sf)  }
0x1cb: {  	[dreg:$0x5] =	wrdreg s0;
	s19 =	sadd.s32 $0x700, s13;
	(v2sf) =	vpush v0, $0xF;
	s5 =	spop (v2sf)  }
0x1cc: {  	(v2sf) =	vpush v0, $0x8;
	s4 =	sshrl.u32 s2, $0x2;
	s0 =	sand.u32 $0xFF, s2;
	s6 =	sshrl.u32 s5, $0x2  }
0x1cd: {  	s1 =	sand.u32 $0x1FFFF00, s4;
	s7 =	spop (v2sf);
	s2 =	sand.u32 $0xFF, s5  }
0x1ce: {  	s4 =	sand.u32 $0x1FFFF00, s6;
	s8 =	sshrl.u32 s7, $0x2;
	s22 =	sor.u32 s0, s1  }
0x1cf: {  	s9 =	spop (v2sf);
	s5 =	sand.u32 $0xFF, s7;
	s16 =	sor.u32 s2, s4  }
0x1d0: {  	(v2sf) =	vpush v0, $0xB;
	s17 =	sshrl.u32 s9, $0x2;
	s18 =	spop (v2sf);
	s6 =	sand.u32 $0x1FFFF00, s8  }
0x1d1: {  	s0 =	sand.u32 $0xFF, s9;
	s1 =	sshll.u32 s16, $0x4;
	s10 =	spop (v2sf)  }
0x1d2: {  	s2 =	sand.u32 $0x1FFFF00, s17;
	s16 =	sshrl.u32 s18, $0x2;
	s4 =	sand.u32 $0xFF, s18  }
0x1d3: {  	s11 =	spop (v2sf);
	s17 =	sand.u32 $0xFF, s10;
	s7 =	sshrl.u32 s10, $0x2  }
0x1d4: {  	s10 =	sand.u32 $0x1FFFF00, s16;
	s2 =	sor.u32 s0, s2;
	s16 =	sadd.s32 s3, s1  }
0x1d5: {  	(v2sf) =	vpush v0, $0x9;
	s1 =	sor.u32 s5, s6;
	s12 =	sshrl.u32 s11, $0x2;
	s8 =	sand.u32 $0xFF, s11  }
0x1d6: {  	s7 =	sand.u32 $0x1FFFF00, s7;
	s0 =	sor.u32 s4, s10;
	s9 =	sand.u32 $0x1FFFF00, s12  }
0x1d7: {  	(v2sf) =	vpush v0, $0xC;
	s31 =	sshll.u32 s1, $0x4;
	s7 =	sor.u32 s17, s7;
	s8 =	sor.u32 s8, s9  }
0x1d8: {  	s9 =	spop (v2sf);
	s29 =	sshll.u32 s7, $0x4;
	s7 =	sshll.u32 s0, $0x4  }
0x1d9: {  	s18 =	spop (v2sf);
	s10 =	sshll.u32 s8, $0x4;
	s28 =	sshrl.u32 s9, $0x2  }
0x1da: {  	s29 =	sadd.s32 s3, s29;
	s5 =	spop (v2sf);
	s8 =	sadd.s32 s3, s10  }
0x1db: {  	s6 =	sand.u32 $0xFF, s18;
	s4 =	sshrl.u32 s18, $0x2;
	s11 =	spop (v2sf)  }
0x1dc: {  	s0 =	sand.u32 $0x1FFFF00, s4;
	s4 =	sand.u32 $0xFF, s9;
	s9 =	sadd.s32 $0x380, s13  }
0x1dd: {  	s30 =	sshrl.u32 s5, $0x2;
	s17 =	sshrl.u32 s11, $0x2;
	s10 =	sand.u32 $0xFF, s11  }
0x1de: {  	s6 =	sor.u32 s6, s0;
	s11 =	sand.u32 $0x1FFFF00, s28;
	s0 =	sand.u32 $0xFF, s5  }
0x1df: {  	s1 =	sand.u32 $0x1FFFF00, s17;
	s4 =	sor.u32 s4, s11;
	s12 =	spop (v2sf)  }
0x1e0: {  	s11 =	sor.u32 s10, s1;
	s1 =	sand.u32 $0x1FFFF00, s30;
	s18 =	sshrl.u32 s12, $0x2  }
0x1e1: {  	s10 =	sand.u32 $0xFF, s12;
	s12 =	sadd.s32 s3, s31;
	s31 =	sshll.u32 s2, $0x4  }
.Ltmp2:
0x1e2: {  	s2 =	rddreg [dreg:$0x5];
	s18 =	sand.u32 $0x1FFFF00, s18;
	(pc) =	sbr.rel @p0 .LBB2_6-.Ltmp2, $4  }
0x1e3: {  	[tilespmem:s2], [sflag:$0x1] =	stream.linear.gather [hbm4b:s16+s26], $0x80, $0x38;
	[tilespmem:$0x18200] =	vst v63  }
0x1e4: {  	s30 =	sshll.u32 s4, $0x4;
	s17 =	spop (v2sf);
	s10 =	sor.u32 s10, s18  }
0x1e5: {  	s18 =	smov.u32 s19;
	s19 =	rddreg [dreg:$0x7];
	s28 =	sand.u32 $0xFF, s17  }
0x1e6: {  	(v2sf) =	vpush v0, $0xD;
	s4 =	sshrl.u32 s17, $0x2;
	s17 =	rddreg [dreg:$0x8];
	s5 =	spop (v2sf)  }
0x1e7: {  	[tilespmem:s24], [sflag:$0x1] =	stream.linear.gather [hbm4b:s12+s26], $0x80, $0x38;
	[tilespmem:$0x18200] =	vst v63  }
0x1e8: {  	s2 =	sshll.u32 s6, $0x4  }
0x1e9: {  	[tilespmem:s23], [sflag:$0x1] =	stream.linear.gather [hbm4b:s8+s26], $0x80, $0x38;
	[tilespmem:$0x18200] =	vst v63  }
0x1ea: {  	s2 =	sadd.s32 s3, s2  }
0x1eb: {  	[tilespmem:s9], [sflag:$0x1] =	stream.linear.gather [hbm4b:s2+s26], $0x80, $0x38;
	[tilespmem:$0x18200] =	vst v63  }
0x1ec: {  	s9 =	sadd.s32 s3, s30  }
0x1ed: {  	(v2sf) =	vpush v0, $0xE;
	[tilespmem:s25], [sflag:$0x1] =	stream.linear.gather [hbm4b:s9+s26], $0x80, $0x38;
	[tilespmem:$0x18200] =	vst v63  }
0x1ee: {  	s12 =	sadd.s32 s3, s31  }
0x1ef: {  	[tilespmem:s21], [sflag:$0x1] =	stream.linear.gather [hbm4b:s12+s26], $0x80, $0x38;
	[tilespmem:$0x18200] =	vst v63  }
0x1f0: {  	s14 =	sadd.s32 s3, s7  }
0x1f1: {  	[tilespmem:s20], [sflag:$0x1] =	stream.linear.gather [hbm4b:s14+s26], $0x80, $0x38;
	[tilespmem:$0x18200] =	vst v63  }
0x1f2: {  	s15 =	rddreg [dreg:$0x3];
	s16 =	sshll.u32 s11, $0x4  }
0x1f3: {  	[tilespmem:s15], [sflag:$0x1] =	stream.linear.gather [hbm4b:s29+s26], $0x80, $0x38;
	[tilespmem:$0x18200] =	vst v63  }
0x1f4: {  	s2 =	sadd.s32 s3, s16;
	s20 =	sand.u32 $0x1FFFF00, s4  }
0x1f5: {  	[tilespmem:s19], [sflag:$0x1] =	stream.linear.gather [hbm4b:s2+s26], $0x80, $0x38;
	[tilespmem:$0x18200] =	vst v63  }
0x1f6: {  	s22 =	sshll.u32 s22, $0x4;
	s24 =	sshrl.u32 s5, $0x2;
	s2 =	sor.u32 s28, s20  }
0x1f7: {  	s0 =	sor.u32 s0, s1;
	s23 =	sshll.u32 s10, $0x4;
	s2 =	sshll.u32 s2, $0x4  }
0x1f8: {  	s21 =	sadd.s32 $0x680, s13;
	s25 =	spop (v2sf);
	s2 =	sadd.s32 s3, s2  }
0x1f9: {  	[tilespmem:s21], [sflag:$0x1] =	stream.linear.gather [hbm4b:s2+s26], $0x80, $0x38;
	[tilespmem:$0x18200] =	vst v63  }
0x1fa: {  	s29 =	sand.u32 $0xFF, s5;
	s28 =	sshrl.u32 s25, $0x2;
	s2 =	sadd.s32 s3, s22  }
0x1fb: {  	[tilespmem:s18], [sflag:$0x1] =	stream.linear.gather [hbm4b:s2+s26], $0x80, $0x38;
	[tilespmem:$0x18200] =	vst v63  }
0x1fc: {  	s4 =	sand.u32 $0xFF, s25;
	s30 =	spop (v2sf);
	s2 =	sadd.s32 s3, s23  }
0x1fd: {  	[tilespmem:s17], [sflag:$0x1] =	stream.linear.gather [hbm4b:s2+s26], $0x80, $0x38;
	[tilespmem:$0x18200] =	vst v63  }
0x1fe: {  	s6 =	sand.u32 $0x1FFFF00, s28;
	s31 =	sshrl.u32 s30, $0x2;
	s2 =	sand.u32 $0x1FFFF00, s24  }
0x1ff: {  	s5 =	sand.u32 $0xFF, s30;
	s4 =	sor.u32 s4, s6;
	s2 =	sor.u32 s29, s2  }
0x200: {  	s1 =	sand.u32 $0x1FFFF00, s31;
	s6 =	sadd.s32 $0x800, s13;
	s2 =	sshll.u32 s2, $0x4  }
0x201: {  	s4 =	sshll.u32 s4, $0x4;
	s1 =	sor.u32 s5, s1;
	s2 =	sadd.s32 s3, s2  }
0x202: {  	[tilespmem:s6], [sflag:$0x1] =	stream.linear.gather [hbm4b:s2+s26], $0x80, $0x38;
	[tilespmem:$0x18200] =	vst v63  }
0x203: {  	s8 =	sadd.s32 $0x880, s13;
	s7 =	sadd.s32 s3, s4;
	s1 =	sshll.u32 s1, $0x4  }
0x204: {  	[tilespmem:s8], [sflag:$0x1] =	stream.linear.gather [hbm4b:s7+s26], $0x80, $0x38;
	[tilespmem:$0x18200] =	vst v63  }
0x205: {  	s0 =	sshll.u32 s0, $0x4;
	s9 =	sadd.s32 $0x900, s13;
	s1 =	sadd.s32 s3, s1  }
0x206: {  	[tilespmem:s9], [sflag:$0x1] =	stream.linear.gather [hbm4b:s1+s26], $0x80, $0x38;
	[tilespmem:$0x18200] =	vst v63  }
0x207: {  	s11 =	simm.s32 $0x1;
	s0 =	sadd.s32 s3, s0;
	s10 =	sadd.s32 $0x980, s13  }
0x208: {  	[tilespmem:s10], [sflag:$0x1] =	stream.linear.gather [hbm4b:s0+s26], $0x80, $0x38;
	[tilespmem:$0x18200] =	vst v63  }
0x209: {  	s12 =	simm.s32 $0x100;
	s13 =	simm.s32 $0x0;
	_ =	swait.ge [sflag:s11], $0x8000  }
0x20a: {  	s1 =	sand.u32 $0x70, s13;
	s0 =	sand.u32 $0x180, s12;
	[sflag:s11] =	ssyncset.done $0x0  }
0x20b: {  	s0 =	sor.u32 s1, s0;
	[sflag:s11] =	ssyncadd.s32 $0xFFFF8000  }
0x20c: {  	v0 =	vld [tilespmem:s0+$0x0];
	_ =	sdelay $0x4  }
0x20d: {  	v0 =	vshrl.u32 v0, $0x3  }
0x20e: {  	(v2sf) =	vpush v0, $0x0;
	_ =	sdelay $0xb  }
0x20f: {  	(v2sf) =	vpush v0, $0x1;
	_ =	sdelay $0x2  }
0x210: {  	s14 =	spop (v2sf)  }
0x211: {  	s0 =	sand.u32 $0x60, s14  }
0x212: {  	s0 =	sadd.s32 $0x0, s0  }
0x213: {  	v1 =	vld [tilespmem:s0+$0x200];
	_ =	sdelay $0x3  }
0x214: {  	s13 =	simm.s32 $0x0  }
0x215: {  	[tilespmem:s13+$0x10200] =	vst v1  }
0x216: {  	(v2sf) =	vpush v0, $0x2;
	v1 =	vld [tilespmem:s0+$0x210];
	_ =	sdelay $0x2  }
0x217: {  	s15 =	spop (v2sf)  }
0x218: {  	s0 =	sand.u32 $0x60, s15  }
0x219: {  	s0 =	sadd.s32 $0x0, s0;
	[tilespmem:s13+$0x10210] =	vst v1  }
0x21a: {  	v1 =	vld [tilespmem:s0+$0x280];
	_ =	sdelay $0x4  }
0x21b: {  	[tilespmem:s13+$0x10280] =	vst v1  }
0x21c: {  	(v2sf) =	vpush v0, $0x3;
	v1 =	vld [tilespmem:s0+$0x290];
	_ =	sdelay $0x2  }
0x21d: {  	s16 =	spop (v2sf)  }
0x21e: {  	s0 =	sand.u32 $0x60, s16  }
0x21f: {  	s0 =	sadd.s32 $0x0, s0;
	[tilespmem:s13+$0x10290] =	vst v1  }
0x220: {  	v1 =	vld [tilespmem:s0+$0x300];
	_ =	sdelay $0x4  }
0x221: {  	[tilespmem:s13+$0x10300] =	vst v1  }
0x222: {  	(v2sf) =	vpush v0, $0x4;
	v1 =	vld [tilespmem:s0+$0x310];
	_ =	sdelay $0x2  }
0x223: {  	s17 =	spop (v2sf)  }
0x224: {  	s0 =	sand.u32 $0x60, s17  }
0x225: {  	s0 =	sadd.s32 $0x0, s0;
	[tilespmem:s13+$0x10310] =	vst v1  }
0x226: {  	v1 =	vld [tilespmem:s0+$0x380];
	_ =	sdelay $0x4  }
0x227: {  	[tilespmem:s13+$0x10380] =	vst v1  }
0x228: {  	(v2sf) =	vpush v0, $0x5;
	v1 =	vld [tilespmem:s0+$0x390];
	_ =	sdelay $0x2  }
0x229: {  	s18 =	spop (v2sf)  }
0x22a: {  	s0 =	sand.u32 $0x60, s18  }
0x22b: {  	s0 =	sadd.s32 $0x0, s0;
	[tilespmem:s13+$0x10390] =	vst v1  }
0x22c: {  	v1 =	vld [tilespmem:s0+$0x400];
	_ =	sdelay $0x4  }
0x22d: {  	[tilespmem:s13+$0x10400] =	vst v1  }
0x22e: {  	(v2sf) =	vpush v0, $0x6;
	v1 =	vld [tilespmem:s0+$0x410];
	_ =	sdelay $0x2  }
0x22f: {  	s19 =	spop (v2sf)  }
0x230: {  	s0 =	sand.u32 $0x60, s19  }
0x231: {  	s0 =	sadd.s32 $0x0, s0;
	[tilespmem:s13+$0x10410] =	vst v1  }
0x232: {  	v1 =	vld [tilespmem:s0+$0x480];
	_ =	sdelay $0x4  }
0x233: {  	[tilespmem:s13+$0x10480] =	vst v1  }
0x234: {  	(v2sf) =	vpush v0, $0x7;
	v1 =	vld [tilespmem:s0+$0x490];
	_ =	sdelay $0x2  }
0x235: {  	s20 =	spop (v2sf)  }
0x236: {  	s0 =	sand.u32 $0x60, s20  }
0x237: {  	s0 =	sadd.s32 $0x0, s0;
	[tilespmem:s13+$0x10490] =	vst v1  }
0x238: {  	v1 =	vld [tilespmem:s0+$0x500];
	_ =	sdelay $0x4  }
0x239: {  	[tilespmem:s13+$0x10500] =	vst v1  }
0x23a: {  	(v2sf) =	vpush v0, $0x8;
	v1 =	vld [tilespmem:s0+$0x510];
	_ =	sdelay $0x2  }
0x23b: {  	s21 =	spop (v2sf)  }
0x23c: {  	s0 =	sand.u32 $0x60, s21  }
0x23d: {  	s0 =	sadd.s32 $0x0, s0;
	[tilespmem:s13+$0x10510] =	vst v1  }
0x23e: {  	v1 =	vld [tilespmem:s0+$0x580];
	_ =	sdelay $0x4  }
0x23f: {  	[tilespmem:s13+$0x10580] =	vst v1  }
0x240: {  	(v2sf) =	vpush v0, $0x9;
	v1 =	vld [tilespmem:s0+$0x590];
	_ =	sdelay $0x2  }
0x241: {  	s22 =	spop (v2sf)  }
0x242: {  	s0 =	sand.u32 $0x60, s22  }
0x243: {  	s0 =	sadd.s32 $0x0, s0;
	[tilespmem:s13+$0x10590] =	vst v1  }
0x244: {  	v1 =	vld [tilespmem:s0+$0x600];
	_ =	sdelay $0x4  }
0x245: {  	[tilespmem:s13+$0x10600] =	vst v1  }
0x246: {  	(v2sf) =	vpush v0, $0xA;
	v1 =	vld [tilespmem:s0+$0x610];
	_ =	sdelay $0x2  }
0x247: {  	s23 =	spop (v2sf)  }
0x248: {  	s0 =	sand.u32 $0x60, s23  }
0x249: {  	s0 =	sadd.s32 $0x0, s0;
	[tilespmem:s13+$0x10610] =	vst v1  }
0x24a: {  	v1 =	vld [tilespmem:s0+$0x680];
	_ =	sdelay $0x4  }
0x24b: {  	[tilespmem:s13+$0x10680] =	vst v1  }
0x24c: {  	(v2sf) =	vpush v0, $0xB;
	v1 =	vld [tilespmem:s0+$0x690];
	_ =	sdelay $0x2  }
0x24d: {  	s24 =	spop (v2sf)  }
0x24e: {  	s0 =	sand.u32 $0x60, s24  }
0x24f: {  	s0 =	sadd.s32 $0x0, s0;
	[tilespmem:s13+$0x10690] =	vst v1  }
0x250: {  	v1 =	vld [tilespmem:s0+$0x700];
	_ =	sdelay $0x4  }
0x251: {  	[tilespmem:s13+$0x10700] =	vst v1  }
0x252: {  	(v2sf) =	vpush v0, $0xC;
	v1 =	vld [tilespmem:s0+$0x710];
	_ =	sdelay $0x2  }
0x253: {  	s25 =	spop (v2sf)  }
0x254: {  	s0 =	sand.u32 $0x60, s25  }
0x255: {  	s0 =	sadd.s32 $0x0, s0;
	[tilespmem:s13+$0x10710] =	vst v1  }
0x256: {  	v1 =	vld [tilespmem:s0+$0x780];
	_ =	sdelay $0x4  }
0x257: {  	[tilespmem:s13+$0x10780] =	vst v1  }
0x258: {  	(v2sf) =	vpush v0, $0xD;
	v1 =	vld [tilespmem:s0+$0x790];
	_ =	sdelay $0x2  }
0x259: {  	s26 =	spop (v2sf)  }
0x25a: {  	s0 =	sand.u32 $0x60, s26  }
0x25b: {  	s0 =	sadd.s32 $0x0, s0;
	[tilespmem:s13+$0x10790] =	vst v1  }
0x25c: {  	v1 =	vld [tilespmem:s0+$0x800];
	_ =	sdelay $0x4  }
0x25d: {  	[tilespmem:s13+$0x10800] =	vst v1  }
0x25e: {  	(v2sf) =	vpush v0, $0xE;
	v1 =	vld [tilespmem:s0+$0x810];
	_ =	sdelay $0x2  }
0x25f: {  	s28 =	spop (v2sf)  }
0x260: {  	s0 =	sand.u32 $0x60, s28  }
0x261: {  	s0 =	sadd.s32 $0x0, s0;
	[tilespmem:s13+$0x10810] =	vst v1  }
0x262: {  	v1 =	vld [tilespmem:s0+$0x880];
	_ =	sdelay $0x4  }
0x263: {  	[tilespmem:s13+$0x10880] =	vst v1  }
0x264: {  	(v2sf) =	vpush v0, $0xF;
	v0 =	vld [tilespmem:s0+$0x890];
	_ =	sdelay $0x2  }
0x265: {  	s29 =	spop (v2sf)  }
0x266: {  	s0 =	sand.u32 $0x60, s29  }
0x267: {  	s0 =	sadd.s32 $0x0, s0;
	[tilespmem:s13+$0x10890] =	vst v0  }
0x268: {  	v0 =	vld [tilespmem:s0+$0x900];
	_ =	sdelay $0x4  }
0x269: {  	[tilespmem:s13+$0x10900] =	vst v0  }
0x26a: {  	v0 =	vld [tilespmem:s0+$0x910];
	_ =	sdelay $0x2  }
0x26b: {  	s30 =	spop (v2sf)  }
0x26c: {  	s0 =	sand.u32 $0x60, s30  }
0x26d: {  	s0 =	sadd.s32 $0x0, s0;
	[tilespmem:s13+$0x10910] =	vst v0  }
0x26e: {  	v0 =	vld [tilespmem:s0+$0x980];
	_ =	sdelay $0x4  }
0x26f: {  	[tilespmem:s13+$0x10980] =	vst v0  }
0x270: {  	v0 =	vld [tilespmem:s0+$0x990]  }
0x271: {  	s31 =	simm.s32 $0x10  }
0x272: {  	s9 =	simm.s32 $0x0;
	s1 =	sand.u32 $0x70, s31;
	s15 =	simm.s32 $0x110  }
0x273: {  	s14 =	simm.s32 $0x2000;
	s16 =	simm.s32 $0x4000;
	s0 =	sand.u32 $0x180, s15  }
.LBB2_8:
0x274: {  	p0 =	sne.s32 s16, $0x1E000  }
0x275: {  	s0 =	sor.u32 s1, s0;
	[tilespmem:s13+$0x10990] =	vst v0;
	s1 =	smov.u32 s16;
	s16 =	sadd.s32 $0x2000, s16  }
0x276: {  	v0 =	vld [tilespmem:s0+$0x0];
	_ =	sdelay $0x4  }
0x277: {  	v0 =	vshrl.u32 v0, $0x3  }
0x278: {  	(v2sf) =	vpush v0, $0x0  }
0x279: {  	(v2sf) =	vpush v0, $0x1  }
0x27a: {  	(v2sf) =	vpush v0, $0x2  }
0x27b: {  	(v2sf) =	vpush v0, $0x3  }
0x27c: {  	(v2sf) =	vpush v0, $0x4  }
0x27d: {  	(v2sf) =	vpush v0, $0x5  }
0x27e: {  	(v2sf) =	vpush v0, $0x6  }
0x27f: {  	(v2sf) =	vpush v0, $0x7  }
0x280: {  	(v2sf) =	vpush v0, $0x8  }
0x281: {  	(v2sf) =	vpush v0, $0x9  }
0x282: {  	(v2sf) =	vpush v0, $0xA  }
0x283: {  	(v2sf) =	vpush v0, $0xB  }
0x284: {  	(v2sf) =	vpush v0, $0xC  }
0x285: {  	(v2sf) =	vpush v0, $0xD  }
0x286: {  	(v2sf) =	vpush v0, $0xE  }
0x287: {  	s0 =	spop (v2sf);
	(v2sf) =	vpush v0, $0xF  }
0x288: {  	s13 =	sshra.s32 s14, $0x2;
	s0 =	sand.u32 $0x60, s0;
	s2 =	spop (v2sf)  }
0x289: {  	s5 =	sadd.s32 s13, s0;
	s2 =	sand.u32 $0x60, s2;
	s0 =	spop (v2sf)  }
0x28a: {  	s14 =	smov.u32 s1;
	v0 =	vld [tilespmem:s5+$0x200];
	s6 =	sand.u32 $0x60, s0;
	s0 =	spop (v2sf)  }
0x28b: {  	s4 =	sand.u32 $0x60, s0;
	s0 =	spop (v2sf)  }
0x28c: {  	s7 =	sand.u32 $0x60, s0;
	s0 =	spop (v2sf)  }
0x28d: {  	s1 =	sand.u32 $0x60, s0;
	s0 =	spop (v2sf)  }
0x28e: {  	s0 =	sand.u32 $0x60, s0;
	s8 =	spop (v2sf)  }
0x28f: {  	[tilespmem:s13+$0x10200] =	vst v0;
	s25 =	sand.u32 $0x60, s8;
	s8 =	spop (v2sf)  }
0x290: {  	v0 =	vld [tilespmem:s5+$0x210];
	s24 =	sand.u32 $0x60, s8;
	s5 =	spop (v2sf)  }
0x291: {  	s23 =	sand.u32 $0x60, s5;
	s5 =	spop (v2sf)  }
0x292: {  	s22 =	sand.u32 $0x60, s5;
	s5 =	spop (v2sf)  }
0x293: {  	s21 =	sand.u32 $0x60, s5;
	s5 =	spop (v2sf)  }
0x294: {  	s20 =	sand.u32 $0x60, s5;
	s5 =	spop (v2sf)  }
0x295: {  	s2 =	sadd.s32 s13, s2;
	[tilespmem:s13+$0x10210] =	vst v0;
	s19 =	sand.u32 $0x60, s5;
	s5 =	spop (v2sf)  }
0x296: {  	v0 =	vld [tilespmem:s2+$0x280];
	s18 =	sand.u32 $0x60, s5;
	s5 =	spop (v2sf)  }
0x297: {  	s17 =	sand.u32 $0x60, s5;
	_ =	sdelay $0x3  }
0x298: {  	[tilespmem:s13+$0x10280] =	vst v0  }
0x299: {  	v0 =	vld [tilespmem:s2+$0x290];
	_ =	sdelay $0x4  }
0x29a: {  	s2 =	sadd.s32 s13, s6;
	[tilespmem:s13+$0x10290] =	vst v0  }
0x29b: {  	v0 =	vld [tilespmem:s2+$0x300];
	_ =	sdelay $0x4  }
0x29c: {  	[tilespmem:s13+$0x10300] =	vst v0  }
0x29d: {  	v0 =	vld [tilespmem:s2+$0x310];
	_ =	sdelay $0x4  }
0x29e: {  	s2 =	sadd.s32 s13, s4;
	[tilespmem:s13+$0x10310] =	vst v0  }
0x29f: {  	v0 =	vld [tilespmem:s2+$0x380];
	_ =	sdelay $0x4  }
0x2a0: {  	[tilespmem:s13+$0x10380] =	vst v0  }
0x2a1: {  	v0 =	vld [tilespmem:s2+$0x390];
	_ =	sdelay $0x4  }
0x2a2: {  	s2 =	sadd.s32 s13, s7;
	[tilespmem:s13+$0x10390] =	vst v0  }
0x2a3: {  	v0 =	vld [tilespmem:s2+$0x400];
	_ =	sdelay $0x4  }
0x2a4: {  	[tilespmem:s13+$0x10400] =	vst v0  }
0x2a5: {  	v0 =	vld [tilespmem:s2+$0x410];
	_ =	sdelay $0x4  }
0x2a6: {  	s1 =	sadd.s32 s13, s1;
	[tilespmem:s13+$0x10410] =	vst v0  }
0x2a7: {  	v0 =	vld [tilespmem:s1+$0x480];
	_ =	sdelay $0x4  }
0x2a8: {  	[tilespmem:s13+$0x10480] =	vst v0  }
0x2a9: {  	v0 =	vld [tilespmem:s1+$0x490];
	_ =	sdelay $0x4  }
0x2aa: {  	s0 =	sadd.s32 s13, s0;
	[tilespmem:s13+$0x10490] =	vst v0  }
0x2ab: {  	v0 =	vld [tilespmem:s0+$0x500];
	_ =	sdelay $0x4  }
0x2ac: {  	[tilespmem:s13+$0x10500] =	vst v0  }
0x2ad: {  	v0 =	vld [tilespmem:s0+$0x510];
	_ =	sdelay $0x4  }
0x2ae: {  	s0 =	sadd.s32 s13, s25;
	[tilespmem:s13+$0x10510] =	vst v0  }
0x2af: {  	v0 =	vld [tilespmem:s0+$0x580];
	_ =	sdelay $0x4  }
0x2b0: {  	[tilespmem:s13+$0x10580] =	vst v0  }
0x2b1: {  	v0 =	vld [tilespmem:s0+$0x590];
	_ =	sdelay $0x4  }
0x2b2: {  	s0 =	sadd.s32 s13, s24;
	[tilespmem:s13+$0x10590] =	vst v0  }
0x2b3: {  	v0 =	vld [tilespmem:s0+$0x600];
	_ =	sdelay $0x4  }
0x2b4: {  	[tilespmem:s13+$0x10600] =	vst v0  }
0x2b5: {  	v0 =	vld [tilespmem:s0+$0x610];
	_ =	sdelay $0x4  }
0x2b6: {  	s0 =	sadd.s32 s13, s23;
	[tilespmem:s13+$0x10610] =	vst v0  }
0x2b7: {  	v0 =	vld [tilespmem:s0+$0x680];
	_ =	sdelay $0x4  }
0x2b8: {  	[tilespmem:s13+$0x10680] =	vst v0  }
0x2b9: {  	v0 =	vld [tilespmem:s0+$0x690];
	_ =	sdelay $0x4  }
0x2ba: {  	s0 =	sadd.s32 s13, s22;
	[tilespmem:s13+$0x10690] =	vst v0  }
0x2bb: {  	v0 =	vld [tilespmem:s0+$0x700];
	_ =	sdelay $0x4  }
0x2bc: {  	[tilespmem:s13+$0x10700] =	vst v0  }
0x2bd: {  	v0 =	vld [tilespmem:s0+$0x710];
	_ =	sdelay $0x4  }
0x2be: {  	s0 =	sadd.s32 s13, s21;
	[tilespmem:s13+$0x10710] =	vst v0  }
0x2bf: {  	v0 =	vld [tilespmem:s0+$0x780];
	_ =	sdelay $0x4  }
0x2c0: {  	[tilespmem:s13+$0x10780] =	vst v0  }
0x2c1: {  	v0 =	vld [tilespmem:s0+$0x790];
	_ =	sdelay $0x4  }
0x2c2: {  	s0 =	sadd.s32 s13, s20;
	[tilespmem:s13+$0x10790] =	vst v0  }
0x2c3: {  	v0 =	vld [tilespmem:s0+$0x800];
	_ =	sdelay $0x4  }
0x2c4: {  	[tilespmem:s13+$0x10800] =	vst v0  }
0x2c5: {  	v0 =	vld [tilespmem:s0+$0x810];
	_ =	sdelay $0x4  }
0x2c6: {  	s0 =	sadd.s32 s13, s19;
	[tilespmem:s13+$0x10810] =	vst v0  }
0x2c7: {  	v0 =	vld [tilespmem:s0+$0x880];
	_ =	sdelay $0x4  }
0x2c8: {  	[tilespmem:s13+$0x10880] =	vst v0  }
0x2c9: {  	v0 =	vld [tilespmem:s0+$0x890];
	_ =	sdelay $0x4  }
0x2ca: {  	s0 =	sadd.s32 s13, s18;
	[tilespmem:s13+$0x10890] =	vst v0  }
0x2cb: {  	v0 =	vld [tilespmem:s0+$0x900];
	_ =	sdelay $0x4  }
0x2cc: {  	[tilespmem:s13+$0x10900] =	vst v0  }
0x2cd: {  	v0 =	vld [tilespmem:s0+$0x910];
	_ =	sdelay $0x4  }
0x2ce: {  	s0 =	sadd.s32 s13, s17;
	[tilespmem:s13+$0x10910] =	vst v0  }
0x2cf: {  	v0 =	vld [tilespmem:s0+$0x980];
	_ =	sdelay $0x4  }
0x2d0: {  	[tilespmem:s13+$0x10980] =	vst v0  }
.Ltmp3:
0x2d1: {  	v0 =	vld [tilespmem:s0+$0x990];
	(pc) =	sbr.rel @p0 .LBB2_8-.Ltmp3, $4  }
0x2d2: {  	_ = 	snop  }
0x2d3: {  	s15 =	sadd.s32 $0x10, s15  }
0x2d4: {  	s1 =	sadd.s32 $0xFFFFFF00, s15  }
0x2d5: {  	s1 =	sand.u32 $0x70, s1;
	s0 =	sand.u32 $0x180, s15  }
0x2d6: {  	s0 =	sor.u32 s1, s0;
	[tilespmem:s13+$0x10990] =	vst v0  }
0x2d7: {  	v0 =	vld [tilespmem:s0+$0x0];
	_ =	sdelay $0x4  }
0x2d8: {  	v0 =	vshrl.u32 v0, $0x3  }
0x2d9: {  	(v2sf) =	vpush v0, $0x0;
	_ =	sdelay $0xb  }
0x2da: {  	(v2sf) =	vpush v0, $0x1;
	_ =	sdelay $0x2  }
0x2db: {  	s8 =	spop (v2sf)  }
0x2dc: {  	s10 =	sshra.s32 s14, $0x2;
	s0 =	sand.u32 $0x60, s8  }
0x2dd: {  	s0 =	sadd.s32 s10, s0  }
0x2de: {  	v1 =	vld [tilespmem:s0+$0x200];
	_ =	sdelay $0x4  }
0x2df: {  	[tilespmem:s10+$0x10200] =	vst v1  }
0x2e0: {  	(v2sf) =	vpush v0, $0x2;
	v1 =	vld [tilespmem:s0+$0x210];
	_ =	sdelay $0x2  }
0x2e1: {  	s11 =	spop (v2sf)  }
0x2e2: {  	s0 =	sand.u32 $0x60, s11  }
0x2e3: {  	s0 =	sadd.s32 s10, s0;
	[tilespmem:s10+$0x10210] =	vst v1  }
0x2e4: {  	v1 =	vld [tilespmem:s0+$0x280];
	_ =	sdelay $0x4  }
0x2e5: {  	[tilespmem:s10+$0x10280] =	vst v1  }
0x2e6: {  	(v2sf) =	vpush v0, $0x3;
	v1 =	vld [tilespmem:s0+$0x290];
	_ =	sdelay $0x2  }
0x2e7: {  	s12 =	spop (v2sf)  }
0x2e8: {  	s0 =	sand.u32 $0x60, s12  }
0x2e9: {  	s0 =	sadd.s32 s10, s0;
	[tilespmem:s10+$0x10290] =	vst v1  }
0x2ea: {  	v1 =	vld [tilespmem:s0+$0x300];
	_ =	sdelay $0x4  }
0x2eb: {  	[tilespmem:s10+$0x10300] =	vst v1  }
0x2ec: {  	(v2sf) =	vpush v0, $0x4;
	v1 =	vld [tilespmem:s0+$0x310];
	_ =	sdelay $0x2  }
0x2ed: {  	s14 =	spop (v2sf)  }
0x2ee: {  	s0 =	sand.u32 $0x60, s14  }
0x2ef: {  	s0 =	sadd.s32 s10, s0;
	[tilespmem:s10+$0x10310] =	vst v1  }
0x2f0: {  	v1 =	vld [tilespmem:s0+$0x380];
	_ =	sdelay $0x4  }
0x2f1: {  	[tilespmem:s10+$0x10380] =	vst v1  }
0x2f2: {  	(v2sf) =	vpush v0, $0x5;
	v1 =	vld [tilespmem:s0+$0x390];
	_ =	sdelay $0x2  }
0x2f3: {  	s15 =	spop (v2sf)  }
0x2f4: {  	s0 =	sand.u32 $0x60, s15  }
0x2f5: {  	s0 =	sadd.s32 s10, s0;
	[tilespmem:s10+$0x10390] =	vst v1  }
0x2f6: {  	v1 =	vld [tilespmem:s0+$0x400];
	_ =	sdelay $0x4  }
0x2f7: {  	[tilespmem:s10+$0x10400] =	vst v1  }
0x2f8: {  	(v2sf) =	vpush v0, $0x6;
	v1 =	vld [tilespmem:s0+$0x410];
	_ =	sdelay $0x2  }
0x2f9: {  	s16 =	spop (v2sf)  }
0x2fa: {  	s0 =	sand.u32 $0x60, s16  }
0x2fb: {  	s0 =	sadd.s32 s10, s0;
	[tilespmem:s10+$0x10410] =	vst v1  }
0x2fc: {  	v1 =	vld [tilespmem:s0+$0x480];
	_ =	sdelay $0x4  }
0x2fd: {  	[tilespmem:s10+$0x10480] =	vst v1  }
0x2fe: {  	(v2sf) =	vpush v0, $0x7;
	v1 =	vld [tilespmem:s0+$0x490];
	_ =	sdelay $0x2  }
0x2ff: {  	s17 =	spop (v2sf)  }
0x300: {  	s0 =	sand.u32 $0x60, s17  }
0x301: {  	s0 =	sadd.s32 s10, s0;
	[tilespmem:s10+$0x10490] =	vst v1  }
0x302: {  	v1 =	vld [tilespmem:s0+$0x500];
	_ =	sdelay $0x4  }
0x303: {  	[tilespmem:s10+$0x10500] =	vst v1  }
0x304: {  	(v2sf) =	vpush v0, $0x8;
	v1 =	vld [tilespmem:s0+$0x510];
	_ =	sdelay $0x2  }
0x305: {  	s18 =	spop (v2sf)  }
0x306: {  	s0 =	sand.u32 $0x60, s18  }
0x307: {  	s0 =	sadd.s32 s10, s0;
	[tilespmem:s10+$0x10510] =	vst v1  }
0x308: {  	v1 =	vld [tilespmem:s0+$0x580];
	_ =	sdelay $0x4  }
0x309: {  	[tilespmem:s10+$0x10580] =	vst v1  }
0x30a: {  	(v2sf) =	vpush v0, $0x9;
	v1 =	vld [tilespmem:s0+$0x590];
	_ =	sdelay $0x2  }
0x30b: {  	s19 =	spop (v2sf)  }
0x30c: {  	s0 =	sand.u32 $0x60, s19  }
0x30d: {  	s0 =	sadd.s32 s10, s0;
	[tilespmem:s10+$0x10590] =	vst v1  }
0x30e: {  	v1 =	vld [tilespmem:s0+$0x600];
	_ =	sdelay $0x4  }
0x30f: {  	[tilespmem:s10+$0x10600] =	vst v1  }
0x310: {  	(v2sf) =	vpush v0, $0xA;
	v1 =	vld [tilespmem:s0+$0x610];
	_ =	sdelay $0x2  }
0x311: {  	s20 =	spop (v2sf)  }
0x312: {  	s0 =	sand.u32 $0x60, s20  }
0x313: {  	s0 =	sadd.s32 s10, s0;
	[tilespmem:s10+$0x10610] =	vst v1  }
0x314: {  	v1 =	vld [tilespmem:s0+$0x680];
	_ =	sdelay $0x4  }
0x315: {  	[tilespmem:s10+$0x10680] =	vst v1  }
0x316: {  	(v2sf) =	vpush v0, $0xB;
	v1 =	vld [tilespmem:s0+$0x690];
	_ =	sdelay $0x2  }
0x317: {  	s21 =	spop (v2sf)  }
0x318: {  	s0 =	sand.u32 $0x60, s21  }
0x319: {  	s0 =	sadd.s32 s10, s0;
	[tilespmem:s10+$0x10690] =	vst v1  }
0x31a: {  	v1 =	vld [tilespmem:s0+$0x700];
	_ =	sdelay $0x4  }
0x31b: {  	[tilespmem:s10+$0x10700] =	vst v1  }
0x31c: {  	(v2sf) =	vpush v0, $0xC;
	v1 =	vld [tilespmem:s0+$0x710];
	_ =	sdelay $0x2  }
0x31d: {  	s22 =	spop (v2sf)  }
0x31e: {  	s0 =	sand.u32 $0x60, s22  }
0x31f: {  	s0 =	sadd.s32 s10, s0;
	[tilespmem:s10+$0x10710] =	vst v1  }
0x320: {  	v1 =	vld [tilespmem:s0+$0x780];
	_ =	sdelay $0x4  }
0x321: {  	[tilespmem:s10+$0x10780] =	vst v1  }
0x322: {  	(v2sf) =	vpush v0, $0xD;
	v1 =	vld [tilespmem:s0+$0x790];
	_ =	sdelay $0x2  }
0x323: {  	s23 =	spop (v2sf)  }
0x324: {  	s0 =	sand.u32 $0x60, s23  }
0x325: {  	s0 =	sadd.s32 s10, s0;
	[tilespmem:s10+$0x10790] =	vst v1  }
0x326: {  	v1 =	vld [tilespmem:s0+$0x800];
	_ =	sdelay $0x4  }
0x327: {  	[tilespmem:s10+$0x10800] =	vst v1  }
0x328: {  	(v2sf) =	vpush v0, $0xE;
	v1 =	vld [tilespmem:s0+$0x810];
	_ =	sdelay $0x2  }
0x329: {  	s24 =	spop (v2sf)  }
0x32a: {  	s0 =	sand.u32 $0x60, s24  }
0x32b: {  	s0 =	sadd.s32 s10, s0;
	[tilespmem:s10+$0x10810] =	vst v1  }
0x32c: {  	v1 =	vld [tilespmem:s0+$0x880];
	_ =	sdelay $0x4  }
0x32d: {  	[tilespmem:s10+$0x10880] =	vst v1  }
0x32e: {  	(v2sf) =	vpush v0, $0xF;
	v63 =	vld [tilespmem:s0+$0x890];
	_ =	sdelay $0x2  }
0x32f: {  	s25 =	spop (v2sf)  }
0x330: {  	s0 =	sand.u32 $0x60, s25  }
0x331: {  	s0 =	sadd.s32 s10, s0;
	[tilespmem:s10+$0x10890] =	vst v63  }
0x332: {  	v0 =	vld [tilespmem:s0+$0x900];
	_ =	sdelay $0x4  }
0x333: {  	[tilespmem:s10+$0x10900] =	vst v0  }
0x334: {  	v0 =	vld [tilespmem:s0+$0x910];
	_ =	sdelay $0x2  }
0x335: {  	s26 =	spop (v2sf)  }
0x336: {  	s0 =	sand.u32 $0x60, s26  }
0x337: {  	s0 =	sadd.s32 s10, s0;
	[tilespmem:s10+$0x10910] =	vst v0  }
0x338: {  	v0 =	vld [tilespmem:s0+$0x980];
	_ =	sdelay $0x4  }
0x339: {  	[tilespmem:s10+$0x10980] =	vst v0  }
0x33a: {  	v0 =	vld [tilespmem:s0+$0x990];
	_ =	sdelay $0x4  }
0x33b: {  	s28 =	rddreg [dreg:$0xe];
	s29 =	simm.s32 $0x8200;
	s4 =	simm.s32 $0x2;
	[tilespmem:s10+$0x10990] =	vst v0  }
0x33c: {  	[hbm4b:s28+s9] =	stream.linear.scatter [tilespmem:s29], [sflag:$0x2], $0x10000, $0x38;
	[tilespmem:$0x18200] =	vst v63  }
0x33d: {  	_ =	swait.ge [sflag:s4], $0x10000  }
0x33e: {  	s30 =	rddreg [dreg:$0x10]  }
0x33f: {  	s31 =	rddreg [dreg:$0xf];
	s1 =	sadd.s32 $0x1, s30  }
0x340: {  	p0 =	sne.s32 s1, s31  }
.Ltmp4:
0x341: {  	_ = 	snop;
	(pc) =	sbr.rel @p0 .LBB2_1-.Ltmp4, $3  }
0x342: {  	_ =	sdelay $0x1  }
0x343: {  	[sflag:s4] =	ssyncset.done $0x0  }
0x344: {  	[sflag:s4] =	ssyncadd.s32 $0xFFFF0000  }
0x345: {  	_ =	sfence.sel $0x180000  }
0x346: {  	[bflag:$0x0] =	sbarrier.arrive $0xFFFF  }
0x347: {  	_ =	strace $0x90000047  }
0x348: {  	s0 =	stileid.u32;
	[bflag:$0x2] =	sbarrier.arrive $0xFFFF  }
0x349: {  	p0 =	sne.s32 s0, $0x0;
	s0 =	rddreg [dreg:$0x2]  }
0x34a: {  	s0 =	sadd.s32 @!p0 $0x100000, s0  }
0x34b: {  	[sflag:s0] =	ssyncadd.tile.s32 @!p0 $0x1;
	_ =	shalt  }
.Lfunc_end2:
_tile_overlayer_lowered:
.L_overlay_start_2:
0x34c: {  	(tag) =	ssettag $0x2  }
0x34d: {  	s0 =	rddreg [dreg:$0x0];
	s2 =	stileid.u32  }
0x34e: {  	s1 =	rddreg [dreg:$0x1];
	p0 =	sne.s32 s2, $0x0  }
0x34f: {  	s3 =	rddreg [dreg:$0x2];
	[bflag:$0x3] =	sbarrier.arrive $0xFFFF;
	s2 =	simm.s32 @!p0 $0x1C02  }
0x350: {  	[timem:s3], [sflag:s2] =	dma.local @!p0 [hbm:s0], s1  }
0x351: {  	s0 =	simm.s32 @!p0 $0x2  }
0x352: {  	_ =	swait.ge @!p0 [sflag:s0], s1  }
0x353: {  	s1 =	ssub.s32 @!p0 $0x0, s1;
	[sflag:s0] =	ssyncset.done @!p0 $0x0  }
0x354: {  	[sflag:s0] =	ssyncadd.s32 @!p0 s1  }
0x355: {  	[bflag:$0x3] =	sbarrier.arrive $0xFFFF  }
0x356: {  	_ =	shalt  }

</sc_bundles>
